<compile_context>
chip_gen: v7x
topology: tpu7x:2x2x1
jax: 0.10.2.dev20260603
libtpu: 0.0.44.dev20260713+nightly
codegen_flags: <defaults>
</compile_context>

<pallas_src>
import functools

import jax
import jax.numpy as jnp
from jax import lax
from jax.experimental import pallas as pl
from jax.experimental.pallas import tpu as pltpu
from jax.experimental.pallas import tpu_sc as plsc

VOCAB = 1000000
EMBED = 64
BATCH = 16384
MAXTXT = 50
MAXPAD = 56
B_TOTAL = BATCH * MAXTXT
NW = 32
BPW = BATCH // NW
NBUF = 8
NROUND = BPW // NBUF
OUT_ROWS = BATCH * MAXPAD


@functools.partial(
    pl.kernel,
    mesh=plsc.VectorSubcoreMesh(core_axis_name="c", subcore_axis_name="s"),
    out_type=jax.ShapeDtypeStruct((OUT_ROWS, 128), jnp.float32),
    scratch_types=[
        pltpu.VMEM((BPW, MAXTXT), jnp.int32),
        pltpu.VMEM((NBUF, MAXTXT, EMBED), jnp.float32),
        pltpu.SemaphoreType.DMA((NBUF,)),
        pltpu.SemaphoreType.DMA((NBUF,)),
    ],
    compiler_params=pltpu.CompilerParams(use_tc_tiling_on_sc=False),
)
def _gather_kernel(table_hbm, idx_hbm, out_hbm, idx_v, rows_v, sem_g, sem_o):
    wid = lax.axis_index("s") * 2 + lax.axis_index("c")
    b0 = wid * BPW

    pltpu.sync_copy(idx_hbm.at[pl.ds(b0, BPW)], idx_v)

    def fire(c, b):
        pltpu.async_copy(table_hbm.at[idx_v.at[c]], rows_v.at[b], sem_g.at[b])

    def wait_gather(b):
        pltpu.make_async_copy(
            table_hbm.at[pl.ds(0, MAXTXT)], rows_v.at[b], sem_g.at[b]
        ).wait()

    def store(c, b):
        pltpu.async_copy(
            rows_v.at[b],
            out_hbm.at[pl.ds((b0 + c) * MAXPAD, MAXTXT), pl.ds(0, EMBED)],
            sem_o.at[b],
        )

    def wait_store(b):
        pltpu.make_async_copy(
            table_hbm.at[pl.ds(0, MAXTXT)], rows_v.at[b], sem_o.at[b]
        ).wait()

    for b in range(4):
        fire(b, b)

    def slot(c, b, do_retire, do_fire):
        wait_gather(b)
        store(c, b)
        b2 = (b + 4) % NBUF
        if do_retire:
            wait_store(b2)
        if do_fire:
            fire(c + 4, b2)

    for b in range(NBUF):
        slot(b, b, do_retire=b >= 4, do_fire=True)

    def round_body(r, carry):
        c0 = r * NBUF
        for b in range(NBUF):
            slot(c0 + b, b, do_retire=True, do_fire=True)
        return carry

    lax.fori_loop(1, NROUND - 1, round_body, 0)

    c0 = (NROUND - 1) * NBUF
    for b in range(NBUF):
        slot(c0 + b, b, do_retire=True, do_fire=b < 4)

    for b in range(4, NBUF):
        wait_store(b)


TR_COLS = 8192


def _transpose_body(x_ref, o_ref):
    x = x_ref[...]
    y = jnp.transpose(x)
    y = y.reshape(TR_COLS // 2, 2, EMBED)
    o_ref[...] = jnp.concatenate([y[:, 0, :], y[:, 1, :]], axis=1)


_transpose_table = pl.pallas_call(
    _transpose_body,
    grid=((VOCAB + TR_COLS - 1) // TR_COLS,),
    in_specs=[pl.BlockSpec((EMBED, TR_COLS), lambda j: (0, j))],
    out_specs=pl.BlockSpec((TR_COLS // 2, 2 * EMBED), lambda j: (j, 0)),
    out_shape=jax.ShapeDtypeStruct((VOCAB // 2, 2 * EMBED), jnp.float32),
)


def kernel(index, table):
    table_rm = _transpose_table(jnp.swapaxes(table, 0, 1))
    out_pad = _gather_kernel(table_rm.reshape(VOCAB, EMBED), index)
    out = out_pad.reshape(BATCH, MAXPAD, 128)[:, :MAXTXT, :EMBED]
    return out

# --- scband reference (transcript-rebuilt; emitter-appended) ---
"""Pipeline reference for scband-text-embedding-20280835572007 (READ-ONLY COPY).

The authoritative reference and input builder live on the scoring server;
editing this copy changes nothing except your own understanding.
"""

import jax, jax.numpy as jnp
import numpy as np

VOCAB = 1000000
EMBED = 64
BATCH = 16384
MAXTXT = 50

def setup_inputs(seed: int = 0) -> dict:
    key = jax.random.key(seed)
    k_idx, k_tab = jax.random.split(key)
    index = jax.random.randint(k_idx, (BATCH, MAXTXT), 0, VOCAB, dtype=jnp.int64 if jax.config.jax_enable_x64 else jnp.int32)
    table = jax.random.normal(k_tab, (VOCAB, EMBED), dtype=jnp.float32)
    # padding_idx=0 -> row 0 is zeros, as in nn.Embedding(padding_idx=0)
    table = table.at[0].set(0.0)
    return {"index": index, "table": table}

def reference(index, table):
    # nn.Embedding forward: gather rows of the table
    return jnp.take(table, index, axis=0)

if __name__ == "__main__":
    import jax
    _d = setup_inputs()
    print(jax.jit(kernel)(*tuple(_d.values())))

</pallas_src>

<mosaic_0001>
#map = affine_map<(d0, d1) -> (0, 0)>
module attributes {stable_mosaic.version = 14 : i64} {
  func.func @_gather_kernel(%arg0: i32, %arg1: i32, %arg2: memref<1000000x64xf32, #tpu.memory_space<hbm>>, %arg3: memref<16384x50xi32, #tpu.memory_space<hbm>>, %arg4: memref<917504x128xf32, #tpu.memory_space<hbm>>, %arg5: memref<512x50xi32, #tpu.memory_space<vmem>>, %arg6: memref<8x50x64xf32, #tpu.memory_space<vmem>>, %arg7: memref<8x!tpu.dma_semaphore, #tpu.memory_space<semaphore_mem>>, %arg8: memref<8x!tpu.dma_semaphore, #tpu.memory_space<semaphore_mem>>) attributes {dimension_semantics = [#tpu.dimension_semantics<core_parallel>, #tpu.dimension_semantics<subcore_parallel>], iteration_bounds = array<i64: 2, 16>, scalar_prefetch = 0 : i64, scratch_operands = 4 : i64, tpu.core_type = #tpu.core_type<sc_vector_subcore>, window_params = [{transform_indices = #map}, {transform_indices = #map}, {transform_indices = #map}]} {
    %mul3A = arith.constant 2 : i32
    %mul3A_0 = arith.muli %arg1, %mul3A : i32
    %add3A = arith.addi %mul3A_0, %arg0 : i32
    %mul3A_1 = arith.constant 512 : i32
    %mul3A_2 = arith.muli %add3A, %mul3A_1 : i32
    "tpu.region"() ({
      %run_scoped3A = tpu.sem_alloc : memref<!tpu.dma_semaphore, #tpu.memory_space<semaphore_mem>>
      %dma_start3A_1142 = arith.constant 0 : i32
      %dma_start3A_1143 = tpu.memref_slice %arg3[%mul3A_2, %dma_start3A_1142] : memref<16384x50xi32, #tpu.memory_space<hbm>> -> memref<512x50xi32, #tpu.memory_space<hbm>>
      %dma_start3A_1144 = arith.constant 0 : i32
      %dma_start3A_1145 = tpu.memref_slice %arg3[%mul3A_2, %dma_start3A_1144] : memref<16384x50xi32, #tpu.memory_space<hbm>> -> memref<512x50xi32, #tpu.memory_space<hbm>>
      tpu.enqueue_dma source(%dma_start3A_1145 : memref<512x50xi32, #tpu.memory_space<hbm>>) target(%arg5 : memref<512x50xi32, #tpu.memory_space<vmem>>) target_semaphore(%run_scoped3A : memref<!tpu.dma_semaphore, #tpu.memory_space<semaphore_mem>>)
      %dma_wait3A_1146 = arith.constant 0 : i32
      %dma_wait3A_1147 = tpu.memref_slice %arg3[%mul3A_2, %dma_wait3A_1146] : memref<16384x50xi32, #tpu.memory_space<hbm>> -> memref<512x50xi32, #tpu.memory_space<hbm>>
      %dma_wait3A_1148 = arith.constant 0 : i32
      %dma_wait3A_1149 = tpu.memref_slice %arg3[%mul3A_2, %dma_wait3A_1148] : memref<16384x50xi32, #tpu.memory_space<hbm>> -> memref<512x50xi32, #tpu.memory_space<hbm>>
      tpu.wait_dma2 semaphore(%run_scoped3A : memref<!tpu.dma_semaphore, #tpu.memory_space<semaphore_mem>>) src(%dma_wait3A_1149 : memref<512x50xi32, #tpu.memory_space<hbm>>) dst(%arg5 : memref<512x50xi32, #tpu.memory_space<vmem>>)
      tpu.yield
    }) : () -> ()
    %dma_start3A = arith.constant 0 : i32
    %dma_start3A_3 = arith.constant 0 : i32
    %dma_start3A_4 = arith.constant 0 : i32
    %dma_start3A_5 = arith.constant 0 : i32
    %dma_start3A_6 = arith.constant 0 : i32
    %dma_start3A_7 = tpu.memref_slice %arg6[%dma_start3A_3, %dma_start3A_5, %dma_start3A_6] : memref<8x50x64xf32, #tpu.memory_space<vmem>> -> memref<1x50x64xf32, #tpu.memory_space<vmem>>
    %dma_start3A_8 = tpu.memref_squeeze %dma_start3A_7 : memref<1x50x64xf32, #tpu.memory_space<vmem>> -> memref<50x64xf32, #tpu.memory_space<vmem>>
    %dma_start3A_9 = arith.constant 0 : i32
    %dma_start3A_10 = tpu.memref_slice %arg5[%dma_start3A, %dma_start3A_9] : memref<512x50xi32, #tpu.memory_space<vmem>> -> memref<1x50xi32, #tpu.memory_space<vmem>>
    %dma_start3A_11 = tpu.memref_squeeze %dma_start3A_10 : memref<1x50xi32, #tpu.memory_space<vmem>> -> memref<50xi32, #tpu.memory_space<vmem>>
    %dma_start3A_12 = arith.constant 0 : i32
    %dma_start3A_13 = arith.constant 0 : i32
    %dma_start3A_14 = tpu.memref_slice %arg2[%dma_start3A_12, %dma_start3A_13] : memref<1000000x64xf32, #tpu.memory_space<hbm>> -> memref<1000000x64xf32, #tpu.memory_space<hbm>>
    %dma_start3A_15 = tpu.memref_slice %arg7[%dma_start3A_4] : memref<8x!tpu.dma_semaphore, #tpu.memory_space<semaphore_mem>> -> memref<1x!tpu.dma_semaphore, #tpu.memory_space<semaphore_mem>>
    %dma_start3A_16 = tpu.memref_squeeze %dma_start3A_15 : memref<1x!tpu.dma_semaphore, #tpu.memory_space<semaphore_mem>> -> memref<!tpu.dma_semaphore, #tpu.memory_space<semaphore_mem>>
    tpu.enqueue_indirect_dma source(%dma_start3A_14 : memref<1000000x64xf32, #tpu.memory_space<hbm>>) target(%dma_start3A_8 : memref<50x64xf32, #tpu.memory_space<vmem>>) offsets(%dma_start3A_11 : memref<50xi32, #tpu.memory_space<vmem>>) semaphore(%dma_start3A_16 : memref<!tpu.dma_semaphore, #tpu.memory_space<semaphore_mem>>)
    %dma_start3A_17 = arith.constant 1 : i32
    %dma_start3A_18 = arith.constant 1 : i32
    %dma_start3A_19 = arith.constant 1 : i32
    %dma_start3A_20 = arith.constant 0 : i32
    %dma_start3A_21 = arith.constant 0 : i32
    %dma_start3A_22 = tpu.memref_slice %arg6[%dma_start3A_18, %dma_start3A_20, %dma_start3A_21] : memref<8x50x64xf32, #tpu.memory_space<vmem>> -> memref<1x50x64xf32, #tpu.memory_space<vmem>>
    %dma_start3A_23 = tpu.memref_squeeze %dma_start3A_22 : memref<1x50x64xf32, #tpu.memory_space<vmem>> -> memref<50x64xf32, #tpu.memory_space<vmem>>
    %dma_start3A_24 = arith.constant 0 : i32
    %dma_start3A_25 = tpu.memref_slice %arg5[%dma_start3A_17, %dma_start3A_24] : memref<512x50xi32, #tpu.memory_space<vmem>> -> memref<1x50xi32, #tpu.memory_space<vmem>>
    %dma_start3A_26 = tpu.memref_squeeze %dma_start3A_25 : memref<1x50xi32, #tpu.memory_space<vmem>> -> memref<50xi32, #tpu.memory_space<vmem>>
    %dma_start3A_27 = arith.constant 0 : i32
    %dma_start3A_28 = arith.constant 0 : i32
    %dma_start3A_29 = tpu.memref_slice %arg2[%dma_start3A_27, %dma_start3A_28] : memref<1000000x64xf32, #tpu.memory_space<hbm>> -> memref<1000000x64xf32, #tpu.memory_space<hbm>>
    %dma_start3A_30 = tpu.memref_slice %arg7[%dma_start3A_19] : memref<8x!tpu.dma_semaphore, #tpu.memory_space<semaphore_mem>> -> memref<1x!tpu.dma_semaphore, #tpu.memory_space<semaphore_mem>>
    %dma_start3A_31 = tpu.memref_squeeze %dma_start3A_30 : memref<1x!tpu.dma_semaphore, #tpu.memory_space<semaphore_mem>> -> memref<!tpu.dma_semaphore, #tpu.memory_space<semaphore_mem>>
    tpu.enqueue_indirect_dma source(%dma_start3A_29 : memref<1000000x64xf32, #tpu.memory_space<hbm>>) target(%dma_start3A_23 : memref<50x64xf32, #tpu.memory_space<vmem>>) offsets(%dma_start3A_26 : memref<50xi32, #tpu.memory_space<vmem>>) semaphore(%dma_start3A_31 : memref<!tpu.dma_semaphore, #tpu.memory_space<semaphore_mem>>)
    %dma_start3A_32 = arith.constant 2 : i32
    %dma_start3A_33 = arith.constant 2 : i32
    %dma_start3A_34 = arith.constant 2 : i32
    %dma_start3A_35 = arith.constant 0 : i32
    %dma_start3A_36 = arith.constant 0 : i32
    %dma_start3A_37 = tpu.memref_slice %arg6[%dma_start3A_33, %dma_start3A_35, %dma_start3A_36] : memref<8x50x64xf32, #tpu.memory_space<vmem>> -> memref<1x50x64xf32, #tpu.memory_space<vmem>>
    %dma_start3A_38 = tpu.memref_squeeze %dma_start3A_37 : memref<1x50x64xf32, #tpu.memory_space<vmem>> -> memref<50x64xf32, #tpu.memory_space<vmem>>
    %dma_start3A_39 = arith.constant 0 : i32
    %dma_start3A_40 = tpu.memref_slice %arg5[%dma_start3A_32, %dma_start3A_39] : memref<512x50xi32, #tpu.memory_space<vmem>> -> memref<1x50xi32, #tpu.memory_space<vmem>>
    %dma_start3A_41 = tpu.memref_squeeze %dma_start3A_40 : memref<1x50xi32, #tpu.memory_space<vmem>> -> memref<50xi32, #tpu.memory_space<vmem>>
    %dma_start3A_42 = arith.constant 0 : i32
    %dma_start3A_43 = arith.constant 0 : i32
    %dma_start3A_44 = tpu.memref_slice %arg2[%dma_start3A_42, %dma_start3A_43] : memref<1000000x64xf32, #tpu.memory_space<hbm>> -> memref<1000000x64xf32, #tpu.memory_space<hbm>>
    %dma_start3A_45 = tpu.memref_slice %arg7[%dma_start3A_34] : memref<8x!tpu.dma_semaphore, #tpu.memory_space<semaphore_mem>> -> memref<1x!tpu.dma_semaphore, #tpu.memory_space<semaphore_mem>>
    %dma_start3A_46 = tpu.memref_squeeze %dma_start3A_45 : memref<1x!tpu.dma_semaphore, #tpu.memory_space<semaphore_mem>> -> memref<!tpu.dma_semaphore, #tpu.memory_space<semaphore_mem>>
    tpu.enqueue_indirect_dma source(%dma_start3A_44 : memref<1000000x64xf32, #tpu.memory_space<hbm>>) target(%dma_start3A_38 : memref<50x64xf32, #tpu.memory_space<vmem>>) offsets(%dma_start3A_41 : memref<50xi32, #tpu.memory_space<vmem>>) semaphore(%dma_start3A_46 : memref<!tpu.dma_semaphore, #tpu.memory_space<semaphore_mem>>)
    %dma_start3A_47 = arith.constant 3 : i32
    %dma_start3A_48 = arith.constant 3 : i32
    %dma_start3A_49 = arith.constant 3 : i32
    %dma_start3A_50 = arith.constant 0 : i32
    %dma_start3A_51 = arith.constant 0 : i32
    %dma_start3A_52 = tpu.memref_slice %arg6[%dma_start3A_48, %dma_start3A_50, %dma_start3A_51] : memref<8x50x64xf32, #tpu.memory_space<vmem>> -> memref<1x50x64xf32, #tpu.memory_space<vmem>>
    %dma_start3A_53 = tpu.memref_squeeze %dma_start3A_52 : memref<1x50x64xf32, #tpu.memory_space<vmem>> -> memref<50x64xf32, #tpu.memory_space<vmem>>
    %dma_start3A_54 = arith.constant 0 : i32
    %dma_start3A_55 = tpu.memref_slice %arg5[%dma_start3A_47, %dma_start3A_54] : memref<512x50xi32, #tpu.memory_space<vmem>> -> memref<1x50xi32, #tpu.memory_space<vmem>>
    %dma_start3A_56 = tpu.memref_squeeze %dma_start3A_55 : memref<1x50xi32, #tpu.memory_space<vmem>> -> memref<50xi32, #tpu.memory_space<vmem>>
    %dma_start3A_57 = arith.constant 0 : i32
    %dma_start3A_58 = arith.constant 0 : i32
    %dma_start3A_59 = tpu.memref_slice %arg2[%dma_start3A_57, %dma_start3A_58] : memref<1000000x64xf32, #tpu.memory_space<hbm>> -> memref<1000000x64xf32, #tpu.memory_space<hbm>>
    %dma_start3A_60 = tpu.memref_slice %arg7[%dma_start3A_49] : memref<8x!tpu.dma_semaphore, #tpu.memory_space<semaphore_mem>> -> memref<1x!tpu.dma_semaphore, #tpu.memory_space<semaphore_mem>>
    %dma_start3A_61 = tpu.memref_squeeze %dma_start3A_60 : memref<1x!tpu.dma_semaphore, #tpu.memory_space<semaphore_mem>> -> memref<!tpu.dma_semaphore, #tpu.memory_space<semaphore_mem>>
    tpu.enqueue_indirect_dma source(%dma_start3A_59 : memref<1000000x64xf32, #tpu.memory_space<hbm>>) target(%dma_start3A_53 : memref<50x64xf32, #tpu.memory_space<vmem>>) offsets(%dma_start3A_56 : memref<50xi32, #tpu.memory_space<vmem>>) semaphore(%dma_start3A_61 : memref<!tpu.dma_semaphore, #tpu.memory_space<semaphore_mem>>)
    %dma_wait3A = arith.constant 0 : i32
    %dma_wait3A_62 = arith.constant 0 : i32
    %dma_wait3A_63 = arith.constant 0 : i32
    %dma_wait3A_64 = arith.constant 0 : i32
    %dma_wait3A_65 = tpu.memref_slice %arg6[%dma_wait3A, %dma_wait3A_63, %dma_wait3A_64] : memref<8x50x64xf32, #tpu.memory_space<vmem>> -> memref<1x50x64xf32, #tpu.memory_space<vmem>>
    %dma_wait3A_66 = tpu.memref_squeeze %dma_wait3A_65 : memref<1x50x64xf32, #tpu.memory_space<vmem>> -> memref<50x64xf32, #tpu.memory_space<vmem>>
    %dma_wait3A_67 = arith.constant 0 : i32
    %dma_wait3A_68 = arith.constant 0 : i32
    %dma_wait3A_69 = tpu.memref_slice %arg2[%dma_wait3A_67, %dma_wait3A_68] : memref<1000000x64xf32, #tpu.memory_space<hbm>> -> memref<50x64xf32, #tpu.memory_space<hbm>>
    %dma_wait3A_70 = tpu.memref_slice %arg7[%dma_wait3A_62] : memref<8x!tpu.dma_semaphore, #tpu.memory_space<semaphore_mem>> -> memref<1x!tpu.dma_semaphore, #tpu.memory_space<semaphore_mem>>
    %dma_wait3A_71 = tpu.memref_squeeze %dma_wait3A_70 : memref<1x!tpu.dma_semaphore, #tpu.memory_space<semaphore_mem>> -> memref<!tpu.dma_semaphore, #tpu.memory_space<semaphore_mem>>
    %dma_wait3A_72 = arith.constant 0 : i32
    %dma_wait3A_73 = arith.constant 0 : i32
    %dma_wait3A_74 = tpu.memref_slice %arg6[%dma_wait3A, %dma_wait3A_72, %dma_wait3A_73] : memref<8x50x64xf32, #tpu.memory_space<vmem>> -> memref<1x50x64xf32, #tpu.memory_space<vmem>>
    %dma_wait3A_75 = tpu.memref_squeeze %dma_wait3A_74 : memref<1x50x64xf32, #tpu.memory_space<vmem>> -> memref<50x64xf32, #tpu.memory_space<vmem>>
    %dma_wait3A_76 = arith.constant 0 : i32
    %dma_wait3A_77 = arith.constant 0 : i32
    %dma_wait3A_78 = tpu.memref_slice %arg2[%dma_wait3A_76, %dma_wait3A_77] : memref<1000000x64xf32, #tpu.memory_space<hbm>> -> memref<50x64xf32, #tpu.memory_space<hbm>>
    tpu.wait_dma2 semaphore(%dma_wait3A_71 : memref<!tpu.dma_semaphore, #tpu.memory_space<semaphore_mem>>) src(%dma_wait3A_78 : memref<50x64xf32, #tpu.memory_space<hbm>>) dst(%dma_wait3A_75 : memref<50x64xf32, #tpu.memory_space<vmem>>)
    %add3A_79 = arith.constant 0 : i32
    %add3A_80 = arith.addi %mul3A_2, %add3A_79 : i32
    %mul3A_81 = arith.constant 56 : i32
    %mul3A_82 = arith.muli %add3A_80, %mul3A_81 : i32
    %dma_start3A_83 = arith.constant 0 : i32
    %dma_start3A_84 = arith.constant 0 : i32
    %dma_start3A_85 = arith.constant 0 : i32
    %dma_start3A_86 = arith.constant 0 : i32
    %dma_start3A_87 = tpu.memref_slice %arg6[%dma_start3A_83, %dma_start3A_85, %dma_start3A_86] : memref<8x50x64xf32, #tpu.memory_space<vmem>> -> memref<1x50x64xf32, #tpu.memory_space<vmem>>
    %dma_start3A_88 = tpu.memref_squeeze %dma_start3A_87 : memref<1x50x64xf32, #tpu.memory_space<vmem>> -> memref<50x64xf32, #tpu.memory_space<vmem>>
    %dma_start3A_89 = arith.constant 0 : i32
    %dma_start3A_90 = tpu.memref_slice %arg4[%mul3A_82, %dma_start3A_89] : memref<917504x128xf32, #tpu.memory_space<hbm>> -> memref<50x64xf32, #tpu.memory_space<hbm>>
    %dma_start3A_91 = tpu.memref_slice %arg8[%dma_start3A_84] : memref<8x!tpu.dma_semaphore, #tpu.memory_space<semaphore_mem>> -> memref<1x!tpu.dma_semaphore, #tpu.memory_space<semaphore_mem>>
    %dma_start3A_92 = tpu.memref_squeeze %dma_start3A_91 : memref<1x!tpu.dma_semaphore, #tpu.memory_space<semaphore_mem>> -> memref<!tpu.dma_semaphore, #tpu.memory_space<semaphore_mem>>
    %dma_start3A_93 = arith.constant 0 : i32
    %dma_start3A_94 = tpu.memref_slice %arg4[%mul3A_82, %dma_start3A_93] : memref<917504x128xf32, #tpu.memory_space<hbm>> -> memref<50x64xf32, #tpu.memory_space<hbm>>
    %dma_start3A_95 = arith.constant 0 : i32
    %dma_start3A_96 = arith.constant 0 : i32
    %dma_start3A_97 = tpu.memref_slice %arg6[%dma_start3A_83, %dma_start3A_95, %dma_start3A_96] : memref<8x50x64xf32, #tpu.memory_space<vmem>> -> memref<1x50x64xf32, #tpu.memory_space<vmem>>
    %dma_start3A_98 = tpu.memref_squeeze %dma_start3A_97 : memref<1x50x64xf32, #tpu.memory_space<vmem>> -> memref<50x64xf32, #tpu.memory_space<vmem>>
    tpu.enqueue_dma source(%dma_start3A_98 : memref<50x64xf32, #tpu.memory_space<vmem>>) target(%dma_start3A_94 : memref<50x64xf32, #tpu.memory_space<hbm>>) target_semaphore(%dma_start3A_92 : memref<!tpu.dma_semaphore, #tpu.memory_space<semaphore_mem>>)
    %dma_start3A_99 = arith.constant 4 : i32
    %dma_start3A_100 = arith.constant 4 : i32
    %dma_start3A_101 = arith.constant 4 : i32
    %dma_start3A_102 = arith.constant 0 : i32
    %dma_start3A_103 = arith.constant 0 : i32
    %dma_start3A_104 = tpu.memref_slice %arg6[%dma_start3A_100, %dma_start3A_102, %dma_start3A_103] : memref<8x50x64xf32, #tpu.memory_space<vmem>> -> memref<1x50x64xf32, #tpu.memory_space<vmem>>
    %dma_start3A_105 = tpu.memref_squeeze %dma_start3A_104 : memref<1x50x64xf32, #tpu.memory_space<vmem>> -> memref<50x64xf32, #tpu.memory_space<vmem>>
    %dma_start3A_106 = arith.constant 0 : i32
    %dma_start3A_107 = tpu.memref_slice %arg5[%dma_start3A_99, %dma_start3A_106] : memref<512x50xi32, #tpu.memory_space<vmem>> -> memref<1x50xi32, #tpu.memory_space<vmem>>
    %dma_start3A_108 = tpu.memref_squeeze %dma_start3A_107 : memref<1x50xi32, #tpu.memory_space<vmem>> -> memref<50xi32, #tpu.memory_space<vmem>>
    %dma_start3A_109 = arith.constant 0 : i32
    %dma_start3A_110 = arith.constant 0 : i32
    %dma_start3A_111 = tpu.memref_slice %arg2[%dma_start3A_109, %dma_start3A_110] : memref<1000000x64xf32, #tpu.memory_space<hbm>> -> memref<1000000x64xf32, #tpu.memory_space<hbm>>
    %dma_start3A_112 = tpu.memref_slice %arg7[%dma_start3A_101] : memref<8x!tpu.dma_semaphore, #tpu.memory_space<semaphore_mem>> -> memref<1x!tpu.dma_semaphore, #tpu.memory_space<semaphore_mem>>
    %dma_start3A_113 = tpu.memref_squeeze %dma_start3A_112 : memref<1x!tpu.dma_semaphore, #tpu.memory_space<semaphore_mem>> -> memref<!tpu.dma_semaphore, #tpu.memory_space<semaphore_mem>>
    tpu.enqueue_indirect_dma source(%dma_start3A_111 : memref<1000000x64xf32, #tpu.memory_space<hbm>>) target(%dma_start3A_105 : memref<50x64xf32, #tpu.memory_space<vmem>>) offsets(%dma_start3A_108 : memref<50xi32, #tpu.memory_space<vmem>>) semaphore(%dma_start3A_113 : memref<!tpu.dma_semaphore, #tpu.memory_space<semaphore_mem>>)
    %dma_wait3A_114 = arith.constant 1 : i32
    %dma_wait3A_115 = arith.constant 1 : i32
    %dma_wait3A_116 = arith.constant 0 : i32
    %dma_wait3A_117 = arith.constant 0 : i32
    %dma_wait3A_118 = tpu.memref_slice %arg6[%dma_wait3A_114, %dma_wait3A_116, %dma_wait3A_117] : memref<8x50x64xf32, #tpu.memory_space<vmem>> -> memref<1x50x64xf32, #tpu.memory_space<vmem>>
    %dma_wait3A_119 = tpu.memref_squeeze %dma_wait3A_118 : memref<1x50x64xf32, #tpu.memory_space<vmem>> -> memref<50x64xf32, #tpu.memory_space<vmem>>
    %dma_wait3A_120 = arith.constant 0 : i32
    %dma_wait3A_121 = arith.constant 0 : i32
    %dma_wait3A_122 = tpu.memref_slice %arg2[%dma_wait3A_120, %dma_wait3A_121] : memref<1000000x64xf32, #tpu.memory_space<hbm>> -> memref<50x64xf32, #tpu.memory_space<hbm>>
    %dma_wait3A_123 = tpu.memref_slice %arg7[%dma_wait3A_115] : memref<8x!tpu.dma_semaphore, #tpu.memory_space<semaphore_mem>> -> memref<1x!tpu.dma_semaphore, #tpu.memory_space<semaphore_mem>>
    %dma_wait3A_124 = tpu.memref_squeeze %dma_wait3A_123 : memref<1x!tpu.dma_semaphore, #tpu.memory_space<semaphore_mem>> -> memref<!tpu.dma_semaphore, #tpu.memory_space<semaphore_mem>>
    %dma_wait3A_125 = arith.constant 0 : i32
    %dma_wait3A_126 = arith.constant 0 : i32
    %dma_wait3A_127 = tpu.memref_slice %arg6[%dma_wait3A_114, %dma_wait3A_125, %dma_wait3A_126] : memref<8x50x64xf32, #tpu.memory_space<vmem>> -> memref<1x50x64xf32, #tpu.memory_space<vmem>>
    %dma_wait3A_128 = tpu.memref_squeeze %dma_wait3A_127 : memref<1x50x64xf32, #tpu.memory_space<vmem>> -> memref<50x64xf32, #tpu.memory_space<vmem>>
    %dma_wait3A_129 = arith.constant 0 : i32
    %dma_wait3A_130 = arith.constant 0 : i32
    %dma_wait3A_131 = tpu.memref_slice %arg2[%dma_wait3A_129, %dma_wait3A_130] : memref<1000000x64xf32, #tpu.memory_space<hbm>> -> memref<50x64xf32, #tpu.memory_space<hbm>>
    tpu.wait_dma2 semaphore(%dma_wait3A_124 : memref<!tpu.dma_semaphore, #tpu.memory_space<semaphore_mem>>) src(%dma_wait3A_131 : memref<50x64xf32, #tpu.memory_space<hbm>>) dst(%dma_wait3A_128 : memref<50x64xf32, #tpu.memory_space<vmem>>)
    %add3A_132 = arith.constant 1 : i32
    %add3A_133 = arith.addi %mul3A_2, %add3A_132 : i32
    %mul3A_134 = arith.constant 56 : i32
    %mul3A_135 = arith.muli %add3A_133, %mul3A_134 : i32
    %dma_start3A_136 = arith.constant 1 : i32
    %dma_start3A_137 = arith.constant 1 : i32
    %dma_start3A_138 = arith.constant 0 : i32
    %dma_start3A_139 = arith.constant 0 : i32
    %dma_start3A_140 = tpu.memref_slice %arg6[%dma_start3A_136, %dma_start3A_138, %dma_start3A_139] : memref<8x50x64xf32, #tpu.memory_space<vmem>> -> memref<1x50x64xf32, #tpu.memory_space<vmem>>
    %dma_start3A_141 = tpu.memref_squeeze %dma_start3A_140 : memref<1x50x64xf32, #tpu.memory_space<vmem>> -> memref<50x64xf32, #tpu.memory_space<vmem>>
    %dma_start3A_142 = arith.constant 0 : i32
    %dma_start3A_143 = tpu.memref_slice %arg4[%mul3A_135, %dma_start3A_142] : memref<917504x128xf32, #tpu.memory_space<hbm>> -> memref<50x64xf32, #tpu.memory_space<hbm>>
    %dma_start3A_144 = tpu.memref_slice %arg8[%dma_start3A_137] : memref<8x!tpu.dma_semaphore, #tpu.memory_space<semaphore_mem>> -> memref<1x!tpu.dma_semaphore, #tpu.memory_space<semaphore_mem>>
    %dma_start3A_145 = tpu.memref_squeeze %dma_start3A_144 : memref<1x!tpu.dma_semaphore, #tpu.memory_space<semaphore_mem>> -> memref<!tpu.dma_semaphore, #tpu.memory_space<semaphore_mem>>
    %dma_start3A_146 = arith.constant 0 : i32
    %dma_start3A_147 = tpu.memref_slice %arg4[%mul3A_135, %dma_start3A_146] : memref<917504x128xf32, #tpu.memory_space<hbm>> -> memref<50x64xf32, #tpu.memory_space<hbm>>
    %dma_start3A_148 = arith.constant 0 : i32
    %dma_start3A_149 = arith.constant 0 : i32
    %dma_start3A_150 = tpu.memref_slice %arg6[%dma_start3A_136, %dma_start3A_148, %dma_start3A_149] : memref<8x50x64xf32, #tpu.memory_space<vmem>> -> memref<1x50x64xf32, #tpu.memory_space<vmem>>
    %dma_start3A_151 = tpu.memref_squeeze %dma_start3A_150 : memref<1x50x64xf32, #tpu.memory_space<vmem>> -> memref<50x64xf32, #tpu.memory_space<vmem>>
    tpu.enqueue_dma source(%dma_start3A_151 : memref<50x64xf32, #tpu.memory_space<vmem>>) target(%dma_start3A_147 : memref<50x64xf32, #tpu.memory_space<hbm>>) target_semaphore(%dma_start3A_145 : memref<!tpu.dma_semaphore, #tpu.memory_space<semaphore_mem>>)
    %dma_start3A_152 = arith.constant 5 : i32
    %dma_start3A_153 = arith.constant 5 : i32
    %dma_start3A_154 = arith.constant 5 : i32
    %dma_start3A_155 = arith.constant 0 : i32
    %dma_start3A_156 = arith.constant 0 : i32
    %dma_start3A_157 = tpu.memref_slice %arg6[%dma_start3A_153, %dma_start3A_155, %dma_start3A_156] : memref<8x50x64xf32, #tpu.memory_space<vmem>> -> memref<1x50x64xf32, #tpu.memory_space<vmem>>
    %dma_start3A_158 = tpu.memref_squeeze %dma_start3A_157 : memref<1x50x64xf32, #tpu.memory_space<vmem>> -> memref<50x64xf32, #tpu.memory_space<vmem>>
    %dma_start3A_159 = arith.constant 0 : i32
    %dma_start3A_160 = tpu.memref_slice %arg5[%dma_start3A_152, %dma_start3A_159] : memref<512x50xi32, #tpu.memory_space<vmem>> -> memref<1x50xi32, #tpu.memory_space<vmem>>
    %dma_start3A_161 = tpu.memref_squeeze %dma_start3A_160 : memref<1x50xi32, #tpu.memory_space<vmem>> -> memref<50xi32, #tpu.memory_space<vmem>>
    %dma_start3A_162 = arith.constant 0 : i32
    %dma_start3A_163 = arith.constant 0 : i32
    %dma_start3A_164 = tpu.memref_slice %arg2[%dma_start3A_162, %dma_start3A_163] : memref<1000000x64xf32, #tpu.memory_space<hbm>> -> memref<1000000x64xf32, #tpu.memory_space<hbm>>
    %dma_start3A_165 = tpu.memref_slice %arg7[%dma_start3A_154] : memref<8x!tpu.dma_semaphore, #tpu.memory_space<semaphore_mem>> -> memref<1x!tpu.dma_semaphore, #tpu.memory_space<semaphore_mem>>
    %dma_start3A_166 = tpu.memref_squeeze %dma_start3A_165 : memref<1x!tpu.dma_semaphore, #tpu.memory_space<semaphore_mem>> -> memref<!tpu.dma_semaphore, #tpu.memory_space<semaphore_mem>>
    tpu.enqueue_indirect_dma source(%dma_start3A_164 : memref<1000000x64xf32, #tpu.memory_space<hbm>>) target(%dma_start3A_158 : memref<50x64xf32, #tpu.memory_space<vmem>>) offsets(%dma_start3A_161 : memref<50xi32, #tpu.memory_space<vmem>>) semaphore(%dma_start3A_166 : memref<!tpu.dma_semaphore, #tpu.memory_space<semaphore_mem>>)
    %dma_wait3A_167 = arith.constant 2 : i32
    %dma_wait3A_168 = arith.constant 2 : i32
    %dma_wait3A_169 = arith.constant 0 : i32
    %dma_wait3A_170 = arith.constant 0 : i32
    %dma_wait3A_171 = tpu.memref_slice %arg6[%dma_wait3A_167, %dma_wait3A_169, %dma_wait3A_170] : memref<8x50x64xf32, #tpu.memory_space<vmem>> -> memref<1x50x64xf32, #tpu.memory_space<vmem>>
    %dma_wait3A_172 = tpu.memref_squeeze %dma_wait3A_171 : memref<1x50x64xf32, #tpu.memory_space<vmem>> -> memref<50x64xf32, #tpu.memory_space<vmem>>
    %dma_wait3A_173 = arith.constant 0 : i32
    %dma_wait3A_174 = arith.constant 0 : i32
    %dma_wait3A_175 = tpu.memref_slice %arg2[%dma_wait3A_173, %dma_wait3A_174] : memref<1000000x64xf32, #tpu.memory_space<hbm>> -> memref<50x64xf32, #tpu.memory_space<hbm>>
    %dma_wait3A_176 = tpu.memref_slice %arg7[%dma_wait3A_168] : memref<8x!tpu.dma_semaphore, #tpu.memory_space<semaphore_mem>> -> memref<1x!tpu.dma_semaphore, #tpu.memory_space<semaphore_mem>>
    %dma_wait3A_177 = tpu.memref_squeeze %dma_wait3A_176 : memref<1x!tpu.dma_semaphore, #tpu.memory_space<semaphore_mem>> -> memref<!tpu.dma_semaphore, #tpu.memory_space<semaphore_mem>>
    %dma_wait3A_178 = arith.constant 0 : i32
    %dma_wait3A_179 = arith.constant 0 : i32
    %dma_wait3A_180 = tpu.memref_slice %arg6[%dma_wait3A_167, %dma_wait3A_178, %dma_wait3A_179] : memref<8x50x64xf32, #tpu.memory_space<vmem>> -> memref<1x50x64xf32, #tpu.memory_space<vmem>>
    %dma_wait3A_181 = tpu.memref_squeeze %dma_wait3A_180 : memref<1x50x64xf32, #tpu.memory_space<vmem>> -> memref<50x64xf32, #tpu.memory_space<vmem>>
    %dma_wait3A_182 = arith.constant 0 : i32
    %dma_wait3A_183 = arith.constant 0 : i32
    %dma_wait3A_184 = tpu.memref_slice %arg2[%dma_wait3A_182, %dma_wait3A_183] : memref<1000000x64xf32, #tpu.memory_space<hbm>> -> memref<50x64xf32, #tpu.memory_space<hbm>>
    tpu.wait_dma2 semaphore(%dma_wait3A_177 : memref<!tpu.dma_semaphore, #tpu.memory_space<semaphore_mem>>) src(%dma_wait3A_184 : memref<50x64xf32, #tpu.memory_space<hbm>>) dst(%dma_wait3A_181 : memref<50x64xf32, #tpu.memory_space<vmem>>)
    %add3A_185 = arith.constant 2 : i32
    %add3A_186 = arith.addi %mul3A_2, %add3A_185 : i32
    %mul3A_187 = arith.constant 56 : i32
    %mul3A_188 = arith.muli %add3A_186, %mul3A_187 : i32
    %dma_start3A_189 = arith.constant 2 : i32
    %dma_start3A_190 = arith.constant 2 : i32
    %dma_start3A_191 = arith.constant 0 : i32
    %dma_start3A_192 = arith.constant 0 : i32
    %dma_start3A_193 = tpu.memref_slice %arg6[%dma_start3A_189, %dma_start3A_191, %dma_start3A_192] : memref<8x50x64xf32, #tpu.memory_space<vmem>> -> memref<1x50x64xf32, #tpu.memory_space<vmem>>
    %dma_start3A_194 = tpu.memref_squeeze %dma_start3A_193 : memref<1x50x64xf32, #tpu.memory_space<vmem>> -> memref<50x64xf32, #tpu.memory_space<vmem>>
    %dma_start3A_195 = arith.constant 0 : i32
    %dma_start3A_196 = tpu.memref_slice %arg4[%mul3A_188, %dma_start3A_195] : memref<917504x128xf32, #tpu.memory_space<hbm>> -> memref<50x64xf32, #tpu.memory_space<hbm>>
    %dma_start3A_197 = tpu.memref_slice %arg8[%dma_start3A_190] : memref<8x!tpu.dma_semaphore, #tpu.memory_space<semaphore_mem>> -> memref<1x!tpu.dma_semaphore, #tpu.memory_space<semaphore_mem>>
    %dma_start3A_198 = tpu.memref_squeeze %dma_start3A_197 : memref<1x!tpu.dma_semaphore, #tpu.memory_space<semaphore_mem>> -> memref<!tpu.dma_semaphore, #tpu.memory_space<semaphore_mem>>
    %dma_start3A_199 = arith.constant 0 : i32
    %dma_start3A_200 = tpu.memref_slice %arg4[%mul3A_188, %dma_start3A_199] : memref<917504x128xf32, #tpu.memory_space<hbm>> -> memref<50x64xf32, #tpu.memory_space<hbm>>
    %dma_start3A_201 = arith.constant 0 : i32
    %dma_start3A_202 = arith.constant 0 : i32
    %dma_start3A_203 = tpu.memref_slice %arg6[%dma_start3A_189, %dma_start3A_201, %dma_start3A_202] : memref<8x50x64xf32, #tpu.memory_space<vmem>> -> memref<1x50x64xf32, #tpu.memory_space<vmem>>
    %dma_start3A_204 = tpu.memref_squeeze %dma_start3A_203 : memref<1x50x64xf32, #tpu.memory_space<vmem>> -> memref<50x64xf32, #tpu.memory_space<vmem>>
    tpu.enqueue_dma source(%dma_start3A_204 : memref<50x64xf32, #tpu.memory_space<vmem>>) target(%dma_start3A_200 : memref<50x64xf32, #tpu.memory_space<hbm>>) target_semaphore(%dma_start3A_198 : memref<!tpu.dma_semaphore, #tpu.memory_space<semaphore_mem>>)
    %dma_start3A_205 = arith.constant 6 : i32
    %dma_start3A_206 = arith.constant 6 : i32
    %dma_start3A_207 = arith.constant 6 : i32
    %dma_start3A_208 = arith.constant 0 : i32
    %dma_start3A_209 = arith.constant 0 : i32
    %dma_start3A_210 = tpu.memref_slice %arg6[%dma_start3A_206, %dma_start3A_208, %dma_start3A_209] : memref<8x50x64xf32, #tpu.memory_space<vmem>> -> memref<1x50x64xf32, #tpu.memory_space<vmem>>
    %dma_start3A_211 = tpu.memref_squeeze %dma_start3A_210 : memref<1x50x64xf32, #tpu.memory_space<vmem>> -> memref<50x64xf32, #tpu.memory_space<vmem>>
    %dma_start3A_212 = arith.constant 0 : i32
    %dma_start3A_213 = tpu.memref_slice %arg5[%dma_start3A_205, %dma_start3A_212] : memref<512x50xi32, #tpu.memory_space<vmem>> -> memref<1x50xi32, #tpu.memory_space<vmem>>
    %dma_start3A_214 = tpu.memref_squeeze %dma_start3A_213 : memref<1x50xi32, #tpu.memory_space<vmem>> -> memref<50xi32, #tpu.memory_space<vmem>>
    %dma_start3A_215 = arith.constant 0 : i32
    %dma_start3A_216 = arith.constant 0 : i32
    %dma_start3A_217 = tpu.memref_slice %arg2[%dma_start3A_215, %dma_start3A_216] : memref<1000000x64xf32, #tpu.memory_space<hbm>> -> memref<1000000x64xf32, #tpu.memory_space<hbm>>
    %dma_start3A_218 = tpu.memref_slice %arg7[%dma_start3A_207] : memref<8x!tpu.dma_semaphore, #tpu.memory_space<semaphore_mem>> -> memref<1x!tpu.dma_semaphore, #tpu.memory_space<semaphore_mem>>
    %dma_start3A_219 = tpu.memref_squeeze %dma_start3A_218 : memref<1x!tpu.dma_semaphore, #tpu.memory_space<semaphore_mem>> -> memref<!tpu.dma_semaphore, #tpu.memory_space<semaphore_mem>>
    tpu.enqueue_indirect_dma source(%dma_start3A_217 : memref<1000000x64xf32, #tpu.memory_space<hbm>>) target(%dma_start3A_211 : memref<50x64xf32, #tpu.memory_space<vmem>>) offsets(%dma_start3A_214 : memref<50xi32, #tpu.memory_space<vmem>>) semaphore(%dma_start3A_219 : memref<!tpu.dma_semaphore, #tpu.memory_space<semaphore_mem>>)
    %dma_wait3A_220 = arith.constant 3 : i32
    %dma_wait3A_221 = arith.constant 3 : i32
    %dma_wait3A_222 = arith.constant 0 : i32
    %dma_wait3A_223 = arith.constant 0 : i32
    %dma_wait3A_224 = tpu.memref_slice %arg6[%dma_wait3A_220, %dma_wait3A_222, %dma_wait3A_223] : memref<8x50x64xf32, #tpu.memory_space<vmem>> -> memref<1x50x64xf32, #tpu.memory_space<vmem>>
    %dma_wait3A_225 = tpu.memref_squeeze %dma_wait3A_224 : memref<1x50x64xf32, #tpu.memory_space<vmem>> -> memref<50x64xf32, #tpu.memory_space<vmem>>
    %dma_wait3A_226 = arith.constant 0 : i32
    %dma_wait3A_227 = arith.constant 0 : i32
    %dma_wait3A_228 = tpu.memref_slice %arg2[%dma_wait3A_226, %dma_wait3A_227] : memref<1000000x64xf32, #tpu.memory_space<hbm>> -> memref<50x64xf32, #tpu.memory_space<hbm>>
    %dma_wait3A_229 = tpu.memref_slice %arg7[%dma_wait3A_221] : memref<8x!tpu.dma_semaphore, #tpu.memory_space<semaphore_mem>> -> memref<1x!tpu.dma_semaphore, #tpu.memory_space<semaphore_mem>>
    %dma_wait3A_230 = tpu.memref_squeeze %dma_wait3A_229 : memref<1x!tpu.dma_semaphore, #tpu.memory_space<semaphore_mem>> -> memref<!tpu.dma_semaphore, #tpu.memory_space<semaphore_mem>>
    %dma_wait3A_231 = arith.constant 0 : i32
    %dma_wait3A_232 = arith.constant 0 : i32
    %dma_wait3A_233 = tpu.memref_slice %arg6[%dma_wait3A_220, %dma_wait3A_231, %dma_wait3A_232] : memref<8x50x64xf32, #tpu.memory_space<vmem>> -> memref<1x50x64xf32, #tpu.memory_space<vmem>>
    %dma_wait3A_234 = tpu.memref_squeeze %dma_wait3A_233 : memref<1x50x64xf32, #tpu.memory_space<vmem>> -> memref<50x64xf32, #tpu.memory_space<vmem>>
    %dma_wait3A_235 = arith.constant 0 : i32
    %dma_wait3A_236 = arith.constant 0 : i32
    %dma_wait3A_237 = tpu.memref_slice %arg2[%dma_wait3A_235, %dma_wait3A_236] : memref<1000000x64xf32, #tpu.memory_space<hbm>> -> memref<50x64xf32, #tpu.memory_space<hbm>>
    tpu.wait_dma2 semaphore(%dma_wait3A_230 : memref<!tpu.dma_semaphore, #tpu.memory_space<semaphore_mem>>) src(%dma_wait3A_237 : memref<50x64xf32, #tpu.memory_space<hbm>>) dst(%dma_wait3A_234 : memref<50x64xf32, #tpu.memory_space<vmem>>)
    %add3A_238 = arith.constant 3 : i32
    %add3A_239 = arith.addi %mul3A_2, %add3A_238 : i32
    %mul3A_240 = arith.constant 56 : i32
    %mul3A_241 = arith.muli %add3A_239, %mul3A_240 : i32
    %dma_start3A_242 = arith.constant 3 : i32
    %dma_start3A_243 = arith.constant 3 : i32
    %dma_start3A_244 = arith.constant 0 : i32
    %dma_start3A_245 = arith.constant 0 : i32
    %dma_start3A_246 = tpu.memref_slice %arg6[%dma_start3A_242, %dma_start3A_244, %dma_start3A_245] : memref<8x50x64xf32, #tpu.memory_space<vmem>> -> memref<1x50x64xf32, #tpu.memory_space<vmem>>
    %dma_start3A_247 = tpu.memref_squeeze %dma_start3A_246 : memref<1x50x64xf32, #tpu.memory_space<vmem>> -> memref<50x64xf32, #tpu.memory_space<vmem>>
    %dma_start3A_248 = arith.constant 0 : i32
    %dma_start3A_249 = tpu.memref_slice %arg4[%mul3A_241, %dma_start3A_248] : memref<917504x128xf32, #tpu.memory_space<hbm>> -> memref<50x64xf32, #tpu.memory_space<hbm>>
    %dma_start3A_250 = tpu.memref_slice %arg8[%dma_start3A_243] : memref<8x!tpu.dma_semaphore, #tpu.memory_space<semaphore_mem>> -> memref<1x!tpu.dma_semaphore, #tpu.memory_space<semaphore_mem>>
    %dma_start3A_251 = tpu.memref_squeeze %dma_start3A_250 : memref<1x!tpu.dma_semaphore, #tpu.memory_space<semaphore_mem>> -> memref<!tpu.dma_semaphore, #tpu.memory_space<semaphore_mem>>
    %dma_start3A_252 = arith.constant 0 : i32
    %dma_start3A_253 = tpu.memref_slice %arg4[%mul3A_241, %dma_start3A_252] : memref<917504x128xf32, #tpu.memory_space<hbm>> -> memref<50x64xf32, #tpu.memory_space<hbm>>
    %dma_start3A_254 = arith.constant 0 : i32
    %dma_start3A_255 = arith.constant 0 : i32
    %dma_start3A_256 = tpu.memref_slice %arg6[%dma_start3A_242, %dma_start3A_254, %dma_start3A_255] : memref<8x50x64xf32, #tpu.memory_space<vmem>> -> memref<1x50x64xf32, #tpu.memory_space<vmem>>
    %dma_start3A_257 = tpu.memref_squeeze %dma_start3A_256 : memref<1x50x64xf32, #tpu.memory_space<vmem>> -> memref<50x64xf32, #tpu.memory_space<vmem>>
    tpu.enqueue_dma source(%dma_start3A_257 : memref<50x64xf32, #tpu.memory_space<vmem>>) target(%dma_start3A_253 : memref<50x64xf32, #tpu.memory_space<hbm>>) target_semaphore(%dma_start3A_251 : memref<!tpu.dma_semaphore, #tpu.memory_space<semaphore_mem>>)
    %dma_start3A_258 = arith.constant 7 : i32
    %dma_start3A_259 = arith.constant 7 : i32
    %dma_start3A_260 = arith.constant 7 : i32
    %dma_start3A_261 = arith.constant 0 : i32
    %dma_start3A_262 = arith.constant 0 : i32
    %dma_start3A_263 = tpu.memref_slice %arg6[%dma_start3A_259, %dma_start3A_261, %dma_start3A_262] : memref<8x50x64xf32, #tpu.memory_space<vmem>> -> memref<1x50x64xf32, #tpu.memory_space<vmem>>
    %dma_start3A_264 = tpu.memref_squeeze %dma_start3A_263 : memref<1x50x64xf32, #tpu.memory_space<vmem>> -> memref<50x64xf32, #tpu.memory_space<vmem>>
    %dma_start3A_265 = arith.constant 0 : i32
    %dma_start3A_266 = tpu.memref_slice %arg5[%dma_start3A_258, %dma_start3A_265] : memref<512x50xi32, #tpu.memory_space<vmem>> -> memref<1x50xi32, #tpu.memory_space<vmem>>
    %dma_start3A_267 = tpu.memref_squeeze %dma_start3A_266 : memref<1x50xi32, #tpu.memory_space<vmem>> -> memref<50xi32, #tpu.memory_space<vmem>>
    %dma_start3A_268 = arith.constant 0 : i32
    %dma_start3A_269 = arith.constant 0 : i32
    %dma_start3A_270 = tpu.memref_slice %arg2[%dma_start3A_268, %dma_start3A_269] : memref<1000000x64xf32, #tpu.memory_space<hbm>> -> memref<1000000x64xf32, #tpu.memory_space<hbm>>
    %dma_start3A_271 = tpu.memref_slice %arg7[%dma_start3A_260] : memref<8x!tpu.dma_semaphore, #tpu.memory_space<semaphore_mem>> -> memref<1x!tpu.dma_semaphore, #tpu.memory_space<semaphore_mem>>
    %dma_start3A_272 = tpu.memref_squeeze %dma_start3A_271 : memref<1x!tpu.dma_semaphore, #tpu.memory_space<semaphore_mem>> -> memref<!tpu.dma_semaphore, #tpu.memory_space<semaphore_mem>>
    tpu.enqueue_indirect_dma source(%dma_start3A_270 : memref<1000000x64xf32, #tpu.memory_space<hbm>>) target(%dma_start3A_264 : memref<50x64xf32, #tpu.memory_space<vmem>>) offsets(%dma_start3A_267 : memref<50xi32, #tpu.memory_space<vmem>>) semaphore(%dma_start3A_272 : memref<!tpu.dma_semaphore, #tpu.memory_space<semaphore_mem>>)
    %dma_wait3A_273 = arith.constant 4 : i32
    %dma_wait3A_274 = arith.constant 4 : i32
    %dma_wait3A_275 = arith.constant 0 : i32
    %dma_wait3A_276 = arith.constant 0 : i32
    %dma_wait3A_277 = tpu.memref_slice %arg6[%dma_wait3A_273, %dma_wait3A_275, %dma_wait3A_276] : memref<8x50x64xf32, #tpu.memory_space<vmem>> -> memref<1x50x64xf32, #tpu.memory_space<vmem>>
    %dma_wait3A_278 = tpu.memref_squeeze %dma_wait3A_277 : memref<1x50x64xf32, #tpu.memory_space<vmem>> -> memref<50x64xf32, #tpu.memory_space<vmem>>
    %dma_wait3A_279 = arith.constant 0 : i32
    %dma_wait3A_280 = arith.constant 0 : i32
    %dma_wait3A_281 = tpu.memref_slice %arg2[%dma_wait3A_279, %dma_wait3A_280] : memref<1000000x64xf32, #tpu.memory_space<hbm>> -> memref<50x64xf32, #tpu.memory_space<hbm>>
    %dma_wait3A_282 = tpu.memref_slice %arg7[%dma_wait3A_274] : memref<8x!tpu.dma_semaphore, #tpu.memory_space<semaphore_mem>> -> memref<1x!tpu.dma_semaphore, #tpu.memory_space<semaphore_mem>>
    %dma_wait3A_283 = tpu.memref_squeeze %dma_wait3A_282 : memref<1x!tpu.dma_semaphore, #tpu.memory_space<semaphore_mem>> -> memref<!tpu.dma_semaphore, #tpu.memory_space<semaphore_mem>>
    %dma_wait3A_284 = arith.constant 0 : i32
    %dma_wait3A_285 = arith.constant 0 : i32
    %dma_wait3A_286 = tpu.memref_slice %arg6[%dma_wait3A_273, %dma_wait3A_284, %dma_wait3A_285] : memref<8x50x64xf32, #tpu.memory_space<vmem>> -> memref<1x50x64xf32, #tpu.memory_space<vmem>>
    %dma_wait3A_287 = tpu.memref_squeeze %dma_wait3A_286 : memref<1x50x64xf32, #tpu.memory_space<vmem>> -> memref<50x64xf32, #tpu.memory_space<vmem>>
    %dma_wait3A_288 = arith.constant 0 : i32
    %dma_wait3A_289 = arith.constant 0 : i32
    %dma_wait3A_290 = tpu.memref_slice %arg2[%dma_wait3A_288, %dma_wait3A_289] : memref<1000000x64xf32, #tpu.memory_space<hbm>> -> memref<50x64xf32, #tpu.memory_space<hbm>>
    tpu.wait_dma2 semaphore(%dma_wait3A_283 : memref<!tpu.dma_semaphore, #tpu.memory_space<semaphore_mem>>) src(%dma_wait3A_290 : memref<50x64xf32, #tpu.memory_space<hbm>>) dst(%dma_wait3A_287 : memref<50x64xf32, #tpu.memory_space<vmem>>)
    %add3A_291 = arith.constant 4 : i32
    %add3A_292 = arith.addi %mul3A_2, %add3A_291 : i32
    %mul3A_293 = arith.constant 56 : i32
    %mul3A_294 = arith.muli %add3A_292, %mul3A_293 : i32
    %dma_start3A_295 = arith.constant 4 : i32
    %dma_start3A_296 = arith.constant 4 : i32
    %dma_start3A_297 = arith.constant 0 : i32
    %dma_start3A_298 = arith.constant 0 : i32
    %dma_start3A_299 = tpu.memref_slice %arg6[%dma_start3A_295, %dma_start3A_297, %dma_start3A_298] : memref<8x50x64xf32, #tpu.memory_space<vmem>> -> memref<1x50x64xf32, #tpu.memory_space<vmem>>
    %dma_start3A_300 = tpu.memref_squeeze %dma_start3A_299 : memref<1x50x64xf32, #tpu.memory_space<vmem>> -> memref<50x64xf32, #tpu.memory_space<vmem>>
    %dma_start3A_301 = arith.constant 0 : i32
    %dma_start3A_302 = tpu.memref_slice %arg4[%mul3A_294, %dma_start3A_301] : memref<917504x128xf32, #tpu.memory_space<hbm>> -> memref<50x64xf32, #tpu.memory_space<hbm>>
    %dma_start3A_303 = tpu.memref_slice %arg8[%dma_start3A_296] : memref<8x!tpu.dma_semaphore, #tpu.memory_space<semaphore_mem>> -> memref<1x!tpu.dma_semaphore, #tpu.memory_space<semaphore_mem>>
    %dma_start3A_304 = tpu.memref_squeeze %dma_start3A_303 : memref<1x!tpu.dma_semaphore, #tpu.memory_space<semaphore_mem>> -> memref<!tpu.dma_semaphore, #tpu.memory_space<semaphore_mem>>
    %dma_start3A_305 = arith.constant 0 : i32
    %dma_start3A_306 = tpu.memref_slice %arg4[%mul3A_294, %dma_start3A_305] : memref<917504x128xf32, #tpu.memory_space<hbm>> -> memref<50x64xf32, #tpu.memory_space<hbm>>
    %dma_start3A_307 = arith.constant 0 : i32
    %dma_start3A_308 = arith.constant 0 : i32
    %dma_start3A_309 = tpu.memref_slice %arg6[%dma_start3A_295, %dma_start3A_307, %dma_start3A_308] : memref<8x50x64xf32, #tpu.memory_space<vmem>> -> memref<1x50x64xf32, #tpu.memory_space<vmem>>
    %dma_start3A_310 = tpu.memref_squeeze %dma_start3A_309 : memref<1x50x64xf32, #tpu.memory_space<vmem>> -> memref<50x64xf32, #tpu.memory_space<vmem>>
    tpu.enqueue_dma source(%dma_start3A_310 : memref<50x64xf32, #tpu.memory_space<vmem>>) target(%dma_start3A_306 : memref<50x64xf32, #tpu.memory_space<hbm>>) target_semaphore(%dma_start3A_304 : memref<!tpu.dma_semaphore, #tpu.memory_space<semaphore_mem>>)
    %dma_wait3A_311 = arith.constant 0 : i32
    %dma_wait3A_312 = arith.constant 0 : i32
    %dma_wait3A_313 = arith.constant 0 : i32
    %dma_wait3A_314 = arith.constant 0 : i32
    %dma_wait3A_315 = tpu.memref_slice %arg6[%dma_wait3A_311, %dma_wait3A_313, %dma_wait3A_314] : memref<8x50x64xf32, #tpu.memory_space<vmem>> -> memref<1x50x64xf32, #tpu.memory_space<vmem>>
    %dma_wait3A_316 = tpu.memref_squeeze %dma_wait3A_315 : memref<1x50x64xf32, #tpu.memory_space<vmem>> -> memref<50x64xf32, #tpu.memory_space<vmem>>
    %dma_wait3A_317 = arith.constant 0 : i32
    %dma_wait3A_318 = arith.constant 0 : i32
    %dma_wait3A_319 = tpu.memref_slice %arg2[%dma_wait3A_317, %dma_wait3A_318] : memref<1000000x64xf32, #tpu.memory_space<hbm>> -> memref<50x64xf32, #tpu.memory_space<hbm>>
    %dma_wait3A_320 = tpu.memref_slice %arg8[%dma_wait3A_312] : memref<8x!tpu.dma_semaphore, #tpu.memory_space<semaphore_mem>> -> memref<1x!tpu.dma_semaphore, #tpu.memory_space<semaphore_mem>>
    %dma_wait3A_321 = tpu.memref_squeeze %dma_wait3A_320 : memref<1x!tpu.dma_semaphore, #tpu.memory_space<semaphore_mem>> -> memref<!tpu.dma_semaphore, #tpu.memory_space<semaphore_mem>>
    %dma_wait3A_322 = arith.constant 0 : i32
    %dma_wait3A_323 = arith.constant 0 : i32
    %dma_wait3A_324 = tpu.memref_slice %arg6[%dma_wait3A_311, %dma_wait3A_322, %dma_wait3A_323] : memref<8x50x64xf32, #tpu.memory_space<vmem>> -> memref<1x50x64xf32, #tpu.memory_space<vmem>>
    %dma_wait3A_325 = tpu.memref_squeeze %dma_wait3A_324 : memref<1x50x64xf32, #tpu.memory_space<vmem>> -> memref<50x64xf32, #tpu.memory_space<vmem>>
    %dma_wait3A_326 = arith.constant 0 : i32
    %dma_wait3A_327 = arith.constant 0 : i32
    %dma_wait3A_328 = tpu.memref_slice %arg2[%dma_wait3A_326, %dma_wait3A_327] : memref<1000000x64xf32, #tpu.memory_space<hbm>> -> memref<50x64xf32, #tpu.memory_space<hbm>>
    tpu.wait_dma2 semaphore(%dma_wait3A_321 : memref<!tpu.dma_semaphore, #tpu.memory_space<semaphore_mem>>) src(%dma_wait3A_328 : memref<50x64xf32, #tpu.memory_space<hbm>>) dst(%dma_wait3A_325 : memref<50x64xf32, #tpu.memory_space<vmem>>)
    %dma_start3A_329 = arith.constant 8 : i32
    %dma_start3A_330 = arith.constant 0 : i32
    %dma_start3A_331 = arith.constant 0 : i32
    %dma_start3A_332 = arith.constant 0 : i32
    %dma_start3A_333 = arith.constant 0 : i32
    %dma_start3A_334 = tpu.memref_slice %arg6[%dma_start3A_330, %dma_start3A_332, %dma_start3A_333] : memref<8x50x64xf32, #tpu.memory_space<vmem>> -> memref<1x50x64xf32, #tpu.memory_space<vmem>>
    %dma_start3A_335 = tpu.memref_squeeze %dma_start3A_334 : memref<1x50x64xf32, #tpu.memory_space<vmem>> -> memref<50x64xf32, #tpu.memory_space<vmem>>
    %dma_start3A_336 = arith.constant 0 : i32
    %dma_start3A_337 = tpu.memref_slice %arg5[%dma_start3A_329, %dma_start3A_336] : memref<512x50xi32, #tpu.memory_space<vmem>> -> memref<1x50xi32, #tpu.memory_space<vmem>>
    %dma_start3A_338 = tpu.memref_squeeze %dma_start3A_337 : memref<1x50xi32, #tpu.memory_space<vmem>> -> memref<50xi32, #tpu.memory_space<vmem>>
    %dma_start3A_339 = arith.constant 0 : i32
    %dma_start3A_340 = arith.constant 0 : i32
    %dma_start3A_341 = tpu.memref_slice %arg2[%dma_start3A_339, %dma_start3A_340] : memref<1000000x64xf32, #tpu.memory_space<hbm>> -> memref<1000000x64xf32, #tpu.memory_space<hbm>>
    %dma_start3A_342 = tpu.memref_slice %arg7[%dma_start3A_331] : memref<8x!tpu.dma_semaphore, #tpu.memory_space<semaphore_mem>> -> memref<1x!tpu.dma_semaphore, #tpu.memory_space<semaphore_mem>>
    %dma_start3A_343 = tpu.memref_squeeze %dma_start3A_342 : memref<1x!tpu.dma_semaphore, #tpu.memory_space<semaphore_mem>> -> memref<!tpu.dma_semaphore, #tpu.memory_space<semaphore_mem>>
    tpu.enqueue_indirect_dma source(%dma_start3A_341 : memref<1000000x64xf32, #tpu.memory_space<hbm>>) target(%dma_start3A_335 : memref<50x64xf32, #tpu.memory_space<vmem>>) offsets(%dma_start3A_338 : memref<50xi32, #tpu.memory_space<vmem>>) semaphore(%dma_start3A_343 : memref<!tpu.dma_semaphore, #tpu.memory_space<semaphore_mem>>)
    %dma_wait3A_344 = arith.constant 5 : i32
    %dma_wait3A_345 = arith.constant 5 : i32
    %dma_wait3A_346 = arith.constant 0 : i32
    %dma_wait3A_347 = arith.constant 0 : i32
    %dma_wait3A_348 = tpu.memref_slice %arg6[%dma_wait3A_344, %dma_wait3A_346, %dma_wait3A_347] : memref<8x50x64xf32, #tpu.memory_space<vmem>> -> memref<1x50x64xf32, #tpu.memory_space<vmem>>
    %dma_wait3A_349 = tpu.memref_squeeze %dma_wait3A_348 : memref<1x50x64xf32, #tpu.memory_space<vmem>> -> memref<50x64xf32, #tpu.memory_space<vmem>>
    %dma_wait3A_350 = arith.constant 0 : i32
    %dma_wait3A_351 = arith.constant 0 : i32
    %dma_wait3A_352 = tpu.memref_slice %arg2[%dma_wait3A_350, %dma_wait3A_351] : memref<1000000x64xf32, #tpu.memory_space<hbm>> -> memref<50x64xf32, #tpu.memory_space<hbm>>
    %dma_wait3A_353 = tpu.memref_slice %arg7[%dma_wait3A_345] : memref<8x!tpu.dma_semaphore, #tpu.memory_space<semaphore_mem>> -> memref<1x!tpu.dma_semaphore, #tpu.memory_space<semaphore_mem>>
    %dma_wait3A_354 = tpu.memref_squeeze %dma_wait3A_353 : memref<1x!tpu.dma_semaphore, #tpu.memory_space<semaphore_mem>> -> memref<!tpu.dma_semaphore, #tpu.memory_space<semaphore_mem>>
    %dma_wait3A_355 = arith.constant 0 : i32
    %dma_wait3A_356 = arith.constant 0 : i32
    %dma_wait3A_357 = tpu.memref_slice %arg6[%dma_wait3A_344, %dma_wait3A_355, %dma_wait3A_356] : memref<8x50x64xf32, #tpu.memory_space<vmem>> -> memref<1x50x64xf32, #tpu.memory_space<vmem>>
    %dma_wait3A_358 = tpu.memref_squeeze %dma_wait3A_357 : memref<1x50x64xf32, #tpu.memory_space<vmem>> -> memref<50x64xf32, #tpu.memory_space<vmem>>
    %dma_wait3A_359 = arith.constant 0 : i32
    %dma_wait3A_360 = arith.constant 0 : i32
    %dma_wait3A_361 = tpu.memref_slice %arg2[%dma_wait3A_359, %dma_wait3A_360] : memref<1000000x64xf32, #tpu.memory_space<hbm>> -> memref<50x64xf32, #tpu.memory_space<hbm>>
    tpu.wait_dma2 semaphore(%dma_wait3A_354 : memref<!tpu.dma_semaphore, #tpu.memory_space<semaphore_mem>>) src(%dma_wait3A_361 : memref<50x64xf32, #tpu.memory_space<hbm>>) dst(%dma_wait3A_358 : memref<50x64xf32, #tpu.memory_space<vmem>>)
    %add3A_362 = arith.constant 5 : i32
    %add3A_363 = arith.addi %mul3A_2, %add3A_362 : i32
    %mul3A_364 = arith.constant 56 : i32
    %mul3A_365 = arith.muli %add3A_363, %mul3A_364 : i32
    %dma_start3A_366 = arith.constant 5 : i32
    %dma_start3A_367 = arith.constant 5 : i32
    %dma_start3A_368 = arith.constant 0 : i32
    %dma_start3A_369 = arith.constant 0 : i32
    %dma_start3A_370 = tpu.memref_slice %arg6[%dma_start3A_366, %dma_start3A_368, %dma_start3A_369] : memref<8x50x64xf32, #tpu.memory_space<vmem>> -> memref<1x50x64xf32, #tpu.memory_space<vmem>>
    %dma_start3A_371 = tpu.memref_squeeze %dma_start3A_370 : memref<1x50x64xf32, #tpu.memory_space<vmem>> -> memref<50x64xf32, #tpu.memory_space<vmem>>
    %dma_start3A_372 = arith.constant 0 : i32
    %dma_start3A_373 = tpu.memref_slice %arg4[%mul3A_365, %dma_start3A_372] : memref<917504x128xf32, #tpu.memory_space<hbm>> -> memref<50x64xf32, #tpu.memory_space<hbm>>
    %dma_start3A_374 = tpu.memref_slice %arg8[%dma_start3A_367] : memref<8x!tpu.dma_semaphore, #tpu.memory_space<semaphore_mem>> -> memref<1x!tpu.dma_semaphore, #tpu.memory_space<semaphore_mem>>
    %dma_start3A_375 = tpu.memref_squeeze %dma_start3A_374 : memref<1x!tpu.dma_semaphore, #tpu.memory_space<semaphore_mem>> -> memref<!tpu.dma_semaphore, #tpu.memory_space<semaphore_mem>>
    %dma_start3A_376 = arith.constant 0 : i32
    %dma_start3A_377 = tpu.memref_slice %arg4[%mul3A_365, %dma_start3A_376] : memref<917504x128xf32, #tpu.memory_space<hbm>> -> memref<50x64xf32, #tpu.memory_space<hbm>>
    %dma_start3A_378 = arith.constant 0 : i32
    %dma_start3A_379 = arith.constant 0 : i32
    %dma_start3A_380 = tpu.memref_slice %arg6[%dma_start3A_366, %dma_start3A_378, %dma_start3A_379] : memref<8x50x64xf32, #tpu.memory_space<vmem>> -> memref<1x50x64xf32, #tpu.memory_space<vmem>>
    %dma_start3A_381 = tpu.memref_squeeze %dma_start3A_380 : memref<1x50x64xf32, #tpu.memory_space<vmem>> -> memref<50x64xf32, #tpu.memory_space<vmem>>
    tpu.enqueue_dma source(%dma_start3A_381 : memref<50x64xf32, #tpu.memory_space<vmem>>) target(%dma_start3A_377 : memref<50x64xf32, #tpu.memory_space<hbm>>) target_semaphore(%dma_start3A_375 : memref<!tpu.dma_semaphore, #tpu.memory_space<semaphore_mem>>)
    %dma_wait3A_382 = arith.constant 1 : i32
    %dma_wait3A_383 = arith.constant 1 : i32
    %dma_wait3A_384 = arith.constant 0 : i32
    %dma_wait3A_385 = arith.constant 0 : i32
    %dma_wait3A_386 = tpu.memref_slice %arg6[%dma_wait3A_382, %dma_wait3A_384, %dma_wait3A_385] : memref<8x50x64xf32, #tpu.memory_space<vmem>> -> memref<1x50x64xf32, #tpu.memory_space<vmem>>
    %dma_wait3A_387 = tpu.memref_squeeze %dma_wait3A_386 : memref<1x50x64xf32, #tpu.memory_space<vmem>> -> memref<50x64xf32, #tpu.memory_space<vmem>>
    %dma_wait3A_388 = arith.constant 0 : i32
    %dma_wait3A_389 = arith.constant 0 : i32
    %dma_wait3A_390 = tpu.memref_slice %arg2[%dma_wait3A_388, %dma_wait3A_389] : memref<1000000x64xf32, #tpu.memory_space<hbm>> -> memref<50x64xf32, #tpu.memory_space<hbm>>
    %dma_wait3A_391 = tpu.memref_slice %arg8[%dma_wait3A_383] : memref<8x!tpu.dma_semaphore, #tpu.memory_space<semaphore_mem>> -> memref<1x!tpu.dma_semaphore, #tpu.memory_space<semaphore_mem>>
    %dma_wait3A_392 = tpu.memref_squeeze %dma_wait3A_391 : memref<1x!tpu.dma_semaphore, #tpu.memory_space<semaphore_mem>> -> memref<!tpu.dma_semaphore, #tpu.memory_space<semaphore_mem>>
    %dma_wait3A_393 = arith.constant 0 : i32
    %dma_wait3A_394 = arith.constant 0 : i32
    %dma_wait3A_395 = tpu.memref_slice %arg6[%dma_wait3A_382, %dma_wait3A_393, %dma_wait3A_394] : memref<8x50x64xf32, #tpu.memory_space<vmem>> -> memref<1x50x64xf32, #tpu.memory_space<vmem>>
    %dma_wait3A_396 = tpu.memref_squeeze %dma_wait3A_395 : memref<1x50x64xf32, #tpu.memory_space<vmem>> -> memref<50x64xf32, #tpu.memory_space<vmem>>
    %dma_wait3A_397 = arith.constant 0 : i32
    %dma_wait3A_398 = arith.constant 0 : i32
    %dma_wait3A_399 = tpu.memref_slice %arg2[%dma_wait3A_397, %dma_wait3A_398] : memref<1000000x64xf32, #tpu.memory_space<hbm>> -> memref<50x64xf32, #tpu.memory_space<hbm>>
    tpu.wait_dma2 semaphore(%dma_wait3A_392 : memref<!tpu.dma_semaphore, #tpu.memory_space<semaphore_mem>>) src(%dma_wait3A_399 : memref<50x64xf32, #tpu.memory_space<hbm>>) dst(%dma_wait3A_396 : memref<50x64xf32, #tpu.memory_space<vmem>>)
    %dma_start3A_400 = arith.constant 9 : i32
    %dma_start3A_401 = arith.constant 1 : i32
    %dma_start3A_402 = arith.constant 1 : i32
    %dma_start3A_403 = arith.constant 0 : i32
    %dma_start3A_404 = arith.constant 0 : i32
    %dma_start3A_405 = tpu.memref_slice %arg6[%dma_start3A_401, %dma_start3A_403, %dma_start3A_404] : memref<8x50x64xf32, #tpu.memory_space<vmem>> -> memref<1x50x64xf32, #tpu.memory_space<vmem>>
    %dma_start3A_406 = tpu.memref_squeeze %dma_start3A_405 : memref<1x50x64xf32, #tpu.memory_space<vmem>> -> memref<50x64xf32, #tpu.memory_space<vmem>>
    %dma_start3A_407 = arith.constant 0 : i32
    %dma_start3A_408 = tpu.memref_slice %arg5[%dma_start3A_400, %dma_start3A_407] : memref<512x50xi32, #tpu.memory_space<vmem>> -> memref<1x50xi32, #tpu.memory_space<vmem>>
    %dma_start3A_409 = tpu.memref_squeeze %dma_start3A_408 : memref<1x50xi32, #tpu.memory_space<vmem>> -> memref<50xi32, #tpu.memory_space<vmem>>
    %dma_start3A_410 = arith.constant 0 : i32
    %dma_start3A_411 = arith.constant 0 : i32
    %dma_start3A_412 = tpu.memref_slice %arg2[%dma_start3A_410, %dma_start3A_411] : memref<1000000x64xf32, #tpu.memory_space<hbm>> -> memref<1000000x64xf32, #tpu.memory_space<hbm>>
    %dma_start3A_413 = tpu.memref_slice %arg7[%dma_start3A_402] : memref<8x!tpu.dma_semaphore, #tpu.memory_space<semaphore_mem>> -> memref<1x!tpu.dma_semaphore, #tpu.memory_space<semaphore_mem>>
    %dma_start3A_414 = tpu.memref_squeeze %dma_start3A_413 : memref<1x!tpu.dma_semaphore, #tpu.memory_space<semaphore_mem>> -> memref<!tpu.dma_semaphore, #tpu.memory_space<semaphore_mem>>
    tpu.enqueue_indirect_dma source(%dma_start3A_412 : memref<1000000x64xf32, #tpu.memory_space<hbm>>) target(%dma_start3A_406 : memref<50x64xf32, #tpu.memory_space<vmem>>) offsets(%dma_start3A_409 : memref<50xi32, #tpu.memory_space<vmem>>) semaphore(%dma_start3A_414 : memref<!tpu.dma_semaphore, #tpu.memory_space<semaphore_mem>>)
    %dma_wait3A_415 = arith.constant 6 : i32
    %dma_wait3A_416 = arith.constant 6 : i32
    %dma_wait3A_417 = arith.constant 0 : i32
    %dma_wait3A_418 = arith.constant 0 : i32
    %dma_wait3A_419 = tpu.memref_slice %arg6[%dma_wait3A_415, %dma_wait3A_417, %dma_wait3A_418] : memref<8x50x64xf32, #tpu.memory_space<vmem>> -> memref<1x50x64xf32, #tpu.memory_space<vmem>>
    %dma_wait3A_420 = tpu.memref_squeeze %dma_wait3A_419 : memref<1x50x64xf32, #tpu.memory_space<vmem>> -> memref<50x64xf32, #tpu.memory_space<vmem>>
    %dma_wait3A_421 = arith.constant 0 : i32
    %dma_wait3A_422 = arith.constant 0 : i32
    %dma_wait3A_423 = tpu.memref_slice %arg2[%dma_wait3A_421, %dma_wait3A_422] : memref<1000000x64xf32, #tpu.memory_space<hbm>> -> memref<50x64xf32, #tpu.memory_space<hbm>>
    %dma_wait3A_424 = tpu.memref_slice %arg7[%dma_wait3A_416] : memref<8x!tpu.dma_semaphore, #tpu.memory_space<semaphore_mem>> -> memref<1x!tpu.dma_semaphore, #tpu.memory_space<semaphore_mem>>
    %dma_wait3A_425 = tpu.memref_squeeze %dma_wait3A_424 : memref<1x!tpu.dma_semaphore, #tpu.memory_space<semaphore_mem>> -> memref<!tpu.dma_semaphore, #tpu.memory_space<semaphore_mem>>
    %dma_wait3A_426 = arith.constant 0 : i32
    %dma_wait3A_427 = arith.constant 0 : i32
    %dma_wait3A_428 = tpu.memref_slice %arg6[%dma_wait3A_415, %dma_wait3A_426, %dma_wait3A_427] : memref<8x50x64xf32, #tpu.memory_space<vmem>> -> memref<1x50x64xf32, #tpu.memory_space<vmem>>
    %dma_wait3A_429 = tpu.memref_squeeze %dma_wait3A_428 : memref<1x50x64xf32, #tpu.memory_space<vmem>> -> memref<50x64xf32, #tpu.memory_space<vmem>>
    %dma_wait3A_430 = arith.constant 0 : i32
    %dma_wait3A_431 = arith.constant 0 : i32
    %dma_wait3A_432 = tpu.memref_slice %arg2[%dma_wait3A_430, %dma_wait3A_431] : memref<1000000x64xf32, #tpu.memory_space<hbm>> -> memref<50x64xf32, #tpu.memory_space<hbm>>
    tpu.wait_dma2 semaphore(%dma_wait3A_425 : memref<!tpu.dma_semaphore, #tpu.memory_space<semaphore_mem>>) src(%dma_wait3A_432 : memref<50x64xf32, #tpu.memory_space<hbm>>) dst(%dma_wait3A_429 : memref<50x64xf32, #tpu.memory_space<vmem>>)
    %add3A_433 = arith.constant 6 : i32
    %add3A_434 = arith.addi %mul3A_2, %add3A_433 : i32
    %mul3A_435 = arith.constant 56 : i32
    %mul3A_436 = arith.muli %add3A_434, %mul3A_435 : i32
    %dma_start3A_437 = arith.constant 6 : i32
    %dma_start3A_438 = arith.constant 6 : i32
    %dma_start3A_439 = arith.constant 0 : i32
    %dma_start3A_440 = arith.constant 0 : i32
    %dma_start3A_441 = tpu.memref_slice %arg6[%dma_start3A_437, %dma_start3A_439, %dma_start3A_440] : memref<8x50x64xf32, #tpu.memory_space<vmem>> -> memref<1x50x64xf32, #tpu.memory_space<vmem>>
    %dma_start3A_442 = tpu.memref_squeeze %dma_start3A_441 : memref<1x50x64xf32, #tpu.memory_space<vmem>> -> memref<50x64xf32, #tpu.memory_space<vmem>>
    %dma_start3A_443 = arith.constant 0 : i32
    %dma_start3A_444 = tpu.memref_slice %arg4[%mul3A_436, %dma_start3A_443] : memref<917504x128xf32, #tpu.memory_space<hbm>> -> memref<50x64xf32, #tpu.memory_space<hbm>>
    %dma_start3A_445 = tpu.memref_slice %arg8[%dma_start3A_438] : memref<8x!tpu.dma_semaphore, #tpu.memory_space<semaphore_mem>> -> memref<1x!tpu.dma_semaphore, #tpu.memory_space<semaphore_mem>>
    %dma_start3A_446 = tpu.memref_squeeze %dma_start3A_445 : memref<1x!tpu.dma_semaphore, #tpu.memory_space<semaphore_mem>> -> memref<!tpu.dma_semaphore, #tpu.memory_space<semaphore_mem>>
    %dma_start3A_447 = arith.constant 0 : i32
    %dma_start3A_448 = tpu.memref_slice %arg4[%mul3A_436, %dma_start3A_447] : memref<917504x128xf32, #tpu.memory_space<hbm>> -> memref<50x64xf32, #tpu.memory_space<hbm>>
    %dma_start3A_449 = arith.constant 0 : i32
    %dma_start3A_450 = arith.constant 0 : i32
    %dma_start3A_451 = tpu.memref_slice %arg6[%dma_start3A_437, %dma_start3A_449, %dma_start3A_450] : memref<8x50x64xf32, #tpu.memory_space<vmem>> -> memref<1x50x64xf32, #tpu.memory_space<vmem>>
    %dma_start3A_452 = tpu.memref_squeeze %dma_start3A_451 : memref<1x50x64xf32, #tpu.memory_space<vmem>> -> memref<50x64xf32, #tpu.memory_space<vmem>>
    tpu.enqueue_dma source(%dma_start3A_452 : memref<50x64xf32, #tpu.memory_space<vmem>>) target(%dma_start3A_448 : memref<50x64xf32, #tpu.memory_space<hbm>>) target_semaphore(%dma_start3A_446 : memref<!tpu.dma_semaphore, #tpu.memory_space<semaphore_mem>>)
    %dma_wait3A_453 = arith.constant 2 : i32
    %dma_wait3A_454 = arith.constant 2 : i32
    %dma_wait3A_455 = arith.constant 0 : i32
    %dma_wait3A_456 = arith.constant 0 : i32
    %dma_wait3A_457 = tpu.memref_slice %arg6[%dma_wait3A_453, %dma_wait3A_455, %dma_wait3A_456] : memref<8x50x64xf32, #tpu.memory_space<vmem>> -> memref<1x50x64xf32, #tpu.memory_space<vmem>>
    %dma_wait3A_458 = tpu.memref_squeeze %dma_wait3A_457 : memref<1x50x64xf32, #tpu.memory_space<vmem>> -> memref<50x64xf32, #tpu.memory_space<vmem>>
    %dma_wait3A_459 = arith.constant 0 : i32
    %dma_wait3A_460 = arith.constant 0 : i32
    %dma_wait3A_461 = tpu.memref_slice %arg2[%dma_wait3A_459, %dma_wait3A_460] : memref<1000000x64xf32, #tpu.memory_space<hbm>> -> memref<50x64xf32, #tpu.memory_space<hbm>>
    %dma_wait3A_462 = tpu.memref_slice %arg8[%dma_wait3A_454] : memref<8x!tpu.dma_semaphore, #tpu.memory_space<semaphore_mem>> -> memref<1x!tpu.dma_semaphore, #tpu.memory_space<semaphore_mem>>
    %dma_wait3A_463 = tpu.memref_squeeze %dma_wait3A_462 : memref<1x!tpu.dma_semaphore, #tpu.memory_space<semaphore_mem>> -> memref<!tpu.dma_semaphore, #tpu.memory_space<semaphore_mem>>
    %dma_wait3A_464 = arith.constant 0 : i32
    %dma_wait3A_465 = arith.constant 0 : i32
    %dma_wait3A_466 = tpu.memref_slice %arg6[%dma_wait3A_453, %dma_wait3A_464, %dma_wait3A_465] : memref<8x50x64xf32, #tpu.memory_space<vmem>> -> memref<1x50x64xf32, #tpu.memory_space<vmem>>
    %dma_wait3A_467 = tpu.memref_squeeze %dma_wait3A_466 : memref<1x50x64xf32, #tpu.memory_space<vmem>> -> memref<50x64xf32, #tpu.memory_space<vmem>>
    %dma_wait3A_468 = arith.constant 0 : i32
    %dma_wait3A_469 = arith.constant 0 : i32
    %dma_wait3A_470 = tpu.memref_slice %arg2[%dma_wait3A_468, %dma_wait3A_469] : memref<1000000x64xf32, #tpu.memory_space<hbm>> -> memref<50x64xf32, #tpu.memory_space<hbm>>
    tpu.wait_dma2 semaphore(%dma_wait3A_463 : memref<!tpu.dma_semaphore, #tpu.memory_space<semaphore_mem>>) src(%dma_wait3A_470 : memref<50x64xf32, #tpu.memory_space<hbm>>) dst(%dma_wait3A_467 : memref<50x64xf32, #tpu.memory_space<vmem>>)
    %dma_start3A_471 = arith.constant 10 : i32
    %dma_start3A_472 = arith.constant 2 : i32
    %dma_start3A_473 = arith.constant 2 : i32
    %dma_start3A_474 = arith.constant 0 : i32
    %dma_start3A_475 = arith.constant 0 : i32
    %dma_start3A_476 = tpu.memref_slice %arg6[%dma_start3A_472, %dma_start3A_474, %dma_start3A_475] : memref<8x50x64xf32, #tpu.memory_space<vmem>> -> memref<1x50x64xf32, #tpu.memory_space<vmem>>
    %dma_start3A_477 = tpu.memref_squeeze %dma_start3A_476 : memref<1x50x64xf32, #tpu.memory_space<vmem>> -> memref<50x64xf32, #tpu.memory_space<vmem>>
    %dma_start3A_478 = arith.constant 0 : i32
    %dma_start3A_479 = tpu.memref_slice %arg5[%dma_start3A_471, %dma_start3A_478] : memref<512x50xi32, #tpu.memory_space<vmem>> -> memref<1x50xi32, #tpu.memory_space<vmem>>
    %dma_start3A_480 = tpu.memref_squeeze %dma_start3A_479 : memref<1x50xi32, #tpu.memory_space<vmem>> -> memref<50xi32, #tpu.memory_space<vmem>>
    %dma_start3A_481 = arith.constant 0 : i32
    %dma_start3A_482 = arith.constant 0 : i32
    %dma_start3A_483 = tpu.memref_slice %arg2[%dma_start3A_481, %dma_start3A_482] : memref<1000000x64xf32, #tpu.memory_space<hbm>> -> memref<1000000x64xf32, #tpu.memory_space<hbm>>
    %dma_start3A_484 = tpu.memref_slice %arg7[%dma_start3A_473] : memref<8x!tpu.dma_semaphore, #tpu.memory_space<semaphore_mem>> -> memref<1x!tpu.dma_semaphore, #tpu.memory_space<semaphore_mem>>
    %dma_start3A_485 = tpu.memref_squeeze %dma_start3A_484 : memref<1x!tpu.dma_semaphore, #tpu.memory_space<semaphore_mem>> -> memref<!tpu.dma_semaphore, #tpu.memory_space<semaphore_mem>>
    tpu.enqueue_indirect_dma source(%dma_start3A_483 : memref<1000000x64xf32, #tpu.memory_space<hbm>>) target(%dma_start3A_477 : memref<50x64xf32, #tpu.memory_space<vmem>>) offsets(%dma_start3A_480 : memref<50xi32, #tpu.memory_space<vmem>>) semaphore(%dma_start3A_485 : memref<!tpu.dma_semaphore, #tpu.memory_space<semaphore_mem>>)
    %dma_wait3A_486 = arith.constant 7 : i32
    %dma_wait3A_487 = arith.constant 7 : i32
    %dma_wait3A_488 = arith.constant 0 : i32
    %dma_wait3A_489 = arith.constant 0 : i32
    %dma_wait3A_490 = tpu.memref_slice %arg6[%dma_wait3A_486, %dma_wait3A_488, %dma_wait3A_489] : memref<8x50x64xf32, #tpu.memory_space<vmem>> -> memref<1x50x64xf32, #tpu.memory_space<vmem>>
    %dma_wait3A_491 = tpu.memref_squeeze %dma_wait3A_490 : memref<1x50x64xf32, #tpu.memory_space<vmem>> -> memref<50x64xf32, #tpu.memory_space<vmem>>
    %dma_wait3A_492 = arith.constant 0 : i32
    %dma_wait3A_493 = arith.constant 0 : i32
    %dma_wait3A_494 = tpu.memref_slice %arg2[%dma_wait3A_492, %dma_wait3A_493] : memref<1000000x64xf32, #tpu.memory_space<hbm>> -> memref<50x64xf32, #tpu.memory_space<hbm>>
    %dma_wait3A_495 = tpu.memref_slice %arg7[%dma_wait3A_487] : memref<8x!tpu.dma_semaphore, #tpu.memory_space<semaphore_mem>> -> memref<1x!tpu.dma_semaphore, #tpu.memory_space<semaphore_mem>>
    %dma_wait3A_496 = tpu.memref_squeeze %dma_wait3A_495 : memref<1x!tpu.dma_semaphore, #tpu.memory_space<semaphore_mem>> -> memref<!tpu.dma_semaphore, #tpu.memory_space<semaphore_mem>>
    %dma_wait3A_497 = arith.constant 0 : i32
    %dma_wait3A_498 = arith.constant 0 : i32
    %dma_wait3A_499 = tpu.memref_slice %arg6[%dma_wait3A_486, %dma_wait3A_497, %dma_wait3A_498] : memref<8x50x64xf32, #tpu.memory_space<vmem>> -> memref<1x50x64xf32, #tpu.memory_space<vmem>>
    %dma_wait3A_500 = tpu.memref_squeeze %dma_wait3A_499 : memref<1x50x64xf32, #tpu.memory_space<vmem>> -> memref<50x64xf32, #tpu.memory_space<vmem>>
    %dma_wait3A_501 = arith.constant 0 : i32
    %dma_wait3A_502 = arith.constant 0 : i32
    %dma_wait3A_503 = tpu.memref_slice %arg2[%dma_wait3A_501, %dma_wait3A_502] : memref<1000000x64xf32, #tpu.memory_space<hbm>> -> memref<50x64xf32, #tpu.memory_space<hbm>>
    tpu.wait_dma2 semaphore(%dma_wait3A_496 : memref<!tpu.dma_semaphore, #tpu.memory_space<semaphore_mem>>) src(%dma_wait3A_503 : memref<50x64xf32, #tpu.memory_space<hbm>>) dst(%dma_wait3A_500 : memref<50x64xf32, #tpu.memory_space<vmem>>)
    %add3A_504 = arith.constant 7 : i32
    %add3A_505 = arith.addi %mul3A_2, %add3A_504 : i32
    %mul3A_506 = arith.constant 56 : i32
    %mul3A_507 = arith.muli %add3A_505, %mul3A_506 : i32
    %dma_start3A_508 = arith.constant 7 : i32
    %dma_start3A_509 = arith.constant 7 : i32
    %dma_start3A_510 = arith.constant 0 : i32
    %dma_start3A_511 = arith.constant 0 : i32
    %dma_start3A_512 = tpu.memref_slice %arg6[%dma_start3A_508, %dma_start3A_510, %dma_start3A_511] : memref<8x50x64xf32, #tpu.memory_space<vmem>> -> memref<1x50x64xf32, #tpu.memory_space<vmem>>
    %dma_start3A_513 = tpu.memref_squeeze %dma_start3A_512 : memref<1x50x64xf32, #tpu.memory_space<vmem>> -> memref<50x64xf32, #tpu.memory_space<vmem>>
    %dma_start3A_514 = arith.constant 0 : i32
    %dma_start3A_515 = tpu.memref_slice %arg4[%mul3A_507, %dma_start3A_514] : memref<917504x128xf32, #tpu.memory_space<hbm>> -> memref<50x64xf32, #tpu.memory_space<hbm>>
    %dma_start3A_516 = tpu.memref_slice %arg8[%dma_start3A_509] : memref<8x!tpu.dma_semaphore, #tpu.memory_space<semaphore_mem>> -> memref<1x!tpu.dma_semaphore, #tpu.memory_space<semaphore_mem>>
    %dma_start3A_517 = tpu.memref_squeeze %dma_start3A_516 : memref<1x!tpu.dma_semaphore, #tpu.memory_space<semaphore_mem>> -> memref<!tpu.dma_semaphore, #tpu.memory_space<semaphore_mem>>
    %dma_start3A_518 = arith.constant 0 : i32
    %dma_start3A_519 = tpu.memref_slice %arg4[%mul3A_507, %dma_start3A_518] : memref<917504x128xf32, #tpu.memory_space<hbm>> -> memref<50x64xf32, #tpu.memory_space<hbm>>
    %dma_start3A_520 = arith.constant 0 : i32
    %dma_start3A_521 = arith.constant 0 : i32
    %dma_start3A_522 = tpu.memref_slice %arg6[%dma_start3A_508, %dma_start3A_520, %dma_start3A_521] : memref<8x50x64xf32, #tpu.memory_space<vmem>> -> memref<1x50x64xf32, #tpu.memory_space<vmem>>
    %dma_start3A_523 = tpu.memref_squeeze %dma_start3A_522 : memref<1x50x64xf32, #tpu.memory_space<vmem>> -> memref<50x64xf32, #tpu.memory_space<vmem>>
    tpu.enqueue_dma source(%dma_start3A_523 : memref<50x64xf32, #tpu.memory_space<vmem>>) target(%dma_start3A_519 : memref<50x64xf32, #tpu.memory_space<hbm>>) target_semaphore(%dma_start3A_517 : memref<!tpu.dma_semaphore, #tpu.memory_space<semaphore_mem>>)
    %dma_wait3A_524 = arith.constant 3 : i32
    %dma_wait3A_525 = arith.constant 3 : i32
    %dma_wait3A_526 = arith.constant 0 : i32
    %dma_wait3A_527 = arith.constant 0 : i32
    %dma_wait3A_528 = tpu.memref_slice %arg6[%dma_wait3A_524, %dma_wait3A_526, %dma_wait3A_527] : memref<8x50x64xf32, #tpu.memory_space<vmem>> -> memref<1x50x64xf32, #tpu.memory_space<vmem>>
    %dma_wait3A_529 = tpu.memref_squeeze %dma_wait3A_528 : memref<1x50x64xf32, #tpu.memory_space<vmem>> -> memref<50x64xf32, #tpu.memory_space<vmem>>
    %dma_wait3A_530 = arith.constant 0 : i32
    %dma_wait3A_531 = arith.constant 0 : i32
    %dma_wait3A_532 = tpu.memref_slice %arg2[%dma_wait3A_530, %dma_wait3A_531] : memref<1000000x64xf32, #tpu.memory_space<hbm>> -> memref<50x64xf32, #tpu.memory_space<hbm>>
    %dma_wait3A_533 = tpu.memref_slice %arg8[%dma_wait3A_525] : memref<8x!tpu.dma_semaphore, #tpu.memory_space<semaphore_mem>> -> memref<1x!tpu.dma_semaphore, #tpu.memory_space<semaphore_mem>>
    %dma_wait3A_534 = tpu.memref_squeeze %dma_wait3A_533 : memref<1x!tpu.dma_semaphore, #tpu.memory_space<semaphore_mem>> -> memref<!tpu.dma_semaphore, #tpu.memory_space<semaphore_mem>>
    %dma_wait3A_535 = arith.constant 0 : i32
    %dma_wait3A_536 = arith.constant 0 : i32
    %dma_wait3A_537 = tpu.memref_slice %arg6[%dma_wait3A_524, %dma_wait3A_535, %dma_wait3A_536] : memref<8x50x64xf32, #tpu.memory_space<vmem>> -> memref<1x50x64xf32, #tpu.memory_space<vmem>>
    %dma_wait3A_538 = tpu.memref_squeeze %dma_wait3A_537 : memref<1x50x64xf32, #tpu.memory_space<vmem>> -> memref<50x64xf32, #tpu.memory_space<vmem>>
    %dma_wait3A_539 = arith.constant 0 : i32
    %dma_wait3A_540 = arith.constant 0 : i32
    %dma_wait3A_541 = tpu.memref_slice %arg2[%dma_wait3A_539, %dma_wait3A_540] : memref<1000000x64xf32, #tpu.memory_space<hbm>> -> memref<50x64xf32, #tpu.memory_space<hbm>>
    tpu.wait_dma2 semaphore(%dma_wait3A_534 : memref<!tpu.dma_semaphore, #tpu.memory_space<semaphore_mem>>) src(%dma_wait3A_541 : memref<50x64xf32, #tpu.memory_space<hbm>>) dst(%dma_wait3A_538 : memref<50x64xf32, #tpu.memory_space<vmem>>)
    %dma_start3A_542 = arith.constant 11 : i32
    %dma_start3A_543 = arith.constant 3 : i32
    %dma_start3A_544 = arith.constant 3 : i32
    %dma_start3A_545 = arith.constant 0 : i32
    %dma_start3A_546 = arith.constant 0 : i32
    %dma_start3A_547 = tpu.memref_slice %arg6[%dma_start3A_543, %dma_start3A_545, %dma_start3A_546] : memref<8x50x64xf32, #tpu.memory_space<vmem>> -> memref<1x50x64xf32, #tpu.memory_space<vmem>>
    %dma_start3A_548 = tpu.memref_squeeze %dma_start3A_547 : memref<1x50x64xf32, #tpu.memory_space<vmem>> -> memref<50x64xf32, #tpu.memory_space<vmem>>
    %dma_start3A_549 = arith.constant 0 : i32
    %dma_start3A_550 = tpu.memref_slice %arg5[%dma_start3A_542, %dma_start3A_549] : memref<512x50xi32, #tpu.memory_space<vmem>> -> memref<1x50xi32, #tpu.memory_space<vmem>>
    %dma_start3A_551 = tpu.memref_squeeze %dma_start3A_550 : memref<1x50xi32, #tpu.memory_space<vmem>> -> memref<50xi32, #tpu.memory_space<vmem>>
    %dma_start3A_552 = arith.constant 0 : i32
    %dma_start3A_553 = arith.constant 0 : i32
    %dma_start3A_554 = tpu.memref_slice %arg2[%dma_start3A_552, %dma_start3A_553] : memref<1000000x64xf32, #tpu.memory_space<hbm>> -> memref<1000000x64xf32, #tpu.memory_space<hbm>>
    %dma_start3A_555 = tpu.memref_slice %arg7[%dma_start3A_544] : memref<8x!tpu.dma_semaphore, #tpu.memory_space<semaphore_mem>> -> memref<1x!tpu.dma_semaphore, #tpu.memory_space<semaphore_mem>>
    %dma_start3A_556 = tpu.memref_squeeze %dma_start3A_555 : memref<1x!tpu.dma_semaphore, #tpu.memory_space<semaphore_mem>> -> memref<!tpu.dma_semaphore, #tpu.memory_space<semaphore_mem>>
    tpu.enqueue_indirect_dma source(%dma_start3A_554 : memref<1000000x64xf32, #tpu.memory_space<hbm>>) target(%dma_start3A_548 : memref<50x64xf32, #tpu.memory_space<vmem>>) offsets(%dma_start3A_551 : memref<50xi32, #tpu.memory_space<vmem>>) semaphore(%dma_start3A_556 : memref<!tpu.dma_semaphore, #tpu.memory_space<semaphore_mem>>)
    %scan3A = arith.constant 0 : i32
    %scan3A_557 = arith.constant 1 : i32
    %scan3A_558 = arith.constant 62 : i32
    %scan3A_559 = arith.addi %scan3A_557, %scan3A_558 : i32
    %scan3A_560 = arith.constant 1 : i32
    scf.for %scan3A_1142 = %scan3A_557 to %scan3A_559 step %scan3A_560  : i32 {
      %mul3A_1143 = arith.constant 8 : i32
      %mul3A_1144 = arith.muli %scan3A_1142, %mul3A_1143 : i32
      %add3A_1145 = arith.constant 0 : i32
      %add3A_1146 = arith.addi %mul3A_1144, %add3A_1145 : i32
      %dma_wait3A_1147 = arith.constant 0 : i32
      %dma_wait3A_1148 = arith.constant 0 : i32
      %dma_wait3A_1149 = arith.constant 0 : i32
      %dma_wait3A_1150 = arith.constant 0 : i32
      %dma_wait3A_1151 = tpu.memref_slice %arg6[%dma_wait3A_1147, %dma_wait3A_1149, %dma_wait3A_1150] : memref<8x50x64xf32, #tpu.memory_space<vmem>> -> memref<1x50x64xf32, #tpu.memory_space<vmem>>
      %dma_wait3A_1152 = tpu.memref_squeeze %dma_wait3A_1151 : memref<1x50x64xf32, #tpu.memory_space<vmem>> -> memref<50x64xf32, #tpu.memory_space<vmem>>
      %dma_wait3A_1153 = arith.constant 0 : i32
      %dma_wait3A_1154 = arith.constant 0 : i32
      %dma_wait3A_1155 = tpu.memref_slice %arg2[%dma_wait3A_1153, %dma_wait3A_1154] : memref<1000000x64xf32, #tpu.memory_space<hbm>> -> memref<50x64xf32, #tpu.memory_space<hbm>>
      %dma_wait3A_1156 = tpu.memref_slice %arg7[%dma_wait3A_1148] : memref<8x!tpu.dma_semaphore, #tpu.memory_space<semaphore_mem>> -> memref<1x!tpu.dma_semaphore, #tpu.memory_space<semaphore_mem>>
      %dma_wait3A_1157 = tpu.memref_squeeze %dma_wait3A_1156 : memref<1x!tpu.dma_semaphore, #tpu.memory_space<semaphore_mem>> -> memref<!tpu.dma_semaphore, #tpu.memory_space<semaphore_mem>>
      %dma_wait3A_1158 = arith.constant 0 : i32
      %dma_wait3A_1159 = arith.constant 0 : i32
      %dma_wait3A_1160 = tpu.memref_slice %arg6[%dma_wait3A_1147, %dma_wait3A_1158, %dma_wait3A_1159] : memref<8x50x64xf32, #tpu.memory_space<vmem>> -> memref<1x50x64xf32, #tpu.memory_space<vmem>>
      %dma_wait3A_1161 = tpu.memref_squeeze %dma_wait3A_1160 : memref<1x50x64xf32, #tpu.memory_space<vmem>> -> memref<50x64xf32, #tpu.memory_space<vmem>>
      %dma_wait3A_1162 = arith.constant 0 : i32
      %dma_wait3A_1163 = arith.constant 0 : i32
      %dma_wait3A_1164 = tpu.memref_slice %arg2[%dma_wait3A_1162, %dma_wait3A_1163] : memref<1000000x64xf32, #tpu.memory_space<hbm>> -> memref<50x64xf32, #tpu.memory_space<hbm>>
      tpu.wait_dma2 semaphore(%dma_wait3A_1157 : memref<!tpu.dma_semaphore, #tpu.memory_space<semaphore_mem>>) src(%dma_wait3A_1164 : memref<50x64xf32, #tpu.memory_space<hbm>>) dst(%dma_wait3A_1161 : memref<50x64xf32, #tpu.memory_space<vmem>>)
      %add3A_1165 = arith.addi %mul3A_2, %add3A_1146 : i32
      %mul3A_1166 = arith.constant 56 : i32
      %mul3A_1167 = arith.muli %add3A_1165, %mul3A_1166 : i32
      %dma_start3A_1168 = arith.constant 0 : i32
      %dma_start3A_1169 = arith.constant 0 : i32
      %dma_start3A_1170 = arith.constant 0 : i32
      %dma_start3A_1171 = arith.constant 0 : i32
      %dma_start3A_1172 = tpu.memref_slice %arg6[%dma_start3A_1168, %dma_start3A_1170, %dma_start3A_1171] : memref<8x50x64xf32, #tpu.memory_space<vmem>> -> memref<1x50x64xf32, #tpu.memory_space<vmem>>
      %dma_start3A_1173 = tpu.memref_squeeze %dma_start3A_1172 : memref<1x50x64xf32, #tpu.memory_space<vmem>> -> memref<50x64xf32, #tpu.memory_space<vmem>>
      %dma_start3A_1174 = arith.constant 0 : i32
      %dma_start3A_1175 = tpu.memref_slice %arg4[%mul3A_1167, %dma_start3A_1174] : memref<917504x128xf32, #tpu.memory_space<hbm>> -> memref<50x64xf32, #tpu.memory_space<hbm>>
      %dma_start3A_1176 = tpu.memref_slice %arg8[%dma_start3A_1169] : memref<8x!tpu.dma_semaphore, #tpu.memory_space<semaphore_mem>> -> memref<1x!tpu.dma_semaphore, #tpu.memory_space<semaphore_mem>>
      %dma_start3A_1177 = tpu.memref_squeeze %dma_start3A_1176 : memref<1x!tpu.dma_semaphore, #tpu.memory_space<semaphore_mem>> -> memref<!tpu.dma_semaphore, #tpu.memory_space<semaphore_mem>>
      %dma_start3A_1178 = arith.constant 0 : i32
      %dma_start3A_1179 = tpu.memref_slice %arg4[%mul3A_1167, %dma_start3A_1178] : memref<917504x128xf32, #tpu.memory_space<hbm>> -> memref<50x64xf32, #tpu.memory_space<hbm>>
      %dma_start3A_1180 = arith.constant 0 : i32
      %dma_start3A_1181 = arith.constant 0 : i32
      %dma_start3A_1182 = tpu.memref_slice %arg6[%dma_start3A_1168, %dma_start3A_1180, %dma_start3A_1181] : memref<8x50x64xf32, #tpu.memory_space<vmem>> -> memref<1x50x64xf32, #tpu.memory_space<vmem>>
      %dma_start3A_1183 = tpu.memref_squeeze %dma_start3A_1182 : memref<1x50x64xf32, #tpu.memory_space<vmem>> -> memref<50x64xf32, #tpu.memory_space<vmem>>
      tpu.enqueue_dma source(%dma_start3A_1183 : memref<50x64xf32, #tpu.memory_space<vmem>>) target(%dma_start3A_1179 : memref<50x64xf32, #tpu.memory_space<hbm>>) target_semaphore(%dma_start3A_1177 : memref<!tpu.dma_semaphore, #tpu.memory_space<semaphore_mem>>)
      %dma_wait3A_1184 = arith.constant 4 : i32
      %dma_wait3A_1185 = arith.constant 4 : i32
      %dma_wait3A_1186 = arith.constant 0 : i32
      %dma_wait3A_1187 = arith.constant 0 : i32
      %dma_wait3A_1188 = tpu.memref_slice %arg6[%dma_wait3A_1184, %dma_wait3A_1186, %dma_wait3A_1187] : memref<8x50x64xf32, #tpu.memory_space<vmem>> -> memref<1x50x64xf32, #tpu.memory_space<vmem>>
      %dma_wait3A_1189 = tpu.memref_squeeze %dma_wait3A_1188 : memref<1x50x64xf32, #tpu.memory_space<vmem>> -> memref<50x64xf32, #tpu.memory_space<vmem>>
      %dma_wait3A_1190 = arith.constant 0 : i32
      %dma_wait3A_1191 = arith.constant 0 : i32
      %dma_wait3A_1192 = tpu.memref_slice %arg2[%dma_wait3A_1190, %dma_wait3A_1191] : memref<1000000x64xf32, #tpu.memory_space<hbm>> -> memref<50x64xf32, #tpu.memory_space<hbm>>
      %dma_wait3A_1193 = tpu.memref_slice %arg8[%dma_wait3A_1185] : memref<8x!tpu.dma_semaphore, #tpu.memory_space<semaphore_mem>> -> memref<1x!tpu.dma_semaphore, #tpu.memory_space<semaphore_mem>>
      %dma_wait3A_1194 = tpu.memref_squeeze %dma_wait3A_1193 : memref<1x!tpu.dma_semaphore, #tpu.memory_space<semaphore_mem>> -> memref<!tpu.dma_semaphore, #tpu.memory_space<semaphore_mem>>
      %dma_wait3A_1195 = arith.constant 0 : i32
      %dma_wait3A_1196 = arith.constant 0 : i32
      %dma_wait3A_1197 = tpu.memref_slice %arg6[%dma_wait3A_1184, %dma_wait3A_1195, %dma_wait3A_1196] : memref<8x50x64xf32, #tpu.memory_space<vmem>> -> memref<1x50x64xf32, #tpu.memory_space<vmem>>
      %dma_wait3A_1198 = tpu.memref_squeeze %dma_wait3A_1197 : memref<1x50x64xf32, #tpu.memory_space<vmem>> -> memref<50x64xf32, #tpu.memory_space<vmem>>
      %dma_wait3A_1199 = arith.constant 0 : i32
      %dma_wait3A_1200 = arith.constant 0 : i32
      %dma_wait3A_1201 = tpu.memref_slice %arg2[%dma_wait3A_1199, %dma_wait3A_1200] : memref<1000000x64xf32, #tpu.memory_space<hbm>> -> memref<50x64xf32, #tpu.memory_space<hbm>>
      tpu.wait_dma2 semaphore(%dma_wait3A_1194 : memref<!tpu.dma_semaphore, #tpu.memory_space<semaphore_mem>>) src(%dma_wait3A_1201 : memref<50x64xf32, #tpu.memory_space<hbm>>) dst(%dma_wait3A_1198 : memref<50x64xf32, #tpu.memory_space<vmem>>)
      %add3A_1202 = arith.constant 4 : i32
      %add3A_1203 = arith.addi %add3A_1146, %add3A_1202 : i32
      %dma_start3A_1204 = arith.constant 4 : i32
      %dma_start3A_1205 = arith.constant 4 : i32
      %dma_start3A_1206 = arith.constant 0 : i32
      %dma_start3A_1207 = arith.constant 0 : i32
      %dma_start3A_1208 = tpu.memref_slice %arg6[%dma_start3A_1204, %dma_start3A_1206, %dma_start3A_1207] : memref<8x50x64xf32, #tpu.memory_space<vmem>> -> memref<1x50x64xf32, #tpu.memory_space<vmem>>
      %dma_start3A_1209 = tpu.memref_squeeze %dma_start3A_1208 : memref<1x50x64xf32, #tpu.memory_space<vmem>> -> memref<50x64xf32, #tpu.memory_space<vmem>>
      %dma_start3A_1210 = arith.constant 0 : i32
      %dma_start3A_1211 = tpu.memref_slice %arg5[%add3A_1203, %dma_start3A_1210] : memref<512x50xi32, #tpu.memory_space<vmem>> -> memref<1x50xi32, #tpu.memory_space<vmem>>
      %dma_start3A_1212 = tpu.memref_squeeze %dma_start3A_1211 : memref<1x50xi32, #tpu.memory_space<vmem>> -> memref<50xi32, #tpu.memory_space<vmem>>
      %dma_start3A_1213 = arith.constant 0 : i32
      %dma_start3A_1214 = arith.constant 0 : i32
      %dma_start3A_1215 = tpu.memref_slice %arg2[%dma_start3A_1213, %dma_start3A_1214] : memref<1000000x64xf32, #tpu.memory_space<hbm>> -> memref<1000000x64xf32, #tpu.memory_space<hbm>>
      %dma_start3A_1216 = tpu.memref_slice %arg7[%dma_start3A_1205] : memref<8x!tpu.dma_semaphore, #tpu.memory_space<semaphore_mem>> -> memref<1x!tpu.dma_semaphore, #tpu.memory_space<semaphore_mem>>
      %dma_start3A_1217 = tpu.memref_squeeze %dma_start3A_1216 : memref<1x!tpu.dma_semaphore, #tpu.memory_space<semaphore_mem>> -> memref<!tpu.dma_semaphore, #tpu.memory_space<semaphore_mem>>
      tpu.enqueue_indirect_dma source(%dma_start3A_1215 : memref<1000000x64xf32, #tpu.memory_space<hbm>>) target(%dma_start3A_1209 : memref<50x64xf32, #tpu.memory_space<vmem>>) offsets(%dma_start3A_1212 : memref<50xi32, #tpu.memory_space<vmem>>) semaphore(%dma_start3A_1217 : memref<!tpu.dma_semaphore, #tpu.memory_space<semaphore_mem>>)
      %add3A_1218 = arith.constant 1 : i32
      %add3A_1219 = arith.addi %mul3A_1144, %add3A_1218 : i32
      %dma_wait3A_1220 = arith.constant 1 : i32
      %dma_wait3A_1221 = arith.constant 1 : i32
      %dma_wait3A_1222 = arith.constant 0 : i32
      %dma_wait3A_1223 = arith.constant 0 : i32
      %dma_wait3A_1224 = tpu.memref_slice %arg6[%dma_wait3A_1220, %dma_wait3A_1222, %dma_wait3A_1223] : memref<8x50x64xf32, #tpu.memory_space<vmem>> -> memref<1x50x64xf32, #tpu.memory_space<vmem>>
      %dma_wait3A_1225 = tpu.memref_squeeze %dma_wait3A_1224 : memref<1x50x64xf32, #tpu.memory_space<vmem>> -> memref<50x64xf32, #tpu.memory_space<vmem>>
      %dma_wait3A_1226 = arith.constant 0 : i32
      %dma_wait3A_1227 = arith.constant 0 : i32
      %dma_wait3A_1228 = tpu.memref_slice %arg2[%dma_wait3A_1226, %dma_wait3A_1227] : memref<1000000x64xf32, #tpu.memory_space<hbm>> -> memref<50x64xf32, #tpu.memory_space<hbm>>
      %dma_wait3A_1229 = tpu.memref_slice %arg7[%dma_wait3A_1221] : memref<8x!tpu.dma_semaphore, #tpu.memory_space<semaphore_mem>> -> memref<1x!tpu.dma_semaphore, #tpu.memory_space<semaphore_mem>>
      %dma_wait3A_1230 = tpu.memref_squeeze %dma_wait3A_1229 : memref<1x!tpu.dma_semaphore, #tpu.memory_space<semaphore_mem>> -> memref<!tpu.dma_semaphore, #tpu.memory_space<semaphore_mem>>
      %dma_wait3A_1231 = arith.constant 0 : i32
      %dma_wait3A_1232 = arith.constant 0 : i32
      %dma_wait3A_1233 = tpu.memref_slice %arg6[%dma_wait3A_1220, %dma_wait3A_1231, %dma_wait3A_1232] : memref<8x50x64xf32, #tpu.memory_space<vmem>> -> memref<1x50x64xf32, #tpu.memory_space<vmem>>
      %dma_wait3A_1234 = tpu.memref_squeeze %dma_wait3A_1233 : memref<1x50x64xf32, #tpu.memory_space<vmem>> -> memref<50x64xf32, #tpu.memory_space<vmem>>
      %dma_wait3A_1235 = arith.constant 0 : i32
      %dma_wait3A_1236 = arith.constant 0 : i32
      %dma_wait3A_1237 = tpu.memref_slice %arg2[%dma_wait3A_1235, %dma_wait3A_1236] : memref<1000000x64xf32, #tpu.memory_space<hbm>> -> memref<50x64xf32, #tpu.memory_space<hbm>>
      tpu.wait_dma2 semaphore(%dma_wait3A_1230 : memref<!tpu.dma_semaphore, #tpu.memory_space<semaphore_mem>>) src(%dma_wait3A_1237 : memref<50x64xf32, #tpu.memory_space<hbm>>) dst(%dma_wait3A_1234 : memref<50x64xf32, #tpu.memory_space<vmem>>)
      %add3A_1238 = arith.addi %mul3A_2, %add3A_1219 : i32
      %mul3A_1239 = arith.constant 56 : i32
      %mul3A_1240 = arith.muli %add3A_1238, %mul3A_1239 : i32
      %dma_start3A_1241 = arith.constant 1 : i32
      %dma_start3A_1242 = arith.constant 1 : i32
      %dma_start3A_1243 = arith.constant 0 : i32
      %dma_start3A_1244 = arith.constant 0 : i32
      %dma_start3A_1245 = tpu.memref_slice %arg6[%dma_start3A_1241, %dma_start3A_1243, %dma_start3A_1244] : memref<8x50x64xf32, #tpu.memory_space<vmem>> -> memref<1x50x64xf32, #tpu.memory_space<vmem>>
      %dma_start3A_1246 = tpu.memref_squeeze %dma_start3A_1245 : memref<1x50x64xf32, #tpu.memory_space<vmem>> -> memref<50x64xf32, #tpu.memory_space<vmem>>
      %dma_start3A_1247 = arith.constant 0 : i32
      %dma_start3A_1248 = tpu.memref_slice %arg4[%mul3A_1240, %dma_start3A_1247] : memref<917504x128xf32, #tpu.memory_space<hbm>> -> memref<50x64xf32, #tpu.memory_space<hbm>>
      %dma_start3A_1249 = tpu.memref_slice %arg8[%dma_start3A_1242] : memref<8x!tpu.dma_semaphore, #tpu.memory_space<semaphore_mem>> -> memref<1x!tpu.dma_semaphore, #tpu.memory_space<semaphore_mem>>
      %dma_start3A_1250 = tpu.memref_squeeze %dma_start3A_1249 : memref<1x!tpu.dma_semaphore, #tpu.memory_space<semaphore_mem>> -> memref<!tpu.dma_semaphore, #tpu.memory_space<semaphore_mem>>
      %dma_start3A_1251 = arith.constant 0 : i32
      %dma_start3A_1252 = tpu.memref_slice %arg4[%mul3A_1240, %dma_start3A_1251] : memref<917504x128xf32, #tpu.memory_space<hbm>> -> memref<50x64xf32, #tpu.memory_space<hbm>>
      %dma_start3A_1253 = arith.constant 0 : i32
      %dma_start3A_1254 = arith.constant 0 : i32
      %dma_start3A_1255 = tpu.memref_slice %arg6[%dma_start3A_1241, %dma_start3A_1253, %dma_start3A_1254] : memref<8x50x64xf32, #tpu.memory_space<vmem>> -> memref<1x50x64xf32, #tpu.memory_space<vmem>>
      %dma_start3A_1256 = tpu.memref_squeeze %dma_start3A_1255 : memref<1x50x64xf32, #tpu.memory_space<vmem>> -> memref<50x64xf32, #tpu.memory_space<vmem>>
      tpu.enqueue_dma source(%dma_start3A_1256 : memref<50x64xf32, #tpu.memory_space<vmem>>) target(%dma_start3A_1252 : memref<50x64xf32, #tpu.memory_space<hbm>>) target_semaphore(%dma_start3A_1250 : memref<!tpu.dma_semaphore, #tpu.memory_space<semaphore_mem>>)
      %dma_wait3A_1257 = arith.constant 5 : i32
      %dma_wait3A_1258 = arith.constant 5 : i32
      %dma_wait3A_1259 = arith.constant 0 : i32
      %dma_wait3A_1260 = arith.constant 0 : i32
      %dma_wait3A_1261 = tpu.memref_slice %arg6[%dma_wait3A_1257, %dma_wait3A_1259, %dma_wait3A_1260] : memref<8x50x64xf32, #tpu.memory_space<vmem>> -> memref<1x50x64xf32, #tpu.memory_space<vmem>>
      %dma_wait3A_1262 = tpu.memref_squeeze %dma_wait3A_1261 : memref<1x50x64xf32, #tpu.memory_space<vmem>> -> memref<50x64xf32, #tpu.memory_space<vmem>>
      %dma_wait3A_1263 = arith.constant 0 : i32
      %dma_wait3A_1264 = arith.constant 0 : i32
      %dma_wait3A_1265 = tpu.memref_slice %arg2[%dma_wait3A_1263, %dma_wait3A_1264] : memref<1000000x64xf32, #tpu.memory_space<hbm>> -> memref<50x64xf32, #tpu.memory_space<hbm>>
      %dma_wait3A_1266 = tpu.memref_slice %arg8[%dma_wait3A_1258] : memref<8x!tpu.dma_semaphore, #tpu.memory_space<semaphore_mem>> -> memref<1x!tpu.dma_semaphore, #tpu.memory_space<semaphore_mem>>
      %dma_wait3A_1267 = tpu.memref_squeeze %dma_wait3A_1266 : memref<1x!tpu.dma_semaphore, #tpu.memory_space<semaphore_mem>> -> memref<!tpu.dma_semaphore, #tpu.memory_space<semaphore_mem>>
      %dma_wait3A_1268 = arith.constant 0 : i32
      %dma_wait3A_1269 = arith.constant 0 : i32
      %dma_wait3A_1270 = tpu.memref_slice %arg6[%dma_wait3A_1257, %dma_wait3A_1268, %dma_wait3A_1269] : memref<8x50x64xf32, #tpu.memory_space<vmem>> -> memref<1x50x64xf32, #tpu.memory_space<vmem>>
      %dma_wait3A_1271 = tpu.memref_squeeze %dma_wait3A_1270 : memref<1x50x64xf32, #tpu.memory_space<vmem>> -> memref<50x64xf32, #tpu.memory_space<vmem>>
      %dma_wait3A_1272 = arith.constant 0 : i32
      %dma_wait3A_1273 = arith.constant 0 : i32
      %dma_wait3A_1274 = tpu.memref_slice %arg2[%dma_wait3A_1272, %dma_wait3A_1273] : memref<1000000x64xf32, #tpu.memory_space<hbm>> -> memref<50x64xf32, #tpu.memory_space<hbm>>
      tpu.wait_dma2 semaphore(%dma_wait3A_1267 : memref<!tpu.dma_semaphore, #tpu.memory_space<semaphore_mem>>) src(%dma_wait3A_1274 : memref<50x64xf32, #tpu.memory_space<hbm>>) dst(%dma_wait3A_1271 : memref<50x64xf32, #tpu.memory_space<vmem>>)
      %add3A_1275 = arith.constant 4 : i32
      %add3A_1276 = arith.addi %add3A_1219, %add3A_1275 : i32
      %dma_start3A_1277 = arith.constant 5 : i32
      %dma_start3A_1278 = arith.constant 5 : i32
      %dma_start3A_1279 = arith.constant 0 : i32
      %dma_start3A_1280 = arith.constant 0 : i32
      %dma_start3A_1281 = tpu.memref_slice %arg6[%dma_start3A_1277, %dma_start3A_1279, %dma_start3A_1280] : memref<8x50x64xf32, #tpu.memory_space<vmem>> -> memref<1x50x64xf32, #tpu.memory_space<vmem>>
      %dma_start3A_1282 = tpu.memref_squeeze %dma_start3A_1281 : memref<1x50x64xf32, #tpu.memory_space<vmem>> -> memref<50x64xf32, #tpu.memory_space<vmem>>
      %dma_start3A_1283 = arith.constant 0 : i32
      %dma_start3A_1284 = tpu.memref_slice %arg5[%add3A_1276, %dma_start3A_1283] : memref<512x50xi32, #tpu.memory_space<vmem>> -> memref<1x50xi32, #tpu.memory_space<vmem>>
      %dma_start3A_1285 = tpu.memref_squeeze %dma_start3A_1284 : memref<1x50xi32, #tpu.memory_space<vmem>> -> memref<50xi32, #tpu.memory_space<vmem>>
      %dma_start3A_1286 = arith.constant 0 : i32
      %dma_start3A_1287 = arith.constant 0 : i32
      %dma_start3A_1288 = tpu.memref_slice %arg2[%dma_start3A_1286, %dma_start3A_1287] : memref<1000000x64xf32, #tpu.memory_space<hbm>> -> memref<1000000x64xf32, #tpu.memory_space<hbm>>
      %dma_start3A_1289 = tpu.memref_slice %arg7[%dma_start3A_1278] : memref<8x!tpu.dma_semaphore, #tpu.memory_space<semaphore_mem>> -> memref<1x!tpu.dma_semaphore, #tpu.memory_space<semaphore_mem>>
      %dma_start3A_1290 = tpu.memref_squeeze %dma_start3A_1289 : memref<1x!tpu.dma_semaphore, #tpu.memory_space<semaphore_mem>> -> memref<!tpu.dma_semaphore, #tpu.memory_space<semaphore_mem>>
      tpu.enqueue_indirect_dma source(%dma_start3A_1288 : memref<1000000x64xf32, #tpu.memory_space<hbm>>) target(%dma_start3A_1282 : memref<50x64xf32, #tpu.memory_space<vmem>>) offsets(%dma_start3A_1285 : memref<50xi32, #tpu.memory_space<vmem>>) semaphore(%dma_start3A_1290 : memref<!tpu.dma_semaphore, #tpu.memory_space<semaphore_mem>>)
      %add3A_1291 = arith.constant 2 : i32
      %add3A_1292 = arith.addi %mul3A_1144, %add3A_1291 : i32
      %dma_wait3A_1293 = arith.constant 2 : i32
      %dma_wait3A_1294 = arith.constant 2 : i32
      %dma_wait3A_1295 = arith.constant 0 : i32
      %dma_wait3A_1296 = arith.constant 0 : i32
      %dma_wait3A_1297 = tpu.memref_slice %arg6[%dma_wait3A_1293, %dma_wait3A_1295, %dma_wait3A_1296] : memref<8x50x64xf32, #tpu.memory_space<vmem>> -> memref<1x50x64xf32, #tpu.memory_space<vmem>>
      %dma_wait3A_1298 = tpu.memref_squeeze %dma_wait3A_1297 : memref<1x50x64xf32, #tpu.memory_space<vmem>> -> memref<50x64xf32, #tpu.memory_space<vmem>>
      %dma_wait3A_1299 = arith.constant 0 : i32
      %dma_wait3A_1300 = arith.constant 0 : i32
      %dma_wait3A_1301 = tpu.memref_slice %arg2[%dma_wait3A_1299, %dma_wait3A_1300] : memref<1000000x64xf32, #tpu.memory_space<hbm>> -> memref<50x64xf32, #tpu.memory_space<hbm>>
      %dma_wait3A_1302 = tpu.memref_slice %arg7[%dma_wait3A_1294] : memref<8x!tpu.dma_semaphore, #tpu.memory_space<semaphore_mem>> -> memref<1x!tpu.dma_semaphore, #tpu.memory_space<semaphore_mem>>
      %dma_wait3A_1303 = tpu.memref_squeeze %dma_wait3A_1302 : memref<1x!tpu.dma_semaphore, #tpu.memory_space<semaphore_mem>> -> memref<!tpu.dma_semaphore, #tpu.memory_space<semaphore_mem>>
      %dma_wait3A_1304 = arith.constant 0 : i32
      %dma_wait3A_1305 = arith.constant 0 : i32
      %dma_wait3A_1306 = tpu.memref_slice %arg6[%dma_wait3A_1293, %dma_wait3A_1304, %dma_wait3A_1305] : memref<8x50x64xf32, #tpu.memory_space<vmem>> -> memref<1x50x64xf32, #tpu.memory_space<vmem>>
      %dma_wait3A_1307 = tpu.memref_squeeze %dma_wait3A_1306 : memref<1x50x64xf32, #tpu.memory_space<vmem>> -> memref<50x64xf32, #tpu.memory_space<vmem>>
      %dma_wait3A_1308 = arith.constant 0 : i32
      %dma_wait3A_1309 = arith.constant 0 : i32
      %dma_wait3A_1310 = tpu.memref_slice %arg2[%dma_wait3A_1308, %dma_wait3A_1309] : memref<1000000x64xf32, #tpu.memory_space<hbm>> -> memref<50x64xf32, #tpu.memory_space<hbm>>
      tpu.wait_dma2 semaphore(%dma_wait3A_1303 : memref<!tpu.dma_semaphore, #tpu.memory_space<semaphore_mem>>) src(%dma_wait3A_1310 : memref<50x64xf32, #tpu.memory_space<hbm>>) dst(%dma_wait3A_1307 : memref<50x64xf32, #tpu.memory_space<vmem>>)
      %add3A_1311 = arith.addi %mul3A_2, %add3A_1292 : i32
      %mul3A_1312 = arith.constant 56 : i32
      %mul3A_1313 = arith.muli %add3A_1311, %mul3A_1312 : i32
      %dma_start3A_1314 = arith.constant 2 : i32
      %dma_start3A_1315 = arith.constant 2 : i32
      %dma_start3A_1316 = arith.constant 0 : i32
      %dma_start3A_1317 = arith.constant 0 : i32
      %dma_start3A_1318 = tpu.memref_slice %arg6[%dma_start3A_1314, %dma_start3A_1316, %dma_start3A_1317] : memref<8x50x64xf32, #tpu.memory_space<vmem>> -> memref<1x50x64xf32, #tpu.memory_space<vmem>>
      %dma_start3A_1319 = tpu.memref_squeeze %dma_start3A_1318 : memref<1x50x64xf32, #tpu.memory_space<vmem>> -> memref<50x64xf32, #tpu.memory_space<vmem>>
      %dma_start3A_1320 = arith.constant 0 : i32
      %dma_start3A_1321 = tpu.memref_slice %arg4[%mul3A_1313, %dma_start3A_1320] : memref<917504x128xf32, #tpu.memory_space<hbm>> -> memref<50x64xf32, #tpu.memory_space<hbm>>
      %dma_start3A_1322 = tpu.memref_slice %arg8[%dma_start3A_1315] : memref<8x!tpu.dma_semaphore, #tpu.memory_space<semaphore_mem>> -> memref<1x!tpu.dma_semaphore, #tpu.memory_space<semaphore_mem>>
      %dma_start3A_1323 = tpu.memref_squeeze %dma_start3A_1322 : memref<1x!tpu.dma_semaphore, #tpu.memory_space<semaphore_mem>> -> memref<!tpu.dma_semaphore, #tpu.memory_space<semaphore_mem>>
      %dma_start3A_1324 = arith.constant 0 : i32
      %dma_start3A_1325 = tpu.memref_slice %arg4[%mul3A_1313, %dma_start3A_1324] : memref<917504x128xf32, #tpu.memory_space<hbm>> -> memref<50x64xf32, #tpu.memory_space<hbm>>
      %dma_start3A_1326 = arith.constant 0 : i32
      %dma_start3A_1327 = arith.constant 0 : i32
      %dma_start3A_1328 = tpu.memref_slice %arg6[%dma_start3A_1314, %dma_start3A_1326, %dma_start3A_1327] : memref<8x50x64xf32, #tpu.memory_space<vmem>> -> memref<1x50x64xf32, #tpu.memory_space<vmem>>
      %dma_start3A_1329 = tpu.memref_squeeze %dma_start3A_1328 : memref<1x50x64xf32, #tpu.memory_space<vmem>> -> memref<50x64xf32, #tpu.memory_space<vmem>>
      tpu.enqueue_dma source(%dma_start3A_1329 : memref<50x64xf32, #tpu.memory_space<vmem>>) target(%dma_start3A_1325 : memref<50x64xf32, #tpu.memory_space<hbm>>) target_semaphore(%dma_start3A_1323 : memref<!tpu.dma_semaphore, #tpu.memory_space<semaphore_mem>>)
      %dma_wait3A_1330 = arith.constant 6 : i32
      %dma_wait3A_1331 = arith.constant 6 : i32
      %dma_wait3A_1332 = arith.constant 0 : i32
      %dma_wait3A_1333 = arith.constant 0 : i32
      %dma_wait3A_1334 = tpu.memref_slice %arg6[%dma_wait3A_1330, %dma_wait3A_1332, %dma_wait3A_1333] : memref<8x50x64xf32, #tpu.memory_space<vmem>> -> memref<1x50x64xf32, #tpu.memory_space<vmem>>
      %dma_wait3A_1335 = tpu.memref_squeeze %dma_wait3A_1334 : memref<1x50x64xf32, #tpu.memory_space<vmem>> -> memref<50x64xf32, #tpu.memory_space<vmem>>
      %dma_wait3A_1336 = arith.constant 0 : i32
      %dma_wait3A_1337 = arith.constant 0 : i32
      %dma_wait3A_1338 = tpu.memref_slice %arg2[%dma_wait3A_1336, %dma_wait3A_1337] : memref<1000000x64xf32, #tpu.memory_space<hbm>> -> memref<50x64xf32, #tpu.memory_space<hbm>>
      %dma_wait3A_1339 = tpu.memref_slice %arg8[%dma_wait3A_1331] : memref<8x!tpu.dma_semaphore, #tpu.memory_space<semaphore_mem>> -> memref<1x!tpu.dma_semaphore, #tpu.memory_space<semaphore_mem>>
      %dma_wait3A_1340 = tpu.memref_squeeze %dma_wait3A_1339 : memref<1x!tpu.dma_semaphore, #tpu.memory_space<semaphore_mem>> -> memref<!tpu.dma_semaphore, #tpu.memory_space<semaphore_mem>>
      %dma_wait3A_1341 = arith.constant 0 : i32
      %dma_wait3A_1342 = arith.constant 0 : i32
      %dma_wait3A_1343 = tpu.memref_slice %arg6[%dma_wait3A_1330, %dma_wait3A_1341, %dma_wait3A_1342] : memref<8x50x64xf32, #tpu.memory_space<vmem>> -> memref<1x50x64xf32, #tpu.memory_space<vmem>>
      %dma_wait3A_1344 = tpu.memref_squeeze %dma_wait3A_1343 : memref<1x50x64xf32, #tpu.memory_space<vmem>> -> memref<50x64xf32, #tpu.memory_space<vmem>>
      %dma_wait3A_1345 = arith.constant 0 : i32
      %dma_wait3A_1346 = arith.constant 0 : i32
      %dma_wait3A_1347 = tpu.memref_slice %arg2[%dma_wait3A_1345, %dma_wait3A_1346] : memref<1000000x64xf32, #tpu.memory_space<hbm>> -> memref<50x64xf32, #tpu.memory_space<hbm>>
      tpu.wait_dma2 semaphore(%dma_wait3A_1340 : memref<!tpu.dma_semaphore, #tpu.memory_space<semaphore_mem>>) src(%dma_wait3A_1347 : memref<50x64xf32, #tpu.memory_space<hbm>>) dst(%dma_wait3A_1344 : memref<50x64xf32, #tpu.memory_space<vmem>>)
      %add3A_1348 = arith.constant 4 : i32
      %add3A_1349 = arith.addi %add3A_1292, %add3A_1348 : i32
      %dma_start3A_1350 = arith.constant 6 : i32
      %dma_start3A_1351 = arith.constant 6 : i32
      %dma_start3A_1352 = arith.constant 0 : i32
      %dma_start3A_1353 = arith.constant 0 : i32
      %dma_start3A_1354 = tpu.memref_slice %arg6[%dma_start3A_1350, %dma_start3A_1352, %dma_start3A_1353] : memref<8x50x64xf32, #tpu.memory_space<vmem>> -> memref<1x50x64xf32, #tpu.memory_space<vmem>>
      %dma_start3A_1355 = tpu.memref_squeeze %dma_start3A_1354 : memref<1x50x64xf32, #tpu.memory_space<vmem>> -> memref<50x64xf32, #tpu.memory_space<vmem>>
      %dma_start3A_1356 = arith.constant 0 : i32
      %dma_start3A_1357 = tpu.memref_slice %arg5[%add3A_1349, %dma_start3A_1356] : memref<512x50xi32, #tpu.memory_space<vmem>> -> memref<1x50xi32, #tpu.memory_space<vmem>>
      %dma_start3A_1358 = tpu.memref_squeeze %dma_start3A_1357 : memref<1x50xi32, #tpu.memory_space<vmem>> -> memref<50xi32, #tpu.memory_space<vmem>>
      %dma_start3A_1359 = arith.constant 0 : i32
      %dma_start3A_1360 = arith.constant 0 : i32
      %dma_start3A_1361 = tpu.memref_slice %arg2[%dma_start3A_1359, %dma_start3A_1360] : memref<1000000x64xf32, #tpu.memory_space<hbm>> -> memref<1000000x64xf32, #tpu.memory_space<hbm>>
      %dma_start3A_1362 = tpu.memref_slice %arg7[%dma_start3A_1351] : memref<8x!tpu.dma_semaphore, #tpu.memory_space<semaphore_mem>> -> memref<1x!tpu.dma_semaphore, #tpu.memory_space<semaphore_mem>>
      %dma_start3A_1363 = tpu.memref_squeeze %dma_start3A_1362 : memref<1x!tpu.dma_semaphore, #tpu.memory_space<semaphore_mem>> -> memref<!tpu.dma_semaphore, #tpu.memory_space<semaphore_mem>>
      tpu.enqueue_indirect_dma source(%dma_start3A_1361 : memref<1000000x64xf32, #tpu.memory_space<hbm>>) target(%dma_start3A_1355 : memref<50x64xf32, #tpu.memory_space<vmem>>) offsets(%dma_start3A_1358 : memref<50xi32, #tpu.memory_space<vmem>>) semaphore(%dma_start3A_1363 : memref<!tpu.dma_semaphore, #tpu.memory_space<semaphore_mem>>)
      %add3A_1364 = arith.constant 3 : i32
      %add3A_1365 = arith.addi %mul3A_1144, %add3A_1364 : i32
      %dma_wait3A_1366 = arith.constant 3 : i32
      %dma_wait3A_1367 = arith.constant 3 : i32
      %dma_wait3A_1368 = arith.constant 0 : i32
      %dma_wait3A_1369 = arith.constant 0 : i32
      %dma_wait3A_1370 = tpu.memref_slice %arg6[%dma_wait3A_1366, %dma_wait3A_1368, %dma_wait3A_1369] : memref<8x50x64xf32, #tpu.memory_space<vmem>> -> memref<1x50x64xf32, #tpu.memory_space<vmem>>
      %dma_wait3A_1371 = tpu.memref_squeeze %dma_wait3A_1370 : memref<1x50x64xf32, #tpu.memory_space<vmem>> -> memref<50x64xf32, #tpu.memory_space<vmem>>
      %dma_wait3A_1372 = arith.constant 0 : i32
      %dma_wait3A_1373 = arith.constant 0 : i32
      %dma_wait3A_1374 = tpu.memref_slice %arg2[%dma_wait3A_1372, %dma_wait3A_1373] : memref<1000000x64xf32, #tpu.memory_space<hbm>> -> memref<50x64xf32, #tpu.memory_space<hbm>>
      %dma_wait3A_1375 = tpu.memref_slice %arg7[%dma_wait3A_1367] : memref<8x!tpu.dma_semaphore, #tpu.memory_space<semaphore_mem>> -> memref<1x!tpu.dma_semaphore, #tpu.memory_space<semaphore_mem>>
      %dma_wait3A_1376 = tpu.memref_squeeze %dma_wait3A_1375 : memref<1x!tpu.dma_semaphore, #tpu.memory_space<semaphore_mem>> -> memref<!tpu.dma_semaphore, #tpu.memory_space<semaphore_mem>>
      %dma_wait3A_1377 = arith.constant 0 : i32
      %dma_wait3A_1378 = arith.constant 0 : i32
      %dma_wait3A_1379 = tpu.memref_slice %arg6[%dma_wait3A_1366, %dma_wait3A_1377, %dma_wait3A_1378] : memref<8x50x64xf32, #tpu.memory_space<vmem>> -> memref<1x50x64xf32, #tpu.memory_space<vmem>>
      %dma_wait3A_1380 = tpu.memref_squeeze %dma_wait3A_1379 : memref<1x50x64xf32, #tpu.memory_space<vmem>> -> memref<50x64xf32, #tpu.memory_space<vmem>>
      %dma_wait3A_1381 = arith.constant 0 : i32
      %dma_wait3A_1382 = arith.constant 0 : i32
      %dma_wait3A_1383 = tpu.memref_slice %arg2[%dma_wait3A_1381, %dma_wait3A_1382] : memref<1000000x64xf32, #tpu.memory_space<hbm>> -> memref<50x64xf32, #tpu.memory_space<hbm>>
      tpu.wait_dma2 semaphore(%dma_wait3A_1376 : memref<!tpu.dma_semaphore, #tpu.memory_space<semaphore_mem>>) src(%dma_wait3A_1383 : memref<50x64xf32, #tpu.memory_space<hbm>>) dst(%dma_wait3A_1380 : memref<50x64xf32, #tpu.memory_space<vmem>>)
      %add3A_1384 = arith.addi %mul3A_2, %add3A_1365 : i32
      %mul3A_1385 = arith.constant 56 : i32
      %mul3A_1386 = arith.muli %add3A_1384, %mul3A_1385 : i32
      %dma_start3A_1387 = arith.constant 3 : i32
      %dma_start3A_1388 = arith.constant 3 : i32
      %dma_start3A_1389 = arith.constant 0 : i32
      %dma_start3A_1390 = arith.constant 0 : i32
      %dma_start3A_1391 = tpu.memref_slice %arg6[%dma_start3A_1387, %dma_start3A_1389, %dma_start3A_1390] : memref<8x50x64xf32, #tpu.memory_space<vmem>> -> memref<1x50x64xf32, #tpu.memory_space<vmem>>
      %dma_start3A_1392 = tpu.memref_squeeze %dma_start3A_1391 : memref<1x50x64xf32, #tpu.memory_space<vmem>> -> memref<50x64xf32, #tpu.memory_space<vmem>>
      %dma_start3A_1393 = arith.constant 0 : i32
      %dma_start3A_1394 = tpu.memref_slice %arg4[%mul3A_1386, %dma_start3A_1393] : memref<917504x128xf32, #tpu.memory_space<hbm>> -> memref<50x64xf32, #tpu.memory_space<hbm>>
      %dma_start3A_1395 = tpu.memref_slice %arg8[%dma_start3A_1388] : memref<8x!tpu.dma_semaphore, #tpu.memory_space<semaphore_mem>> -> memref<1x!tpu.dma_semaphore, #tpu.memory_space<semaphore_mem>>
      %dma_start3A_1396 = tpu.memref_squeeze %dma_start3A_1395 : memref<1x!tpu.dma_semaphore, #tpu.memory_space<semaphore_mem>> -> memref<!tpu.dma_semaphore, #tpu.memory_space<semaphore_mem>>
      %dma_start3A_1397 = arith.constant 0 : i32
      %dma_start3A_1398 = tpu.memref_slice %arg4[%mul3A_1386, %dma_start3A_1397] : memref<917504x128xf32, #tpu.memory_space<hbm>> -> memref<50x64xf32, #tpu.memory_space<hbm>>
      %dma_start3A_1399 = arith.constant 0 : i32
      %dma_start3A_1400 = arith.constant 0 : i32
      %dma_start3A_1401 = tpu.memref_slice %arg6[%dma_start3A_1387, %dma_start3A_1399, %dma_start3A_1400] : memref<8x50x64xf32, #tpu.memory_space<vmem>> -> memref<1x50x64xf32, #tpu.memory_space<vmem>>
      %dma_start3A_1402 = tpu.memref_squeeze %dma_start3A_1401 : memref<1x50x64xf32, #tpu.memory_space<vmem>> -> memref<50x64xf32, #tpu.memory_space<vmem>>
      tpu.enqueue_dma source(%dma_start3A_1402 : memref<50x64xf32, #tpu.memory_space<vmem>>) target(%dma_start3A_1398 : memref<50x64xf32, #tpu.memory_space<hbm>>) target_semaphore(%dma_start3A_1396 : memref<!tpu.dma_semaphore, #tpu.memory_space<semaphore_mem>>)
      %dma_wait3A_1403 = arith.constant 7 : i32
      %dma_wait3A_1404 = arith.constant 7 : i32
      %dma_wait3A_1405 = arith.constant 0 : i32
      %dma_wait3A_1406 = arith.constant 0 : i32
      %dma_wait3A_1407 = tpu.memref_slice %arg6[%dma_wait3A_1403, %dma_wait3A_1405, %dma_wait3A_1406] : memref<8x50x64xf32, #tpu.memory_space<vmem>> -> memref<1x50x64xf32, #tpu.memory_space<vmem>>
      %dma_wait3A_1408 = tpu.memref_squeeze %dma_wait3A_1407 : memref<1x50x64xf32, #tpu.memory_space<vmem>> -> memref<50x64xf32, #tpu.memory_space<vmem>>
      %dma_wait3A_1409 = arith.constant 0 : i32
      %dma_wait3A_1410 = arith.constant 0 : i32
      %dma_wait3A_1411 = tpu.memref_slice %arg2[%dma_wait3A_1409, %dma_wait3A_1410] : memref<1000000x64xf32, #tpu.memory_space<hbm>> -> memref<50x64xf32, #tpu.memory_space<hbm>>
      %dma_wait3A_1412 = tpu.memref_slice %arg8[%dma_wait3A_1404] : memref<8x!tpu.dma_semaphore, #tpu.memory_space<semaphore_mem>> -> memref<1x!tpu.dma_semaphore, #tpu.memory_space<semaphore_mem>>
      %dma_wait3A_1413 = tpu.memref_squeeze %dma_wait3A_1412 : memref<1x!tpu.dma_semaphore, #tpu.memory_space<semaphore_mem>> -> memref<!tpu.dma_semaphore, #tpu.memory_space<semaphore_mem>>
      %dma_wait3A_1414 = arith.constant 0 : i32
      %dma_wait3A_1415 = arith.constant 0 : i32
      %dma_wait3A_1416 = tpu.memref_slice %arg6[%dma_wait3A_1403, %dma_wait3A_1414, %dma_wait3A_1415] : memref<8x50x64xf32, #tpu.memory_space<vmem>> -> memref<1x50x64xf32, #tpu.memory_space<vmem>>
      %dma_wait3A_1417 = tpu.memref_squeeze %dma_wait3A_1416 : memref<1x50x64xf32, #tpu.memory_space<vmem>> -> memref<50x64xf32, #tpu.memory_space<vmem>>
      %dma_wait3A_1418 = arith.constant 0 : i32
      %dma_wait3A_1419 = arith.constant 0 : i32
      %dma_wait3A_1420 = tpu.memref_slice %arg2[%dma_wait3A_1418, %dma_wait3A_1419] : memref<1000000x64xf32, #tpu.memory_space<hbm>> -> memref<50x64xf32, #tpu.memory_space<hbm>>
      tpu.wait_dma2 semaphore(%dma_wait3A_1413 : memref<!tpu.dma_semaphore, #tpu.memory_space<semaphore_mem>>) src(%dma_wait3A_1420 : memref<50x64xf32, #tpu.memory_space<hbm>>) dst(%dma_wait3A_1417 : memref<50x64xf32, #tpu.memory_space<vmem>>)
      %add3A_1421 = arith.constant 4 : i32
      %add3A_1422 = arith.addi %add3A_1365, %add3A_1421 : i32
      %dma_start3A_1423 = arith.constant 7 : i32
      %dma_start3A_1424 = arith.constant 7 : i32
      %dma_start3A_1425 = arith.constant 0 : i32
      %dma_start3A_1426 = arith.constant 0 : i32
      %dma_start3A_1427 = tpu.memref_slice %arg6[%dma_start3A_1423, %dma_start3A_1425, %dma_start3A_1426] : memref<8x50x64xf32, #tpu.memory_space<vmem>> -> memref<1x50x64xf32, #tpu.memory_space<vmem>>
      %dma_start3A_1428 = tpu.memref_squeeze %dma_start3A_1427 : memref<1x50x64xf32, #tpu.memory_space<vmem>> -> memref<50x64xf32, #tpu.memory_space<vmem>>
      %dma_start3A_1429 = arith.constant 0 : i32
      %dma_start3A_1430 = tpu.memref_slice %arg5[%add3A_1422, %dma_start3A_1429] : memref<512x50xi32, #tpu.memory_space<vmem>> -> memref<1x50xi32, #tpu.memory_space<vmem>>
      %dma_start3A_1431 = tpu.memref_squeeze %dma_start3A_1430 : memref<1x50xi32, #tpu.memory_space<vmem>> -> memref<50xi32, #tpu.memory_space<vmem>>
      %dma_start3A_1432 = arith.constant 0 : i32
      %dma_start3A_1433 = arith.constant 0 : i32
      %dma_start3A_1434 = tpu.memref_slice %arg2[%dma_start3A_1432, %dma_start3A_1433] : memref<1000000x64xf32, #tpu.memory_space<hbm>> -> memref<1000000x64xf32, #tpu.memory_space<hbm>>
      %dma_start3A_1435 = tpu.memref_slice %arg7[%dma_start3A_1424] : memref<8x!tpu.dma_semaphore, #tpu.memory_space<semaphore_mem>> -> memref<1x!tpu.dma_semaphore, #tpu.memory_space<semaphore_mem>>
      %dma_start3A_1436 = tpu.memref_squeeze %dma_start3A_1435 : memref<1x!tpu.dma_semaphore, #tpu.memory_space<semaphore_mem>> -> memref<!tpu.dma_semaphore, #tpu.memory_space<semaphore_mem>>
      tpu.enqueue_indirect_dma source(%dma_start3A_1434 : memref<1000000x64xf32, #tpu.memory_space<hbm>>) target(%dma_start3A_1428 : memref<50x64xf32, #tpu.memory_space<vmem>>) offsets(%dma_start3A_1431 : memref<50xi32, #tpu.memory_space<vmem>>) semaphore(%dma_start3A_1436 : memref<!tpu.dma_semaphore, #tpu.memory_space<semaphore_mem>>)
      %add3A_1437 = arith.constant 4 : i32
      %add3A_1438 = arith.addi %mul3A_1144, %add3A_1437 : i32
      %dma_wait3A_1439 = arith.constant 4 : i32
      %dma_wait3A_1440 = arith.constant 4 : i32
      %dma_wait3A_1441 = arith.constant 0 : i32
      %dma_wait3A_1442 = arith.constant 0 : i32
      %dma_wait3A_1443 = tpu.memref_slice %arg6[%dma_wait3A_1439, %dma_wait3A_1441, %dma_wait3A_1442] : memref<8x50x64xf32, #tpu.memory_space<vmem>> -> memref<1x50x64xf32, #tpu.memory_space<vmem>>
      %dma_wait3A_1444 = tpu.memref_squeeze %dma_wait3A_1443 : memref<1x50x64xf32, #tpu.memory_space<vmem>> -> memref<50x64xf32, #tpu.memory_space<vmem>>
      %dma_wait3A_1445 = arith.constant 0 : i32
      %dma_wait3A_1446 = arith.constant 0 : i32
      %dma_wait3A_1447 = tpu.memref_slice %arg2[%dma_wait3A_1445, %dma_wait3A_1446] : memref<1000000x64xf32, #tpu.memory_space<hbm>> -> memref<50x64xf32, #tpu.memory_space<hbm>>
      %dma_wait3A_1448 = tpu.memref_slice %arg7[%dma_wait3A_1440] : memref<8x!tpu.dma_semaphore, #tpu.memory_space<semaphore_mem>> -> memref<1x!tpu.dma_semaphore, #tpu.memory_space<semaphore_mem>>
      %dma_wait3A_1449 = tpu.memref_squeeze %dma_wait3A_1448 : memref<1x!tpu.dma_semaphore, #tpu.memory_space<semaphore_mem>> -> memref<!tpu.dma_semaphore, #tpu.memory_space<semaphore_mem>>
      %dma_wait3A_1450 = arith.constant 0 : i32
      %dma_wait3A_1451 = arith.constant 0 : i32
      %dma_wait3A_1452 = tpu.memref_slice %arg6[%dma_wait3A_1439, %dma_wait3A_1450, %dma_wait3A_1451] : memref<8x50x64xf32, #tpu.memory_space<vmem>> -> memref<1x50x64xf32, #tpu.memory_space<vmem>>
      %dma_wait3A_1453 = tpu.memref_squeeze %dma_wait3A_1452 : memref<1x50x64xf32, #tpu.memory_space<vmem>> -> memref<50x64xf32, #tpu.memory_space<vmem>>
      %dma_wait3A_1454 = arith.constant 0 : i32
      %dma_wait3A_1455 = arith.constant 0 : i32
      %dma_wait3A_1456 = tpu.memref_slice %arg2[%dma_wait3A_1454, %dma_wait3A_1455] : memref<1000000x64xf32, #tpu.memory_space<hbm>> -> memref<50x64xf32, #tpu.memory_space<hbm>>
      tpu.wait_dma2 semaphore(%dma_wait3A_1449 : memref<!tpu.dma_semaphore, #tpu.memory_space<semaphore_mem>>) src(%dma_wait3A_1456 : memref<50x64xf32, #tpu.memory_space<hbm>>) dst(%dma_wait3A_1453 : memref<50x64xf32, #tpu.memory_space<vmem>>)
      %add3A_1457 = arith.addi %mul3A_2, %add3A_1438 : i32
      %mul3A_1458 = arith.constant 56 : i32
      %mul3A_1459 = arith.muli %add3A_1457, %mul3A_1458 : i32
      %dma_start3A_1460 = arith.constant 4 : i32
      %dma_start3A_1461 = arith.constant 4 : i32
      %dma_start3A_1462 = arith.constant 0 : i32
      %dma_start3A_1463 = arith.constant 0 : i32
      %dma_start3A_1464 = tpu.memref_slice %arg6[%dma_start3A_1460, %dma_start3A_1462, %dma_start3A_1463] : memref<8x50x64xf32, #tpu.memory_space<vmem>> -> memref<1x50x64xf32, #tpu.memory_space<vmem>>
      %dma_start3A_1465 = tpu.memref_squeeze %dma_start3A_1464 : memref<1x50x64xf32, #tpu.memory_space<vmem>> -> memref<50x64xf32, #tpu.memory_space<vmem>>
      %dma_start3A_1466 = arith.constant 0 : i32
      %dma_start3A_1467 = tpu.memref_slice %arg4[%mul3A_1459, %dma_start3A_1466] : memref<917504x128xf32, #tpu.memory_space<hbm>> -> memref<50x64xf32, #tpu.memory_space<hbm>>
      %dma_start3A_1468 = tpu.memref_slice %arg8[%dma_start3A_1461] : memref<8x!tpu.dma_semaphore, #tpu.memory_space<semaphore_mem>> -> memref<1x!tpu.dma_semaphore, #tpu.memory_space<semaphore_mem>>
      %dma_start3A_1469 = tpu.memref_squeeze %dma_start3A_1468 : memref<1x!tpu.dma_semaphore, #tpu.memory_space<semaphore_mem>> -> memref<!tpu.dma_semaphore, #tpu.memory_space<semaphore_mem>>
      %dma_start3A_1470 = arith.constant 0 : i32
      %dma_start3A_1471 = tpu.memref_slice %arg4[%mul3A_1459, %dma_start3A_1470] : memref<917504x128xf32, #tpu.memory_space<hbm>> -> memref<50x64xf32, #tpu.memory_space<hbm>>
      %dma_start3A_1472 = arith.constant 0 : i32
      %dma_start3A_1473 = arith.constant 0 : i32
      %dma_start3A_1474 = tpu.memref_slice %arg6[%dma_start3A_1460, %dma_start3A_1472, %dma_start3A_1473] : memref<8x50x64xf32, #tpu.memory_space<vmem>> -> memref<1x50x64xf32, #tpu.memory_space<vmem>>
      %dma_start3A_1475 = tpu.memref_squeeze %dma_start3A_1474 : memref<1x50x64xf32, #tpu.memory_space<vmem>> -> memref<50x64xf32, #tpu.memory_space<vmem>>
      tpu.enqueue_dma source(%dma_start3A_1475 : memref<50x64xf32, #tpu.memory_space<vmem>>) target(%dma_start3A_1471 : memref<50x64xf32, #tpu.memory_space<hbm>>) target_semaphore(%dma_start3A_1469 : memref<!tpu.dma_semaphore, #tpu.memory_space<semaphore_mem>>)
      %dma_wait3A_1476 = arith.constant 0 : i32
      %dma_wait3A_1477 = arith.constant 0 : i32
      %dma_wait3A_1478 = arith.constant 0 : i32
      %dma_wait3A_1479 = arith.constant 0 : i32
      %dma_wait3A_1480 = tpu.memref_slice %arg6[%dma_wait3A_1476, %dma_wait3A_1478, %dma_wait3A_1479] : memref<8x50x64xf32, #tpu.memory_space<vmem>> -> memref<1x50x64xf32, #tpu.memory_space<vmem>>
      %dma_wait3A_1481 = tpu.memref_squeeze %dma_wait3A_1480 : memref<1x50x64xf32, #tpu.memory_space<vmem>> -> memref<50x64xf32, #tpu.memory_space<vmem>>
      %dma_wait3A_1482 = arith.constant 0 : i32
      %dma_wait3A_1483 = arith.constant 0 : i32
      %dma_wait3A_1484 = tpu.memref_slice %arg2[%dma_wait3A_1482, %dma_wait3A_1483] : memref<1000000x64xf32, #tpu.memory_space<hbm>> -> memref<50x64xf32, #tpu.memory_space<hbm>>
      %dma_wait3A_1485 = tpu.memref_slice %arg8[%dma_wait3A_1477] : memref<8x!tpu.dma_semaphore, #tpu.memory_space<semaphore_mem>> -> memref<1x!tpu.dma_semaphore, #tpu.memory_space<semaphore_mem>>
      %dma_wait3A_1486 = tpu.memref_squeeze %dma_wait3A_1485 : memref<1x!tpu.dma_semaphore, #tpu.memory_space<semaphore_mem>> -> memref<!tpu.dma_semaphore, #tpu.memory_space<semaphore_mem>>
      %dma_wait3A_1487 = arith.constant 0 : i32
      %dma_wait3A_1488 = arith.constant 0 : i32
      %dma_wait3A_1489 = tpu.memref_slice %arg6[%dma_wait3A_1476, %dma_wait3A_1487, %dma_wait3A_1488] : memref<8x50x64xf32, #tpu.memory_space<vmem>> -> memref<1x50x64xf32, #tpu.memory_space<vmem>>
      %dma_wait3A_1490 = tpu.memref_squeeze %dma_wait3A_1489 : memref<1x50x64xf32, #tpu.memory_space<vmem>> -> memref<50x64xf32, #tpu.memory_space<vmem>>
      %dma_wait3A_1491 = arith.constant 0 : i32
      %dma_wait3A_1492 = arith.constant 0 : i32
      %dma_wait3A_1493 = tpu.memref_slice %arg2[%dma_wait3A_1491, %dma_wait3A_1492] : memref<1000000x64xf32, #tpu.memory_space<hbm>> -> memref<50x64xf32, #tpu.memory_space<hbm>>
      tpu.wait_dma2 semaphore(%dma_wait3A_1486 : memref<!tpu.dma_semaphore, #tpu.memory_space<semaphore_mem>>) src(%dma_wait3A_1493 : memref<50x64xf32, #tpu.memory_space<hbm>>) dst(%dma_wait3A_1490 : memref<50x64xf32, #tpu.memory_space<vmem>>)
      %add3A_1494 = arith.constant 4 : i32
      %add3A_1495 = arith.addi %add3A_1438, %add3A_1494 : i32
      %dma_start3A_1496 = arith.constant 0 : i32
      %dma_start3A_1497 = arith.constant 0 : i32
      %dma_start3A_1498 = arith.constant 0 : i32
      %dma_start3A_1499 = arith.constant 0 : i32
      %dma_start3A_1500 = tpu.memref_slice %arg6[%dma_start3A_1496, %dma_start3A_1498, %dma_start3A_1499] : memref<8x50x64xf32, #tpu.memory_space<vmem>> -> memref<1x50x64xf32, #tpu.memory_space<vmem>>
      %dma_start3A_1501 = tpu.memref_squeeze %dma_start3A_1500 : memref<1x50x64xf32, #tpu.memory_space<vmem>> -> memref<50x64xf32, #tpu.memory_space<vmem>>
      %dma_start3A_1502 = arith.constant 0 : i32
      %dma_start3A_1503 = tpu.memref_slice %arg5[%add3A_1495, %dma_start3A_1502] : memref<512x50xi32, #tpu.memory_space<vmem>> -> memref<1x50xi32, #tpu.memory_space<vmem>>
      %dma_start3A_1504 = tpu.memref_squeeze %dma_start3A_1503 : memref<1x50xi32, #tpu.memory_space<vmem>> -> memref<50xi32, #tpu.memory_space<vmem>>
      %dma_start3A_1505 = arith.constant 0 : i32
      %dma_start3A_1506 = arith.constant 0 : i32
      %dma_start3A_1507 = tpu.memref_slice %arg2[%dma_start3A_1505, %dma_start3A_1506] : memref<1000000x64xf32, #tpu.memory_space<hbm>> -> memref<1000000x64xf32, #tpu.memory_space<hbm>>
      %dma_start3A_1508 = tpu.memref_slice %arg7[%dma_start3A_1497] : memref<8x!tpu.dma_semaphore, #tpu.memory_space<semaphore_mem>> -> memref<1x!tpu.dma_semaphore, #tpu.memory_space<semaphore_mem>>
      %dma_start3A_1509 = tpu.memref_squeeze %dma_start3A_1508 : memref<1x!tpu.dma_semaphore, #tpu.memory_space<semaphore_mem>> -> memref<!tpu.dma_semaphore, #tpu.memory_space<semaphore_mem>>
      tpu.enqueue_indirect_dma source(%dma_start3A_1507 : memref<1000000x64xf32, #tpu.memory_space<hbm>>) target(%dma_start3A_1501 : memref<50x64xf32, #tpu.memory_space<vmem>>) offsets(%dma_start3A_1504 : memref<50xi32, #tpu.memory_space<vmem>>) semaphore(%dma_start3A_1509 : memref<!tpu.dma_semaphore, #tpu.memory_space<semaphore_mem>>)
      %add3A_1510 = arith.constant 5 : i32
      %add3A_1511 = arith.addi %mul3A_1144, %add3A_1510 : i32
      %dma_wait3A_1512 = arith.constant 5 : i32
      %dma_wait3A_1513 = arith.constant 5 : i32
      %dma_wait3A_1514 = arith.constant 0 : i32
      %dma_wait3A_1515 = arith.constant 0 : i32
      %dma_wait3A_1516 = tpu.memref_slice %arg6[%dma_wait3A_1512, %dma_wait3A_1514, %dma_wait3A_1515] : memref<8x50x64xf32, #tpu.memory_space<vmem>> -> memref<1x50x64xf32, #tpu.memory_space<vmem>>
      %dma_wait3A_1517 = tpu.memref_squeeze %dma_wait3A_1516 : memref<1x50x64xf32, #tpu.memory_space<vmem>> -> memref<50x64xf32, #tpu.memory_space<vmem>>
      %dma_wait3A_1518 = arith.constant 0 : i32
      %dma_wait3A_1519 = arith.constant 0 : i32
      %dma_wait3A_1520 = tpu.memref_slice %arg2[%dma_wait3A_1518, %dma_wait3A_1519] : memref<1000000x64xf32, #tpu.memory_space<hbm>> -> memref<50x64xf32, #tpu.memory_space<hbm>>
      %dma_wait3A_1521 = tpu.memref_slice %arg7[%dma_wait3A_1513] : memref<8x!tpu.dma_semaphore, #tpu.memory_space<semaphore_mem>> -> memref<1x!tpu.dma_semaphore, #tpu.memory_space<semaphore_mem>>
      %dma_wait3A_1522 = tpu.memref_squeeze %dma_wait3A_1521 : memref<1x!tpu.dma_semaphore, #tpu.memory_space<semaphore_mem>> -> memref<!tpu.dma_semaphore, #tpu.memory_space<semaphore_mem>>
      %dma_wait3A_1523 = arith.constant 0 : i32
      %dma_wait3A_1524 = arith.constant 0 : i32
      %dma_wait3A_1525 = tpu.memref_slice %arg6[%dma_wait3A_1512, %dma_wait3A_1523, %dma_wait3A_1524] : memref<8x50x64xf32, #tpu.memory_space<vmem>> -> memref<1x50x64xf32, #tpu.memory_space<vmem>>
      %dma_wait3A_1526 = tpu.memref_squeeze %dma_wait3A_1525 : memref<1x50x64xf32, #tpu.memory_space<vmem>> -> memref<50x64xf32, #tpu.memory_space<vmem>>
      %dma_wait3A_1527 = arith.constant 0 : i32
      %dma_wait3A_1528 = arith.constant 0 : i32
      %dma_wait3A_1529 = tpu.memref_slice %arg2[%dma_wait3A_1527, %dma_wait3A_1528] : memref<1000000x64xf32, #tpu.memory_space<hbm>> -> memref<50x64xf32, #tpu.memory_space<hbm>>
      tpu.wait_dma2 semaphore(%dma_wait3A_1522 : memref<!tpu.dma_semaphore, #tpu.memory_space<semaphore_mem>>) src(%dma_wait3A_1529 : memref<50x64xf32, #tpu.memory_space<hbm>>) dst(%dma_wait3A_1526 : memref<50x64xf32, #tpu.memory_space<vmem>>)
      %add3A_1530 = arith.addi %mul3A_2, %add3A_1511 : i32
      %mul3A_1531 = arith.constant 56 : i32
      %mul3A_1532 = arith.muli %add3A_1530, %mul3A_1531 : i32
      %dma_start3A_1533 = arith.constant 5 : i32
      %dma_start3A_1534 = arith.constant 5 : i32
      %dma_start3A_1535 = arith.constant 0 : i32
      %dma_start3A_1536 = arith.constant 0 : i32
      %dma_start3A_1537 = tpu.memref_slice %arg6[%dma_start3A_1533, %dma_start3A_1535, %dma_start3A_1536] : memref<8x50x64xf32, #tpu.memory_space<vmem>> -> memref<1x50x64xf32, #tpu.memory_space<vmem>>
      %dma_start3A_1538 = tpu.memref_squeeze %dma_start3A_1537 : memref<1x50x64xf32, #tpu.memory_space<vmem>> -> memref<50x64xf32, #tpu.memory_space<vmem>>
      %dma_start3A_1539 = arith.constant 0 : i32
      %dma_start3A_1540 = tpu.memref_slice %arg4[%mul3A_1532, %dma_start3A_1539] : memref<917504x128xf32, #tpu.memory_space<hbm>> -> memref<50x64xf32, #tpu.memory_space<hbm>>
      %dma_start3A_1541 = tpu.memref_slice %arg8[%dma_start3A_1534] : memref<8x!tpu.dma_semaphore, #tpu.memory_space<semaphore_mem>> -> memref<1x!tpu.dma_semaphore, #tpu.memory_space<semaphore_mem>>
      %dma_start3A_1542 = tpu.memref_squeeze %dma_start3A_1541 : memref<1x!tpu.dma_semaphore, #tpu.memory_space<semaphore_mem>> -> memref<!tpu.dma_semaphore, #tpu.memory_space<semaphore_mem>>
      %dma_start3A_1543 = arith.constant 0 : i32
      %dma_start3A_1544 = tpu.memref_slice %arg4[%mul3A_1532, %dma_start3A_1543] : memref<917504x128xf32, #tpu.memory_space<hbm>> -> memref<50x64xf32, #tpu.memory_space<hbm>>
      %dma_start3A_1545 = arith.constant 0 : i32
      %dma_start3A_1546 = arith.constant 0 : i32
      %dma_start3A_1547 = tpu.memref_slice %arg6[%dma_start3A_1533, %dma_start3A_1545, %dma_start3A_1546] : memref<8x50x64xf32, #tpu.memory_space<vmem>> -> memref<1x50x64xf32, #tpu.memory_space<vmem>>
      %dma_start3A_1548 = tpu.memref_squeeze %dma_start3A_1547 : memref<1x50x64xf32, #tpu.memory_space<vmem>> -> memref<50x64xf32, #tpu.memory_space<vmem>>
      tpu.enqueue_dma source(%dma_start3A_1548 : memref<50x64xf32, #tpu.memory_space<vmem>>) target(%dma_start3A_1544 : memref<50x64xf32, #tpu.memory_space<hbm>>) target_semaphore(%dma_start3A_1542 : memref<!tpu.dma_semaphore, #tpu.memory_space<semaphore_mem>>)
      %dma_wait3A_1549 = arith.constant 1 : i32
      %dma_wait3A_1550 = arith.constant 1 : i32
      %dma_wait3A_1551 = arith.constant 0 : i32
      %dma_wait3A_1552 = arith.constant 0 : i32
      %dma_wait3A_1553 = tpu.memref_slice %arg6[%dma_wait3A_1549, %dma_wait3A_1551, %dma_wait3A_1552] : memref<8x50x64xf32, #tpu.memory_space<vmem>> -> memref<1x50x64xf32, #tpu.memory_space<vmem>>
      %dma_wait3A_1554 = tpu.memref_squeeze %dma_wait3A_1553 : memref<1x50x64xf32, #tpu.memory_space<vmem>> -> memref<50x64xf32, #tpu.memory_space<vmem>>
      %dma_wait3A_1555 = arith.constant 0 : i32
      %dma_wait3A_1556 = arith.constant 0 : i32
      %dma_wait3A_1557 = tpu.memref_slice %arg2[%dma_wait3A_1555, %dma_wait3A_1556] : memref<1000000x64xf32, #tpu.memory_space<hbm>> -> memref<50x64xf32, #tpu.memory_space<hbm>>
      %dma_wait3A_1558 = tpu.memref_slice %arg8[%dma_wait3A_1550] : memref<8x!tpu.dma_semaphore, #tpu.memory_space<semaphore_mem>> -> memref<1x!tpu.dma_semaphore, #tpu.memory_space<semaphore_mem>>
      %dma_wait3A_1559 = tpu.memref_squeeze %dma_wait3A_1558 : memref<1x!tpu.dma_semaphore, #tpu.memory_space<semaphore_mem>> -> memref<!tpu.dma_semaphore, #tpu.memory_space<semaphore_mem>>
      %dma_wait3A_1560 = arith.constant 0 : i32
      %dma_wait3A_1561 = arith.constant 0 : i32
      %dma_wait3A_1562 = tpu.memref_slice %arg6[%dma_wait3A_1549, %dma_wait3A_1560, %dma_wait3A_1561] : memref<8x50x64xf32, #tpu.memory_space<vmem>> -> memref<1x50x64xf32, #tpu.memory_space<vmem>>
      %dma_wait3A_1563 = tpu.memref_squeeze %dma_wait3A_1562 : memref<1x50x64xf32, #tpu.memory_space<vmem>> -> memref<50x64xf32, #tpu.memory_space<vmem>>
      %dma_wait3A_1564 = arith.constant 0 : i32
      %dma_wait3A_1565 = arith.constant 0 : i32
      %dma_wait3A_1566 = tpu.memref_slice %arg2[%dma_wait3A_1564, %dma_wait3A_1565] : memref<1000000x64xf32, #tpu.memory_space<hbm>> -> memref<50x64xf32, #tpu.memory_space<hbm>>
      tpu.wait_dma2 semaphore(%dma_wait3A_1559 : memref<!tpu.dma_semaphore, #tpu.memory_space<semaphore_mem>>) src(%dma_wait3A_1566 : memref<50x64xf32, #tpu.memory_space<hbm>>) dst(%dma_wait3A_1563 : memref<50x64xf32, #tpu.memory_space<vmem>>)
      %add3A_1567 = arith.constant 4 : i32
      %add3A_1568 = arith.addi %add3A_1511, %add3A_1567 : i32
      %dma_start3A_1569 = arith.constant 1 : i32
      %dma_start3A_1570 = arith.constant 1 : i32
      %dma_start3A_1571 = arith.constant 0 : i32
      %dma_start3A_1572 = arith.constant 0 : i32
      %dma_start3A_1573 = tpu.memref_slice %arg6[%dma_start3A_1569, %dma_start3A_1571, %dma_start3A_1572] : memref<8x50x64xf32, #tpu.memory_space<vmem>> -> memref<1x50x64xf32, #tpu.memory_space<vmem>>
      %dma_start3A_1574 = tpu.memref_squeeze %dma_start3A_1573 : memref<1x50x64xf32, #tpu.memory_space<vmem>> -> memref<50x64xf32, #tpu.memory_space<vmem>>
      %dma_start3A_1575 = arith.constant 0 : i32
      %dma_start3A_1576 = tpu.memref_slice %arg5[%add3A_1568, %dma_start3A_1575] : memref<512x50xi32, #tpu.memory_space<vmem>> -> memref<1x50xi32, #tpu.memory_space<vmem>>
      %dma_start3A_1577 = tpu.memref_squeeze %dma_start3A_1576 : memref<1x50xi32, #tpu.memory_space<vmem>> -> memref<50xi32, #tpu.memory_space<vmem>>
      %dma_start3A_1578 = arith.constant 0 : i32
      %dma_start3A_1579 = arith.constant 0 : i32
      %dma_start3A_1580 = tpu.memref_slice %arg2[%dma_start3A_1578, %dma_start3A_1579] : memref<1000000x64xf32, #tpu.memory_space<hbm>> -> memref<1000000x64xf32, #tpu.memory_space<hbm>>
      %dma_start3A_1581 = tpu.memref_slice %arg7[%dma_start3A_1570] : memref<8x!tpu.dma_semaphore, #tpu.memory_space<semaphore_mem>> -> memref<1x!tpu.dma_semaphore, #tpu.memory_space<semaphore_mem>>
      %dma_start3A_1582 = tpu.memref_squeeze %dma_start3A_1581 : memref<1x!tpu.dma_semaphore, #tpu.memory_space<semaphore_mem>> -> memref<!tpu.dma_semaphore, #tpu.memory_space<semaphore_mem>>
      tpu.enqueue_indirect_dma source(%dma_start3A_1580 : memref<1000000x64xf32, #tpu.memory_space<hbm>>) target(%dma_start3A_1574 : memref<50x64xf32, #tpu.memory_space<vmem>>) offsets(%dma_start3A_1577 : memref<50xi32, #tpu.memory_space<vmem>>) semaphore(%dma_start3A_1582 : memref<!tpu.dma_semaphore, #tpu.memory_space<semaphore_mem>>)
      %add3A_1583 = arith.constant 6 : i32
      %add3A_1584 = arith.addi %mul3A_1144, %add3A_1583 : i32
      %dma_wait3A_1585 = arith.constant 6 : i32
      %dma_wait3A_1586 = arith.constant 6 : i32
      %dma_wait3A_1587 = arith.constant 0 : i32
      %dma_wait3A_1588 = arith.constant 0 : i32
      %dma_wait3A_1589 = tpu.memref_slice %arg6[%dma_wait3A_1585, %dma_wait3A_1587, %dma_wait3A_1588] : memref<8x50x64xf32, #tpu.memory_space<vmem>> -> memref<1x50x64xf32, #tpu.memory_space<vmem>>
      %dma_wait3A_1590 = tpu.memref_squeeze %dma_wait3A_1589 : memref<1x50x64xf32, #tpu.memory_space<vmem>> -> memref<50x64xf32, #tpu.memory_space<vmem>>
      %dma_wait3A_1591 = arith.constant 0 : i32
      %dma_wait3A_1592 = arith.constant 0 : i32
      %dma_wait3A_1593 = tpu.memref_slice %arg2[%dma_wait3A_1591, %dma_wait3A_1592] : memref<1000000x64xf32, #tpu.memory_space<hbm>> -> memref<50x64xf32, #tpu.memory_space<hbm>>
      %dma_wait3A_1594 = tpu.memref_slice %arg7[%dma_wait3A_1586] : memref<8x!tpu.dma_semaphore, #tpu.memory_space<semaphore_mem>> -> memref<1x!tpu.dma_semaphore, #tpu.memory_space<semaphore_mem>>
      %dma_wait3A_1595 = tpu.memref_squeeze %dma_wait3A_1594 : memref<1x!tpu.dma_semaphore, #tpu.memory_space<semaphore_mem>> -> memref<!tpu.dma_semaphore, #tpu.memory_space<semaphore_mem>>
      %dma_wait3A_1596 = arith.constant 0 : i32
      %dma_wait3A_1597 = arith.constant 0 : i32
      %dma_wait3A_1598 = tpu.memref_slice %arg6[%dma_wait3A_1585, %dma_wait3A_1596, %dma_wait3A_1597] : memref<8x50x64xf32, #tpu.memory_space<vmem>> -> memref<1x50x64xf32, #tpu.memory_space<vmem>>
      %dma_wait3A_1599 = tpu.memref_squeeze %dma_wait3A_1598 : memref<1x50x64xf32, #tpu.memory_space<vmem>> -> memref<50x64xf32, #tpu.memory_space<vmem>>
      %dma_wait3A_1600 = arith.constant 0 : i32
      %dma_wait3A_1601 = arith.constant 0 : i32
      %dma_wait3A_1602 = tpu.memref_slice %arg2[%dma_wait3A_1600, %dma_wait3A_1601] : memref<1000000x64xf32, #tpu.memory_space<hbm>> -> memref<50x64xf32, #tpu.memory_space<hbm>>
      tpu.wait_dma2 semaphore(%dma_wait3A_1595 : memref<!tpu.dma_semaphore, #tpu.memory_space<semaphore_mem>>) src(%dma_wait3A_1602 : memref<50x64xf32, #tpu.memory_space<hbm>>) dst(%dma_wait3A_1599 : memref<50x64xf32, #tpu.memory_space<vmem>>)
      %add3A_1603 = arith.addi %mul3A_2, %add3A_1584 : i32
      %mul3A_1604 = arith.constant 56 : i32
      %mul3A_1605 = arith.muli %add3A_1603, %mul3A_1604 : i32
      %dma_start3A_1606 = arith.constant 6 : i32
      %dma_start3A_1607 = arith.constant 6 : i32
      %dma_start3A_1608 = arith.constant 0 : i32
      %dma_start3A_1609 = arith.constant 0 : i32
      %dma_start3A_1610 = tpu.memref_slice %arg6[%dma_start3A_1606, %dma_start3A_1608, %dma_start3A_1609] : memref<8x50x64xf32, #tpu.memory_space<vmem>> -> memref<1x50x64xf32, #tpu.memory_space<vmem>>
      %dma_start3A_1611 = tpu.memref_squeeze %dma_start3A_1610 : memref<1x50x64xf32, #tpu.memory_space<vmem>> -> memref<50x64xf32, #tpu.memory_space<vmem>>
      %dma_start3A_1612 = arith.constant 0 : i32
      %dma_start3A_1613 = tpu.memref_slice %arg4[%mul3A_1605, %dma_start3A_1612] : memref<917504x128xf32, #tpu.memory_space<hbm>> -> memref<50x64xf32, #tpu.memory_space<hbm>>
      %dma_start3A_1614 = tpu.memref_slice %arg8[%dma_start3A_1607] : memref<8x!tpu.dma_semaphore, #tpu.memory_space<semaphore_mem>> -> memref<1x!tpu.dma_semaphore, #tpu.memory_space<semaphore_mem>>
      %dma_start3A_1615 = tpu.memref_squeeze %dma_start3A_1614 : memref<1x!tpu.dma_semaphore, #tpu.memory_space<semaphore_mem>> -> memref<!tpu.dma_semaphore, #tpu.memory_space<semaphore_mem>>
      %dma_start3A_1616 = arith.constant 0 : i32
      %dma_start3A_1617 = tpu.memref_slice %arg4[%mul3A_1605, %dma_start3A_1616] : memref<917504x128xf32, #tpu.memory_space<hbm>> -> memref<50x64xf32, #tpu.memory_space<hbm>>
      %dma_start3A_1618 = arith.constant 0 : i32
      %dma_start3A_1619 = arith.constant 0 : i32
      %dma_start3A_1620 = tpu.memref_slice %arg6[%dma_start3A_1606, %dma_start3A_1618, %dma_start3A_1619] : memref<8x50x64xf32, #tpu.memory_space<vmem>> -> memref<1x50x64xf32, #tpu.memory_space<vmem>>
      %dma_start3A_1621 = tpu.memref_squeeze %dma_start3A_1620 : memref<1x50x64xf32, #tpu.memory_space<vmem>> -> memref<50x64xf32, #tpu.memory_space<vmem>>
      tpu.enqueue_dma source(%dma_start3A_1621 : memref<50x64xf32, #tpu.memory_space<vmem>>) target(%dma_start3A_1617 : memref<50x64xf32, #tpu.memory_space<hbm>>) target_semaphore(%dma_start3A_1615 : memref<!tpu.dma_semaphore, #tpu.memory_space<semaphore_mem>>)
      %dma_wait3A_1622 = arith.constant 2 : i32
      %dma_wait3A_1623 = arith.constant 2 : i32
      %dma_wait3A_1624 = arith.constant 0 : i32
      %dma_wait3A_1625 = arith.constant 0 : i32
      %dma_wait3A_1626 = tpu.memref_slice %arg6[%dma_wait3A_1622, %dma_wait3A_1624, %dma_wait3A_1625] : memref<8x50x64xf32, #tpu.memory_space<vmem>> -> memref<1x50x64xf32, #tpu.memory_space<vmem>>
      %dma_wait3A_1627 = tpu.memref_squeeze %dma_wait3A_1626 : memref<1x50x64xf32, #tpu.memory_space<vmem>> -> memref<50x64xf32, #tpu.memory_space<vmem>>
      %dma_wait3A_1628 = arith.constant 0 : i32
      %dma_wait3A_1629 = arith.constant 0 : i32
      %dma_wait3A_1630 = tpu.memref_slice %arg2[%dma_wait3A_1628, %dma_wait3A_1629] : memref<1000000x64xf32, #tpu.memory_space<hbm>> -> memref<50x64xf32, #tpu.memory_space<hbm>>
      %dma_wait3A_1631 = tpu.memref_slice %arg8[%dma_wait3A_1623] : memref<8x!tpu.dma_semaphore, #tpu.memory_space<semaphore_mem>> -> memref<1x!tpu.dma_semaphore, #tpu.memory_space<semaphore_mem>>
      %dma_wait3A_1632 = tpu.memref_squeeze %dma_wait3A_1631 : memref<1x!tpu.dma_semaphore, #tpu.memory_space<semaphore_mem>> -> memref<!tpu.dma_semaphore, #tpu.memory_space<semaphore_mem>>
      %dma_wait3A_1633 = arith.constant 0 : i32
      %dma_wait3A_1634 = arith.constant 0 : i32
      %dma_wait3A_1635 = tpu.memref_slice %arg6[%dma_wait3A_1622, %dma_wait3A_1633, %dma_wait3A_1634] : memref<8x50x64xf32, #tpu.memory_space<vmem>> -> memref<1x50x64xf32, #tpu.memory_space<vmem>>
      %dma_wait3A_1636 = tpu.memref_squeeze %dma_wait3A_1635 : memref<1x50x64xf32, #tpu.memory_space<vmem>> -> memref<50x64xf32, #tpu.memory_space<vmem>>
      %dma_wait3A_1637 = arith.constant 0 : i32
      %dma_wait3A_1638 = arith.constant 0 : i32
      %dma_wait3A_1639 = tpu.memref_slice %arg2[%dma_wait3A_1637, %dma_wait3A_1638] : memref<1000000x64xf32, #tpu.memory_space<hbm>> -> memref<50x64xf32, #tpu.memory_space<hbm>>
      tpu.wait_dma2 semaphore(%dma_wait3A_1632 : memref<!tpu.dma_semaphore, #tpu.memory_space<semaphore_mem>>) src(%dma_wait3A_1639 : memref<50x64xf32, #tpu.memory_space<hbm>>) dst(%dma_wait3A_1636 : memref<50x64xf32, #tpu.memory_space<vmem>>)
      %add3A_1640 = arith.constant 4 : i32
      %add3A_1641 = arith.addi %add3A_1584, %add3A_1640 : i32
      %dma_start3A_1642 = arith.constant 2 : i32
      %dma_start3A_1643 = arith.constant 2 : i32
      %dma_start3A_1644 = arith.constant 0 : i32
      %dma_start3A_1645 = arith.constant 0 : i32
      %dma_start3A_1646 = tpu.memref_slice %arg6[%dma_start3A_1642, %dma_start3A_1644, %dma_start3A_1645] : memref<8x50x64xf32, #tpu.memory_space<vmem>> -> memref<1x50x64xf32, #tpu.memory_space<vmem>>
      %dma_start3A_1647 = tpu.memref_squeeze %dma_start3A_1646 : memref<1x50x64xf32, #tpu.memory_space<vmem>> -> memref<50x64xf32, #tpu.memory_space<vmem>>
      %dma_start3A_1648 = arith.constant 0 : i32
      %dma_start3A_1649 = tpu.memref_slice %arg5[%add3A_1641, %dma_start3A_1648] : memref<512x50xi32, #tpu.memory_space<vmem>> -> memref<1x50xi32, #tpu.memory_space<vmem>>
      %dma_start3A_1650 = tpu.memref_squeeze %dma_start3A_1649 : memref<1x50xi32, #tpu.memory_space<vmem>> -> memref<50xi32, #tpu.memory_space<vmem>>
      %dma_start3A_1651 = arith.constant 0 : i32
      %dma_start3A_1652 = arith.constant 0 : i32
      %dma_start3A_1653 = tpu.memref_slice %arg2[%dma_start3A_1651, %dma_start3A_1652] : memref<1000000x64xf32, #tpu.memory_space<hbm>> -> memref<1000000x64xf32, #tpu.memory_space<hbm>>
      %dma_start3A_1654 = tpu.memref_slice %arg7[%dma_start3A_1643] : memref<8x!tpu.dma_semaphore, #tpu.memory_space<semaphore_mem>> -> memref<1x!tpu.dma_semaphore, #tpu.memory_space<semaphore_mem>>
      %dma_start3A_1655 = tpu.memref_squeeze %dma_start3A_1654 : memref<1x!tpu.dma_semaphore, #tpu.memory_space<semaphore_mem>> -> memref<!tpu.dma_semaphore, #tpu.memory_space<semaphore_mem>>
      tpu.enqueue_indirect_dma source(%dma_start3A_1653 : memref<1000000x64xf32, #tpu.memory_space<hbm>>) target(%dma_start3A_1647 : memref<50x64xf32, #tpu.memory_space<vmem>>) offsets(%dma_start3A_1650 : memref<50xi32, #tpu.memory_space<vmem>>) semaphore(%dma_start3A_1655 : memref<!tpu.dma_semaphore, #tpu.memory_space<semaphore_mem>>)
      %add3A_1656 = arith.constant 7 : i32
      %add3A_1657 = arith.addi %mul3A_1144, %add3A_1656 : i32
      %dma_wait3A_1658 = arith.constant 7 : i32
      %dma_wait3A_1659 = arith.constant 7 : i32
      %dma_wait3A_1660 = arith.constant 0 : i32
      %dma_wait3A_1661 = arith.constant 0 : i32
      %dma_wait3A_1662 = tpu.memref_slice %arg6[%dma_wait3A_1658, %dma_wait3A_1660, %dma_wait3A_1661] : memref<8x50x64xf32, #tpu.memory_space<vmem>> -> memref<1x50x64xf32, #tpu.memory_space<vmem>>
      %dma_wait3A_1663 = tpu.memref_squeeze %dma_wait3A_1662 : memref<1x50x64xf32, #tpu.memory_space<vmem>> -> memref<50x64xf32, #tpu.memory_space<vmem>>
      %dma_wait3A_1664 = arith.constant 0 : i32
      %dma_wait3A_1665 = arith.constant 0 : i32
      %dma_wait3A_1666 = tpu.memref_slice %arg2[%dma_wait3A_1664, %dma_wait3A_1665] : memref<1000000x64xf32, #tpu.memory_space<hbm>> -> memref<50x64xf32, #tpu.memory_space<hbm>>
      %dma_wait3A_1667 = tpu.memref_slice %arg7[%dma_wait3A_1659] : memref<8x!tpu.dma_semaphore, #tpu.memory_space<semaphore_mem>> -> memref<1x!tpu.dma_semaphore, #tpu.memory_space<semaphore_mem>>
      %dma_wait3A_1668 = tpu.memref_squeeze %dma_wait3A_1667 : memref<1x!tpu.dma_semaphore, #tpu.memory_space<semaphore_mem>> -> memref<!tpu.dma_semaphore, #tpu.memory_space<semaphore_mem>>
      %dma_wait3A_1669 = arith.constant 0 : i32
      %dma_wait3A_1670 = arith.constant 0 : i32
      %dma_wait3A_1671 = tpu.memref_slice %arg6[%dma_wait3A_1658, %dma_wait3A_1669, %dma_wait3A_1670] : memref<8x50x64xf32, #tpu.memory_space<vmem>> -> memref<1x50x64xf32, #tpu.memory_space<vmem>>
      %dma_wait3A_1672 = tpu.memref_squeeze %dma_wait3A_1671 : memref<1x50x64xf32, #tpu.memory_space<vmem>> -> memref<50x64xf32, #tpu.memory_space<vmem>>
      %dma_wait3A_1673 = arith.constant 0 : i32
      %dma_wait3A_1674 = arith.constant 0 : i32
      %dma_wait3A_1675 = tpu.memref_slice %arg2[%dma_wait3A_1673, %dma_wait3A_1674] : memref<1000000x64xf32, #tpu.memory_space<hbm>> -> memref<50x64xf32, #tpu.memory_space<hbm>>
      tpu.wait_dma2 semaphore(%dma_wait3A_1668 : memref<!tpu.dma_semaphore, #tpu.memory_space<semaphore_mem>>) src(%dma_wait3A_1675 : memref<50x64xf32, #tpu.memory_space<hbm>>) dst(%dma_wait3A_1672 : memref<50x64xf32, #tpu.memory_space<vmem>>)
      %add3A_1676 = arith.addi %mul3A_2, %add3A_1657 : i32
      %mul3A_1677 = arith.constant 56 : i32
      %mul3A_1678 = arith.muli %add3A_1676, %mul3A_1677 : i32
      %dma_start3A_1679 = arith.constant 7 : i32
      %dma_start3A_1680 = arith.constant 7 : i32
      %dma_start3A_1681 = arith.constant 0 : i32
      %dma_start3A_1682 = arith.constant 0 : i32
      %dma_start3A_1683 = tpu.memref_slice %arg6[%dma_start3A_1679, %dma_start3A_1681, %dma_start3A_1682] : memref<8x50x64xf32, #tpu.memory_space<vmem>> -> memref<1x50x64xf32, #tpu.memory_space<vmem>>
      %dma_start3A_1684 = tpu.memref_squeeze %dma_start3A_1683 : memref<1x50x64xf32, #tpu.memory_space<vmem>> -> memref<50x64xf32, #tpu.memory_space<vmem>>
      %dma_start3A_1685 = arith.constant 0 : i32
      %dma_start3A_1686 = tpu.memref_slice %arg4[%mul3A_1678, %dma_start3A_1685] : memref<917504x128xf32, #tpu.memory_space<hbm>> -> memref<50x64xf32, #tpu.memory_space<hbm>>
      %dma_start3A_1687 = tpu.memref_slice %arg8[%dma_start3A_1680] : memref<8x!tpu.dma_semaphore, #tpu.memory_space<semaphore_mem>> -> memref<1x!tpu.dma_semaphore, #tpu.memory_space<semaphore_mem>>
      %dma_start3A_1688 = tpu.memref_squeeze %dma_start3A_1687 : memref<1x!tpu.dma_semaphore, #tpu.memory_space<semaphore_mem>> -> memref<!tpu.dma_semaphore, #tpu.memory_space<semaphore_mem>>
      %dma_start3A_1689 = arith.constant 0 : i32
      %dma_start3A_1690 = tpu.memref_slice %arg4[%mul3A_1678, %dma_start3A_1689] : memref<917504x128xf32, #tpu.memory_space<hbm>> -> memref<50x64xf32, #tpu.memory_space<hbm>>
      %dma_start3A_1691 = arith.constant 0 : i32
      %dma_start3A_1692 = arith.constant 0 : i32
      %dma_start3A_1693 = tpu.memref_slice %arg6[%dma_start3A_1679, %dma_start3A_1691, %dma_start3A_1692] : memref<8x50x64xf32, #tpu.memory_space<vmem>> -> memref<1x50x64xf32, #tpu.memory_space<vmem>>
      %dma_start3A_1694 = tpu.memref_squeeze %dma_start3A_1693 : memref<1x50x64xf32, #tpu.memory_space<vmem>> -> memref<50x64xf32, #tpu.memory_space<vmem>>
      tpu.enqueue_dma source(%dma_start3A_1694 : memref<50x64xf32, #tpu.memory_space<vmem>>) target(%dma_start3A_1690 : memref<50x64xf32, #tpu.memory_space<hbm>>) target_semaphore(%dma_start3A_1688 : memref<!tpu.dma_semaphore, #tpu.memory_space<semaphore_mem>>)
      %dma_wait3A_1695 = arith.constant 3 : i32
      %dma_wait3A_1696 = arith.constant 3 : i32
      %dma_wait3A_1697 = arith.constant 0 : i32
      %dma_wait3A_1698 = arith.constant 0 : i32
      %dma_wait3A_1699 = tpu.memref_slice %arg6[%dma_wait3A_1695, %dma_wait3A_1697, %dma_wait3A_1698] : memref<8x50x64xf32, #tpu.memory_space<vmem>> -> memref<1x50x64xf32, #tpu.memory_space<vmem>>
      %dma_wait3A_1700 = tpu.memref_squeeze %dma_wait3A_1699 : memref<1x50x64xf32, #tpu.memory_space<vmem>> -> memref<50x64xf32, #tpu.memory_space<vmem>>
      %dma_wait3A_1701 = arith.constant 0 : i32
      %dma_wait3A_1702 = arith.constant 0 : i32
      %dma_wait3A_1703 = tpu.memref_slice %arg2[%dma_wait3A_1701, %dma_wait3A_1702] : memref<1000000x64xf32, #tpu.memory_space<hbm>> -> memref<50x64xf32, #tpu.memory_space<hbm>>
      %dma_wait3A_1704 = tpu.memref_slice %arg8[%dma_wait3A_1696] : memref<8x!tpu.dma_semaphore, #tpu.memory_space<semaphore_mem>> -> memref<1x!tpu.dma_semaphore, #tpu.memory_space<semaphore_mem>>
      %dma_wait3A_1705 = tpu.memref_squeeze %dma_wait3A_1704 : memref<1x!tpu.dma_semaphore, #tpu.memory_space<semaphore_mem>> -> memref<!tpu.dma_semaphore, #tpu.memory_space<semaphore_mem>>
      %dma_wait3A_1706 = arith.constant 0 : i32
      %dma_wait3A_1707 = arith.constant 0 : i32
      %dma_wait3A_1708 = tpu.memref_slice %arg6[%dma_wait3A_1695, %dma_wait3A_1706, %dma_wait3A_1707] : memref<8x50x64xf32, #tpu.memory_space<vmem>> -> memref<1x50x64xf32, #tpu.memory_space<vmem>>
      %dma_wait3A_1709 = tpu.memref_squeeze %dma_wait3A_1708 : memref<1x50x64xf32, #tpu.memory_space<vmem>> -> memref<50x64xf32, #tpu.memory_space<vmem>>
      %dma_wait3A_1710 = arith.constant 0 : i32
      %dma_wait3A_1711 = arith.constant 0 : i32
      %dma_wait3A_1712 = tpu.memref_slice %arg2[%dma_wait3A_1710, %dma_wait3A_1711] : memref<1000000x64xf32, #tpu.memory_space<hbm>> -> memref<50x64xf32, #tpu.memory_space<hbm>>
      tpu.wait_dma2 semaphore(%dma_wait3A_1705 : memref<!tpu.dma_semaphore, #tpu.memory_space<semaphore_mem>>) src(%dma_wait3A_1712 : memref<50x64xf32, #tpu.memory_space<hbm>>) dst(%dma_wait3A_1709 : memref<50x64xf32, #tpu.memory_space<vmem>>)
      %add3A_1713 = arith.constant 4 : i32
      %add3A_1714 = arith.addi %add3A_1657, %add3A_1713 : i32
      %dma_start3A_1715 = arith.constant 3 : i32
      %dma_start3A_1716 = arith.constant 3 : i32
      %dma_start3A_1717 = arith.constant 0 : i32
      %dma_start3A_1718 = arith.constant 0 : i32
      %dma_start3A_1719 = tpu.memref_slice %arg6[%dma_start3A_1715, %dma_start3A_1717, %dma_start3A_1718] : memref<8x50x64xf32, #tpu.memory_space<vmem>> -> memref<1x50x64xf32, #tpu.memory_space<vmem>>
      %dma_start3A_1720 = tpu.memref_squeeze %dma_start3A_1719 : memref<1x50x64xf32, #tpu.memory_space<vmem>> -> memref<50x64xf32, #tpu.memory_space<vmem>>
      %dma_start3A_1721 = arith.constant 0 : i32
      %dma_start3A_1722 = tpu.memref_slice %arg5[%add3A_1714, %dma_start3A_1721] : memref<512x50xi32, #tpu.memory_space<vmem>> -> memref<1x50xi32, #tpu.memory_space<vmem>>
      %dma_start3A_1723 = tpu.memref_squeeze %dma_start3A_1722 : memref<1x50xi32, #tpu.memory_space<vmem>> -> memref<50xi32, #tpu.memory_space<vmem>>
      %dma_start3A_1724 = arith.constant 0 : i32
      %dma_start3A_1725 = arith.constant 0 : i32
      %dma_start3A_1726 = tpu.memref_slice %arg2[%dma_start3A_1724, %dma_start3A_1725] : memref<1000000x64xf32, #tpu.memory_space<hbm>> -> memref<1000000x64xf32, #tpu.memory_space<hbm>>
      %dma_start3A_1727 = tpu.memref_slice %arg7[%dma_start3A_1716] : memref<8x!tpu.dma_semaphore, #tpu.memory_space<semaphore_mem>> -> memref<1x!tpu.dma_semaphore, #tpu.memory_space<semaphore_mem>>
      %dma_start3A_1728 = tpu.memref_squeeze %dma_start3A_1727 : memref<1x!tpu.dma_semaphore, #tpu.memory_space<semaphore_mem>> -> memref<!tpu.dma_semaphore, #tpu.memory_space<semaphore_mem>>
      tpu.enqueue_indirect_dma source(%dma_start3A_1726 : memref<1000000x64xf32, #tpu.memory_space<hbm>>) target(%dma_start3A_1720 : memref<50x64xf32, #tpu.memory_space<vmem>>) offsets(%dma_start3A_1723 : memref<50xi32, #tpu.memory_space<vmem>>) semaphore(%dma_start3A_1728 : memref<!tpu.dma_semaphore, #tpu.memory_space<semaphore_mem>>)
    }
    %scan3A_561 = arith.constant 62 : i32
    %dma_wait3A_562 = arith.constant 0 : i32
    %dma_wait3A_563 = arith.constant 0 : i32
    %dma_wait3A_564 = arith.constant 0 : i32
    %dma_wait3A_565 = arith.constant 0 : i32
    %dma_wait3A_566 = tpu.memref_slice %arg6[%dma_wait3A_562, %dma_wait3A_564, %dma_wait3A_565] : memref<8x50x64xf32, #tpu.memory_space<vmem>> -> memref<1x50x64xf32, #tpu.memory_space<vmem>>
    %dma_wait3A_567 = tpu.memref_squeeze %dma_wait3A_566 : memref<1x50x64xf32, #tpu.memory_space<vmem>> -> memref<50x64xf32, #tpu.memory_space<vmem>>
    %dma_wait3A_568 = arith.constant 0 : i32
    %dma_wait3A_569 = arith.constant 0 : i32
    %dma_wait3A_570 = tpu.memref_slice %arg2[%dma_wait3A_568, %dma_wait3A_569] : memref<1000000x64xf32, #tpu.memory_space<hbm>> -> memref<50x64xf32, #tpu.memory_space<hbm>>
    %dma_wait3A_571 = tpu.memref_slice %arg7[%dma_wait3A_563] : memref<8x!tpu.dma_semaphore, #tpu.memory_space<semaphore_mem>> -> memref<1x!tpu.dma_semaphore, #tpu.memory_space<semaphore_mem>>
    %dma_wait3A_572 = tpu.memref_squeeze %dma_wait3A_571 : memref<1x!tpu.dma_semaphore, #tpu.memory_space<semaphore_mem>> -> memref<!tpu.dma_semaphore, #tpu.memory_space<semaphore_mem>>
    %dma_wait3A_573 = arith.constant 0 : i32
    %dma_wait3A_574 = arith.constant 0 : i32
    %dma_wait3A_575 = tpu.memref_slice %arg6[%dma_wait3A_562, %dma_wait3A_573, %dma_wait3A_574] : memref<8x50x64xf32, #tpu.memory_space<vmem>> -> memref<1x50x64xf32, #tpu.memory_space<vmem>>
    %dma_wait3A_576 = tpu.memref_squeeze %dma_wait3A_575 : memref<1x50x64xf32, #tpu.memory_space<vmem>> -> memref<50x64xf32, #tpu.memory_space<vmem>>
    %dma_wait3A_577 = arith.constant 0 : i32
    %dma_wait3A_578 = arith.constant 0 : i32
    %dma_wait3A_579 = tpu.memref_slice %arg2[%dma_wait3A_577, %dma_wait3A_578] : memref<1000000x64xf32, #tpu.memory_space<hbm>> -> memref<50x64xf32, #tpu.memory_space<hbm>>
    tpu.wait_dma2 semaphore(%dma_wait3A_572 : memref<!tpu.dma_semaphore, #tpu.memory_space<semaphore_mem>>) src(%dma_wait3A_579 : memref<50x64xf32, #tpu.memory_space<hbm>>) dst(%dma_wait3A_576 : memref<50x64xf32, #tpu.memory_space<vmem>>)
    %add3A_580 = arith.constant 504 : i32
    %add3A_581 = arith.addi %mul3A_2, %add3A_580 : i32
    %mul3A_582 = arith.constant 56 : i32
    %mul3A_583 = arith.muli %add3A_581, %mul3A_582 : i32
    %dma_start3A_584 = arith.constant 0 : i32
    %dma_start3A_585 = arith.constant 0 : i32
    %dma_start3A_586 = arith.constant 0 : i32
    %dma_start3A_587 = arith.constant 0 : i32
    %dma_start3A_588 = tpu.memref_slice %arg6[%dma_start3A_584, %dma_start3A_586, %dma_start3A_587] : memref<8x50x64xf32, #tpu.memory_space<vmem>> -> memref<1x50x64xf32, #tpu.memory_space<vmem>>
    %dma_start3A_589 = tpu.memref_squeeze %dma_start3A_588 : memref<1x50x64xf32, #tpu.memory_space<vmem>> -> memref<50x64xf32, #tpu.memory_space<vmem>>
    %dma_start3A_590 = arith.constant 0 : i32
    %dma_start3A_591 = tpu.memref_slice %arg4[%mul3A_583, %dma_start3A_590] : memref<917504x128xf32, #tpu.memory_space<hbm>> -> memref<50x64xf32, #tpu.memory_space<hbm>>
    %dma_start3A_592 = tpu.memref_slice %arg8[%dma_start3A_585] : memref<8x!tpu.dma_semaphore, #tpu.memory_space<semaphore_mem>> -> memref<1x!tpu.dma_semaphore, #tpu.memory_space<semaphore_mem>>
    %dma_start3A_593 = tpu.memref_squeeze %dma_start3A_592 : memref<1x!tpu.dma_semaphore, #tpu.memory_space<semaphore_mem>> -> memref<!tpu.dma_semaphore, #tpu.memory_space<semaphore_mem>>
    %dma_start3A_594 = arith.constant 0 : i32
    %dma_start3A_595 = tpu.memref_slice %arg4[%mul3A_583, %dma_start3A_594] : memref<917504x128xf32, #tpu.memory_space<hbm>> -> memref<50x64xf32, #tpu.memory_space<hbm>>
    %dma_start3A_596 = arith.constant 0 : i32
    %dma_start3A_597 = arith.constant 0 : i32
    %dma_start3A_598 = tpu.memref_slice %arg6[%dma_start3A_584, %dma_start3A_596, %dma_start3A_597] : memref<8x50x64xf32, #tpu.memory_space<vmem>> -> memref<1x50x64xf32, #tpu.memory_space<vmem>>
    %dma_start3A_599 = tpu.memref_squeeze %dma_start3A_598 : memref<1x50x64xf32, #tpu.memory_space<vmem>> -> memref<50x64xf32, #tpu.memory_space<vmem>>
    tpu.enqueue_dma source(%dma_start3A_599 : memref<50x64xf32, #tpu.memory_space<vmem>>) target(%dma_start3A_595 : memref<50x64xf32, #tpu.memory_space<hbm>>) target_semaphore(%dma_start3A_593 : memref<!tpu.dma_semaphore, #tpu.memory_space<semaphore_mem>>)
    %dma_wait3A_600 = arith.constant 4 : i32
    %dma_wait3A_601 = arith.constant 4 : i32
    %dma_wait3A_602 = arith.constant 0 : i32
    %dma_wait3A_603 = arith.constant 0 : i32
    %dma_wait3A_604 = tpu.memref_slice %arg6[%dma_wait3A_600, %dma_wait3A_602, %dma_wait3A_603] : memref<8x50x64xf32, #tpu.memory_space<vmem>> -> memref<1x50x64xf32, #tpu.memory_space<vmem>>
    %dma_wait3A_605 = tpu.memref_squeeze %dma_wait3A_604 : memref<1x50x64xf32, #tpu.memory_space<vmem>> -> memref<50x64xf32, #tpu.memory_space<vmem>>
    %dma_wait3A_606 = arith.constant 0 : i32
    %dma_wait3A_607 = arith.constant 0 : i32
    %dma_wait3A_608 = tpu.memref_slice %arg2[%dma_wait3A_606, %dma_wait3A_607] : memref<1000000x64xf32, #tpu.memory_space<hbm>> -> memref<50x64xf32, #tpu.memory_space<hbm>>
    %dma_wait3A_609 = tpu.memref_slice %arg8[%dma_wait3A_601] : memref<8x!tpu.dma_semaphore, #tpu.memory_space<semaphore_mem>> -> memref<1x!tpu.dma_semaphore, #tpu.memory_space<semaphore_mem>>
    %dma_wait3A_610 = tpu.memref_squeeze %dma_wait3A_609 : memref<1x!tpu.dma_semaphore, #tpu.memory_space<semaphore_mem>> -> memref<!tpu.dma_semaphore, #tpu.memory_space<semaphore_mem>>
    %dma_wait3A_611 = arith.constant 0 : i32
    %dma_wait3A_612 = arith.constant 0 : i32
    %dma_wait3A_613 = tpu.memref_slice %arg6[%dma_wait3A_600, %dma_wait3A_611, %dma_wait3A_612] : memref<8x50x64xf32, #tpu.memory_space<vmem>> -> memref<1x50x64xf32, #tpu.memory_space<vmem>>
    %dma_wait3A_614 = tpu.memref_squeeze %dma_wait3A_613 : memref<1x50x64xf32, #tpu.memory_space<vmem>> -> memref<50x64xf32, #tpu.memory_space<vmem>>
    %dma_wait3A_615 = arith.constant 0 : i32
    %dma_wait3A_616 = arith.constant 0 : i32
    %dma_wait3A_617 = tpu.memref_slice %arg2[%dma_wait3A_615, %dma_wait3A_616] : memref<1000000x64xf32, #tpu.memory_space<hbm>> -> memref<50x64xf32, #tpu.memory_space<hbm>>
    tpu.wait_dma2 semaphore(%dma_wait3A_610 : memref<!tpu.dma_semaphore, #tpu.memory_space<semaphore_mem>>) src(%dma_wait3A_617 : memref<50x64xf32, #tpu.memory_space<hbm>>) dst(%dma_wait3A_614 : memref<50x64xf32, #tpu.memory_space<vmem>>)
    %dma_start3A_618 = arith.constant 508 : i32
    %dma_start3A_619 = arith.constant 4 : i32
    %dma_start3A_620 = arith.constant 4 : i32
    %dma_start3A_621 = arith.constant 0 : i32
    %dma_start3A_622 = arith.constant 0 : i32
    %dma_start3A_623 = tpu.memref_slice %arg6[%dma_start3A_619, %dma_start3A_621, %dma_start3A_622] : memref<8x50x64xf32, #tpu.memory_space<vmem>> -> memref<1x50x64xf32, #tpu.memory_space<vmem>>
    %dma_start3A_624 = tpu.memref_squeeze %dma_start3A_623 : memref<1x50x64xf32, #tpu.memory_space<vmem>> -> memref<50x64xf32, #tpu.memory_space<vmem>>
    %dma_start3A_625 = arith.constant 0 : i32
    %dma_start3A_626 = tpu.memref_slice %arg5[%dma_start3A_618, %dma_start3A_625] : memref<512x50xi32, #tpu.memory_space<vmem>> -> memref<1x50xi32, #tpu.memory_space<vmem>>
    %dma_start3A_627 = tpu.memref_squeeze %dma_start3A_626 : memref<1x50xi32, #tpu.memory_space<vmem>> -> memref<50xi32, #tpu.memory_space<vmem>>
    %dma_start3A_628 = arith.constant 0 : i32
    %dma_start3A_629 = arith.constant 0 : i32
    %dma_start3A_630 = tpu.memref_slice %arg2[%dma_start3A_628, %dma_start3A_629] : memref<1000000x64xf32, #tpu.memory_space<hbm>> -> memref<1000000x64xf32, #tpu.memory_space<hbm>>
    %dma_start3A_631 = tpu.memref_slice %arg7[%dma_start3A_620] : memref<8x!tpu.dma_semaphore, #tpu.memory_space<semaphore_mem>> -> memref<1x!tpu.dma_semaphore, #tpu.memory_space<semaphore_mem>>
    %dma_start3A_632 = tpu.memref_squeeze %dma_start3A_631 : memref<1x!tpu.dma_semaphore, #tpu.memory_space<semaphore_mem>> -> memref<!tpu.dma_semaphore, #tpu.memory_space<semaphore_mem>>
    tpu.enqueue_indirect_dma source(%dma_start3A_630 : memref<1000000x64xf32, #tpu.memory_space<hbm>>) target(%dma_start3A_624 : memref<50x64xf32, #tpu.memory_space<vmem>>) offsets(%dma_start3A_627 : memref<50xi32, #tpu.memory_space<vmem>>) semaphore(%dma_start3A_632 : memref<!tpu.dma_semaphore, #tpu.memory_space<semaphore_mem>>)
    %dma_wait3A_633 = arith.constant 1 : i32
    %dma_wait3A_634 = arith.constant 1 : i32
    %dma_wait3A_635 = arith.constant 0 : i32
    %dma_wait3A_636 = arith.constant 0 : i32
    %dma_wait3A_637 = tpu.memref_slice %arg6[%dma_wait3A_633, %dma_wait3A_635, %dma_wait3A_636] : memref<8x50x64xf32, #tpu.memory_space<vmem>> -> memref<1x50x64xf32, #tpu.memory_space<vmem>>
    %dma_wait3A_638 = tpu.memref_squeeze %dma_wait3A_637 : memref<1x50x64xf32, #tpu.memory_space<vmem>> -> memref<50x64xf32, #tpu.memory_space<vmem>>
    %dma_wait3A_639 = arith.constant 0 : i32
    %dma_wait3A_640 = arith.constant 0 : i32
    %dma_wait3A_641 = tpu.memref_slice %arg2[%dma_wait3A_639, %dma_wait3A_640] : memref<1000000x64xf32, #tpu.memory_space<hbm>> -> memref<50x64xf32, #tpu.memory_space<hbm>>
    %dma_wait3A_642 = tpu.memref_slice %arg7[%dma_wait3A_634] : memref<8x!tpu.dma_semaphore, #tpu.memory_space<semaphore_mem>> -> memref<1x!tpu.dma_semaphore, #tpu.memory_space<semaphore_mem>>
    %dma_wait3A_643 = tpu.memref_squeeze %dma_wait3A_642 : memref<1x!tpu.dma_semaphore, #tpu.memory_space<semaphore_mem>> -> memref<!tpu.dma_semaphore, #tpu.memory_space<semaphore_mem>>
    %dma_wait3A_644 = arith.constant 0 : i32
    %dma_wait3A_645 = arith.constant 0 : i32
    %dma_wait3A_646 = tpu.memref_slice %arg6[%dma_wait3A_633, %dma_wait3A_644, %dma_wait3A_645] : memref<8x50x64xf32, #tpu.memory_space<vmem>> -> memref<1x50x64xf32, #tpu.memory_space<vmem>>
    %dma_wait3A_647 = tpu.memref_squeeze %dma_wait3A_646 : memref<1x50x64xf32, #tpu.memory_space<vmem>> -> memref<50x64xf32, #tpu.memory_space<vmem>>
    %dma_wait3A_648 = arith.constant 0 : i32
    %dma_wait3A_649 = arith.constant 0 : i32
    %dma_wait3A_650 = tpu.memref_slice %arg2[%dma_wait3A_648, %dma_wait3A_649] : memref<1000000x64xf32, #tpu.memory_space<hbm>> -> memref<50x64xf32, #tpu.memory_space<hbm>>
    tpu.wait_dma2 semaphore(%dma_wait3A_643 : memref<!tpu.dma_semaphore, #tpu.memory_space<semaphore_mem>>) src(%dma_wait3A_650 : memref<50x64xf32, #tpu.memory_space<hbm>>) dst(%dma_wait3A_647 : memref<50x64xf32, #tpu.memory_space<vmem>>)
    %add3A_651 = arith.constant 505 : i32
    %add3A_652 = arith.addi %mul3A_2, %add3A_651 : i32
    %mul3A_653 = arith.constant 56 : i32
    %mul3A_654 = arith.muli %add3A_652, %mul3A_653 : i32
    %dma_start3A_655 = arith.constant 1 : i32
    %dma_start3A_656 = arith.constant 1 : i32
    %dma_start3A_657 = arith.constant 0 : i32
    %dma_start3A_658 = arith.constant 0 : i32
    %dma_start3A_659 = tpu.memref_slice %arg6[%dma_start3A_655, %dma_start3A_657, %dma_start3A_658] : memref<8x50x64xf32, #tpu.memory_space<vmem>> -> memref<1x50x64xf32, #tpu.memory_space<vmem>>
    %dma_start3A_660 = tpu.memref_squeeze %dma_start3A_659 : memref<1x50x64xf32, #tpu.memory_space<vmem>> -> memref<50x64xf32, #tpu.memory_space<vmem>>
    %dma_start3A_661 = arith.constant 0 : i32
    %dma_start3A_662 = tpu.memref_slice %arg4[%mul3A_654, %dma_start3A_661] : memref<917504x128xf32, #tpu.memory_space<hbm>> -> memref<50x64xf32, #tpu.memory_space<hbm>>
    %dma_start3A_663 = tpu.memref_slice %arg8[%dma_start3A_656] : memref<8x!tpu.dma_semaphore, #tpu.memory_space<semaphore_mem>> -> memref<1x!tpu.dma_semaphore, #tpu.memory_space<semaphore_mem>>
    %dma_start3A_664 = tpu.memref_squeeze %dma_start3A_663 : memref<1x!tpu.dma_semaphore, #tpu.memory_space<semaphore_mem>> -> memref<!tpu.dma_semaphore, #tpu.memory_space<semaphore_mem>>
    %dma_start3A_665 = arith.constant 0 : i32
    %dma_start3A_666 = tpu.memref_slice %arg4[%mul3A_654, %dma_start3A_665] : memref<917504x128xf32, #tpu.memory_space<hbm>> -> memref<50x64xf32, #tpu.memory_space<hbm>>
    %dma_start3A_667 = arith.constant 0 : i32
    %dma_start3A_668 = arith.constant 0 : i32
    %dma_start3A_669 = tpu.memref_slice %arg6[%dma_start3A_655, %dma_start3A_667, %dma_start3A_668] : memref<8x50x64xf32, #tpu.memory_space<vmem>> -> memref<1x50x64xf32, #tpu.memory_space<vmem>>
    %dma_start3A_670 = tpu.memref_squeeze %dma_start3A_669 : memref<1x50x64xf32, #tpu.memory_space<vmem>> -> memref<50x64xf32, #tpu.memory_space<vmem>>
    tpu.enqueue_dma source(%dma_start3A_670 : memref<50x64xf32, #tpu.memory_space<vmem>>) target(%dma_start3A_666 : memref<50x64xf32, #tpu.memory_space<hbm>>) target_semaphore(%dma_start3A_664 : memref<!tpu.dma_semaphore, #tpu.memory_space<semaphore_mem>>)
    %dma_wait3A_671 = arith.constant 5 : i32
    %dma_wait3A_672 = arith.constant 5 : i32
    %dma_wait3A_673 = arith.constant 0 : i32
    %dma_wait3A_674 = arith.constant 0 : i32
    %dma_wait3A_675 = tpu.memref_slice %arg6[%dma_wait3A_671, %dma_wait3A_673, %dma_wait3A_674] : memref<8x50x64xf32, #tpu.memory_space<vmem>> -> memref<1x50x64xf32, #tpu.memory_space<vmem>>
    %dma_wait3A_676 = tpu.memref_squeeze %dma_wait3A_675 : memref<1x50x64xf32, #tpu.memory_space<vmem>> -> memref<50x64xf32, #tpu.memory_space<vmem>>
    %dma_wait3A_677 = arith.constant 0 : i32
    %dma_wait3A_678 = arith.constant 0 : i32
    %dma_wait3A_679 = tpu.memref_slice %arg2[%dma_wait3A_677, %dma_wait3A_678] : memref<1000000x64xf32, #tpu.memory_space<hbm>> -> memref<50x64xf32, #tpu.memory_space<hbm>>
    %dma_wait3A_680 = tpu.memref_slice %arg8[%dma_wait3A_672] : memref<8x!tpu.dma_semaphore, #tpu.memory_space<semaphore_mem>> -> memref<1x!tpu.dma_semaphore, #tpu.memory_space<semaphore_mem>>
    %dma_wait3A_681 = tpu.memref_squeeze %dma_wait3A_680 : memref<1x!tpu.dma_semaphore, #tpu.memory_space<semaphore_mem>> -> memref<!tpu.dma_semaphore, #tpu.memory_space<semaphore_mem>>
    %dma_wait3A_682 = arith.constant 0 : i32
    %dma_wait3A_683 = arith.constant 0 : i32
    %dma_wait3A_684 = tpu.memref_slice %arg6[%dma_wait3A_671, %dma_wait3A_682, %dma_wait3A_683] : memref<8x50x64xf32, #tpu.memory_space<vmem>> -> memref<1x50x64xf32, #tpu.memory_space<vmem>>
    %dma_wait3A_685 = tpu.memref_squeeze %dma_wait3A_684 : memref<1x50x64xf32, #tpu.memory_space<vmem>> -> memref<50x64xf32, #tpu.memory_space<vmem>>
    %dma_wait3A_686 = arith.constant 0 : i32
    %dma_wait3A_687 = arith.constant 0 : i32
    %dma_wait3A_688 = tpu.memref_slice %arg2[%dma_wait3A_686, %dma_wait3A_687] : memref<1000000x64xf32, #tpu.memory_space<hbm>> -> memref<50x64xf32, #tpu.memory_space<hbm>>
    tpu.wait_dma2 semaphore(%dma_wait3A_681 : memref<!tpu.dma_semaphore, #tpu.memory_space<semaphore_mem>>) src(%dma_wait3A_688 : memref<50x64xf32, #tpu.memory_space<hbm>>) dst(%dma_wait3A_685 : memref<50x64xf32, #tpu.memory_space<vmem>>)
    %dma_start3A_689 = arith.constant 509 : i32
    %dma_start3A_690 = arith.constant 5 : i32
    %dma_start3A_691 = arith.constant 5 : i32
    %dma_start3A_692 = arith.constant 0 : i32
    %dma_start3A_693 = arith.constant 0 : i32
    %dma_start3A_694 = tpu.memref_slice %arg6[%dma_start3A_690, %dma_start3A_692, %dma_start3A_693] : memref<8x50x64xf32, #tpu.memory_space<vmem>> -> memref<1x50x64xf32, #tpu.memory_space<vmem>>
    %dma_start3A_695 = tpu.memref_squeeze %dma_start3A_694 : memref<1x50x64xf32, #tpu.memory_space<vmem>> -> memref<50x64xf32, #tpu.memory_space<vmem>>
    %dma_start3A_696 = arith.constant 0 : i32
    %dma_start3A_697 = tpu.memref_slice %arg5[%dma_start3A_689, %dma_start3A_696] : memref<512x50xi32, #tpu.memory_space<vmem>> -> memref<1x50xi32, #tpu.memory_space<vmem>>
    %dma_start3A_698 = tpu.memref_squeeze %dma_start3A_697 : memref<1x50xi32, #tpu.memory_space<vmem>> -> memref<50xi32, #tpu.memory_space<vmem>>
    %dma_start3A_699 = arith.constant 0 : i32
    %dma_start3A_700 = arith.constant 0 : i32
    %dma_start3A_701 = tpu.memref_slice %arg2[%dma_start3A_699, %dma_start3A_700] : memref<1000000x64xf32, #tpu.memory_space<hbm>> -> memref<1000000x64xf32, #tpu.memory_space<hbm>>
    %dma_start3A_702 = tpu.memref_slice %arg7[%dma_start3A_691] : memref<8x!tpu.dma_semaphore, #tpu.memory_space<semaphore_mem>> -> memref<1x!tpu.dma_semaphore, #tpu.memory_space<semaphore_mem>>
    %dma_start3A_703 = tpu.memref_squeeze %dma_start3A_702 : memref<1x!tpu.dma_semaphore, #tpu.memory_space<semaphore_mem>> -> memref<!tpu.dma_semaphore, #tpu.memory_space<semaphore_mem>>
    tpu.enqueue_indirect_dma source(%dma_start3A_701 : memref<1000000x64xf32, #tpu.memory_space<hbm>>) target(%dma_start3A_695 : memref<50x64xf32, #tpu.memory_space<vmem>>) offsets(%dma_start3A_698 : memref<50xi32, #tpu.memory_space<vmem>>) semaphore(%dma_start3A_703 : memref<!tpu.dma_semaphore, #tpu.memory_space<semaphore_mem>>)
    %dma_wait3A_704 = arith.constant 2 : i32
    %dma_wait3A_705 = arith.constant 2 : i32
    %dma_wait3A_706 = arith.constant 0 : i32
    %dma_wait3A_707 = arith.constant 0 : i32
    %dma_wait3A_708 = tpu.memref_slice %arg6[%dma_wait3A_704, %dma_wait3A_706, %dma_wait3A_707] : memref<8x50x64xf32, #tpu.memory_space<vmem>> -> memref<1x50x64xf32, #tpu.memory_space<vmem>>
    %dma_wait3A_709 = tpu.memref_squeeze %dma_wait3A_708 : memref<1x50x64xf32, #tpu.memory_space<vmem>> -> memref<50x64xf32, #tpu.memory_space<vmem>>
    %dma_wait3A_710 = arith.constant 0 : i32
    %dma_wait3A_711 = arith.constant 0 : i32
    %dma_wait3A_712 = tpu.memref_slice %arg2[%dma_wait3A_710, %dma_wait3A_711] : memref<1000000x64xf32, #tpu.memory_space<hbm>> -> memref<50x64xf32, #tpu.memory_space<hbm>>
    %dma_wait3A_713 = tpu.memref_slice %arg7[%dma_wait3A_705] : memref<8x!tpu.dma_semaphore, #tpu.memory_space<semaphore_mem>> -> memref<1x!tpu.dma_semaphore, #tpu.memory_space<semaphore_mem>>
    %dma_wait3A_714 = tpu.memref_squeeze %dma_wait3A_713 : memref<1x!tpu.dma_semaphore, #tpu.memory_space<semaphore_mem>> -> memref<!tpu.dma_semaphore, #tpu.memory_space<semaphore_mem>>
    %dma_wait3A_715 = arith.constant 0 : i32
    %dma_wait3A_716 = arith.constant 0 : i32
    %dma_wait3A_717 = tpu.memref_slice %arg6[%dma_wait3A_704, %dma_wait3A_715, %dma_wait3A_716] : memref<8x50x64xf32, #tpu.memory_space<vmem>> -> memref<1x50x64xf32, #tpu.memory_space<vmem>>
    %dma_wait3A_718 = tpu.memref_squeeze %dma_wait3A_717 : memref<1x50x64xf32, #tpu.memory_space<vmem>> -> memref<50x64xf32, #tpu.memory_space<vmem>>
    %dma_wait3A_719 = arith.constant 0 : i32
    %dma_wait3A_720 = arith.constant 0 : i32
    %dma_wait3A_721 = tpu.memref_slice %arg2[%dma_wait3A_719, %dma_wait3A_720] : memref<1000000x64xf32, #tpu.memory_space<hbm>> -> memref<50x64xf32, #tpu.memory_space<hbm>>
    tpu.wait_dma2 semaphore(%dma_wait3A_714 : memref<!tpu.dma_semaphore, #tpu.memory_space<semaphore_mem>>) src(%dma_wait3A_721 : memref<50x64xf32, #tpu.memory_space<hbm>>) dst(%dma_wait3A_718 : memref<50x64xf32, #tpu.memory_space<vmem>>)
    %add3A_722 = arith.constant 506 : i32
    %add3A_723 = arith.addi %mul3A_2, %add3A_722 : i32
    %mul3A_724 = arith.constant 56 : i32
    %mul3A_725 = arith.muli %add3A_723, %mul3A_724 : i32
    %dma_start3A_726 = arith.constant 2 : i32
    %dma_start3A_727 = arith.constant 2 : i32
    %dma_start3A_728 = arith.constant 0 : i32
    %dma_start3A_729 = arith.constant 0 : i32
    %dma_start3A_730 = tpu.memref_slice %arg6[%dma_start3A_726, %dma_start3A_728, %dma_start3A_729] : memref<8x50x64xf32, #tpu.memory_space<vmem>> -> memref<1x50x64xf32, #tpu.memory_space<vmem>>
    %dma_start3A_731 = tpu.memref_squeeze %dma_start3A_730 : memref<1x50x64xf32, #tpu.memory_space<vmem>> -> memref<50x64xf32, #tpu.memory_space<vmem>>
    %dma_start3A_732 = arith.constant 0 : i32
    %dma_start3A_733 = tpu.memref_slice %arg4[%mul3A_725, %dma_start3A_732] : memref<917504x128xf32, #tpu.memory_space<hbm>> -> memref<50x64xf32, #tpu.memory_space<hbm>>
    %dma_start3A_734 = tpu.memref_slice %arg8[%dma_start3A_727] : memref<8x!tpu.dma_semaphore, #tpu.memory_space<semaphore_mem>> -> memref<1x!tpu.dma_semaphore, #tpu.memory_space<semaphore_mem>>
    %dma_start3A_735 = tpu.memref_squeeze %dma_start3A_734 : memref<1x!tpu.dma_semaphore, #tpu.memory_space<semaphore_mem>> -> memref<!tpu.dma_semaphore, #tpu.memory_space<semaphore_mem>>
    %dma_start3A_736 = arith.constant 0 : i32
    %dma_start3A_737 = tpu.memref_slice %arg4[%mul3A_725, %dma_start3A_736] : memref<917504x128xf32, #tpu.memory_space<hbm>> -> memref<50x64xf32, #tpu.memory_space<hbm>>
    %dma_start3A_738 = arith.constant 0 : i32
    %dma_start3A_739 = arith.constant 0 : i32
    %dma_start3A_740 = tpu.memref_slice %arg6[%dma_start3A_726, %dma_start3A_738, %dma_start3A_739] : memref<8x50x64xf32, #tpu.memory_space<vmem>> -> memref<1x50x64xf32, #tpu.memory_space<vmem>>
    %dma_start3A_741 = tpu.memref_squeeze %dma_start3A_740 : memref<1x50x64xf32, #tpu.memory_space<vmem>> -> memref<50x64xf32, #tpu.memory_space<vmem>>
    tpu.enqueue_dma source(%dma_start3A_741 : memref<50x64xf32, #tpu.memory_space<vmem>>) target(%dma_start3A_737 : memref<50x64xf32, #tpu.memory_space<hbm>>) target_semaphore(%dma_start3A_735 : memref<!tpu.dma_semaphore, #tpu.memory_space<semaphore_mem>>)
    %dma_wait3A_742 = arith.constant 6 : i32
    %dma_wait3A_743 = arith.constant 6 : i32
    %dma_wait3A_744 = arith.constant 0 : i32
    %dma_wait3A_745 = arith.constant 0 : i32
    %dma_wait3A_746 = tpu.memref_slice %arg6[%dma_wait3A_742, %dma_wait3A_744, %dma_wait3A_745] : memref<8x50x64xf32, #tpu.memory_space<vmem>> -> memref<1x50x64xf32, #tpu.memory_space<vmem>>
    %dma_wait3A_747 = tpu.memref_squeeze %dma_wait3A_746 : memref<1x50x64xf32, #tpu.memory_space<vmem>> -> memref<50x64xf32, #tpu.memory_space<vmem>>
    %dma_wait3A_748 = arith.constant 0 : i32
    %dma_wait3A_749 = arith.constant 0 : i32
    %dma_wait3A_750 = tpu.memref_slice %arg2[%dma_wait3A_748, %dma_wait3A_749] : memref<1000000x64xf32, #tpu.memory_space<hbm>> -> memref<50x64xf32, #tpu.memory_space<hbm>>
    %dma_wait3A_751 = tpu.memref_slice %arg8[%dma_wait3A_743] : memref<8x!tpu.dma_semaphore, #tpu.memory_space<semaphore_mem>> -> memref<1x!tpu.dma_semaphore, #tpu.memory_space<semaphore_mem>>
    %dma_wait3A_752 = tpu.memref_squeeze %dma_wait3A_751 : memref<1x!tpu.dma_semaphore, #tpu.memory_space<semaphore_mem>> -> memref<!tpu.dma_semaphore, #tpu.memory_space<semaphore_mem>>
    %dma_wait3A_753 = arith.constant 0 : i32
    %dma_wait3A_754 = arith.constant 0 : i32
    %dma_wait3A_755 = tpu.memref_slice %arg6[%dma_wait3A_742, %dma_wait3A_753, %dma_wait3A_754] : memref<8x50x64xf32, #tpu.memory_space<vmem>> -> memref<1x50x64xf32, #tpu.memory_space<vmem>>
    %dma_wait3A_756 = tpu.memref_squeeze %dma_wait3A_755 : memref<1x50x64xf32, #tpu.memory_space<vmem>> -> memref<50x64xf32, #tpu.memory_space<vmem>>
    %dma_wait3A_757 = arith.constant 0 : i32
    %dma_wait3A_758 = arith.constant 0 : i32
    %dma_wait3A_759 = tpu.memref_slice %arg2[%dma_wait3A_757, %dma_wait3A_758] : memref<1000000x64xf32, #tpu.memory_space<hbm>> -> memref<50x64xf32, #tpu.memory_space<hbm>>
    tpu.wait_dma2 semaphore(%dma_wait3A_752 : memref<!tpu.dma_semaphore, #tpu.memory_space<semaphore_mem>>) src(%dma_wait3A_759 : memref<50x64xf32, #tpu.memory_space<hbm>>) dst(%dma_wait3A_756 : memref<50x64xf32, #tpu.memory_space<vmem>>)
    %dma_start3A_760 = arith.constant 510 : i32
    %dma_start3A_761 = arith.constant 6 : i32
    %dma_start3A_762 = arith.constant 6 : i32
    %dma_start3A_763 = arith.constant 0 : i32
    %dma_start3A_764 = arith.constant 0 : i32
    %dma_start3A_765 = tpu.memref_slice %arg6[%dma_start3A_761, %dma_start3A_763, %dma_start3A_764] : memref<8x50x64xf32, #tpu.memory_space<vmem>> -> memref<1x50x64xf32, #tpu.memory_space<vmem>>
    %dma_start3A_766 = tpu.memref_squeeze %dma_start3A_765 : memref<1x50x64xf32, #tpu.memory_space<vmem>> -> memref<50x64xf32, #tpu.memory_space<vmem>>
    %dma_start3A_767 = arith.constant 0 : i32
    %dma_start3A_768 = tpu.memref_slice %arg5[%dma_start3A_760, %dma_start3A_767] : memref<512x50xi32, #tpu.memory_space<vmem>> -> memref<1x50xi32, #tpu.memory_space<vmem>>
    %dma_start3A_769 = tpu.memref_squeeze %dma_start3A_768 : memref<1x50xi32, #tpu.memory_space<vmem>> -> memref<50xi32, #tpu.memory_space<vmem>>
    %dma_start3A_770 = arith.constant 0 : i32
    %dma_start3A_771 = arith.constant 0 : i32
    %dma_start3A_772 = tpu.memref_slice %arg2[%dma_start3A_770, %dma_start3A_771] : memref<1000000x64xf32, #tpu.memory_space<hbm>> -> memref<1000000x64xf32, #tpu.memory_space<hbm>>
    %dma_start3A_773 = tpu.memref_slice %arg7[%dma_start3A_762] : memref<8x!tpu.dma_semaphore, #tpu.memory_space<semaphore_mem>> -> memref<1x!tpu.dma_semaphore, #tpu.memory_space<semaphore_mem>>
    %dma_start3A_774 = tpu.memref_squeeze %dma_start3A_773 : memref<1x!tpu.dma_semaphore, #tpu.memory_space<semaphore_mem>> -> memref<!tpu.dma_semaphore, #tpu.memory_space<semaphore_mem>>
    tpu.enqueue_indirect_dma source(%dma_start3A_772 : memref<1000000x64xf32, #tpu.memory_space<hbm>>) target(%dma_start3A_766 : memref<50x64xf32, #tpu.memory_space<vmem>>) offsets(%dma_start3A_769 : memref<50xi32, #tpu.memory_space<vmem>>) semaphore(%dma_start3A_774 : memref<!tpu.dma_semaphore, #tpu.memory_space<semaphore_mem>>)
    %dma_wait3A_775 = arith.constant 3 : i32
    %dma_wait3A_776 = arith.constant 3 : i32
    %dma_wait3A_777 = arith.constant 0 : i32
    %dma_wait3A_778 = arith.constant 0 : i32
    %dma_wait3A_779 = tpu.memref_slice %arg6[%dma_wait3A_775, %dma_wait3A_777, %dma_wait3A_778] : memref<8x50x64xf32, #tpu.memory_space<vmem>> -> memref<1x50x64xf32, #tpu.memory_space<vmem>>
    %dma_wait3A_780 = tpu.memref_squeeze %dma_wait3A_779 : memref<1x50x64xf32, #tpu.memory_space<vmem>> -> memref<50x64xf32, #tpu.memory_space<vmem>>
    %dma_wait3A_781 = arith.constant 0 : i32
    %dma_wait3A_782 = arith.constant 0 : i32
    %dma_wait3A_783 = tpu.memref_slice %arg2[%dma_wait3A_781, %dma_wait3A_782] : memref<1000000x64xf32, #tpu.memory_space<hbm>> -> memref<50x64xf32, #tpu.memory_space<hbm>>
    %dma_wait3A_784 = tpu.memref_slice %arg7[%dma_wait3A_776] : memref<8x!tpu.dma_semaphore, #tpu.memory_space<semaphore_mem>> -> memref<1x!tpu.dma_semaphore, #tpu.memory_space<semaphore_mem>>
    %dma_wait3A_785 = tpu.memref_squeeze %dma_wait3A_784 : memref<1x!tpu.dma_semaphore, #tpu.memory_space<semaphore_mem>> -> memref<!tpu.dma_semaphore, #tpu.memory_space<semaphore_mem>>
    %dma_wait3A_786 = arith.constant 0 : i32
    %dma_wait3A_787 = arith.constant 0 : i32
    %dma_wait3A_788 = tpu.memref_slice %arg6[%dma_wait3A_775, %dma_wait3A_786, %dma_wait3A_787] : memref<8x50x64xf32, #tpu.memory_space<vmem>> -> memref<1x50x64xf32, #tpu.memory_space<vmem>>
    %dma_wait3A_789 = tpu.memref_squeeze %dma_wait3A_788 : memref<1x50x64xf32, #tpu.memory_space<vmem>> -> memref<50x64xf32, #tpu.memory_space<vmem>>
    %dma_wait3A_790 = arith.constant 0 : i32
    %dma_wait3A_791 = arith.constant 0 : i32
    %dma_wait3A_792 = tpu.memref_slice %arg2[%dma_wait3A_790, %dma_wait3A_791] : memref<1000000x64xf32, #tpu.memory_space<hbm>> -> memref<50x64xf32, #tpu.memory_space<hbm>>
    tpu.wait_dma2 semaphore(%dma_wait3A_785 : memref<!tpu.dma_semaphore, #tpu.memory_space<semaphore_mem>>) src(%dma_wait3A_792 : memref<50x64xf32, #tpu.memory_space<hbm>>) dst(%dma_wait3A_789 : memref<50x64xf32, #tpu.memory_space<vmem>>)
    %add3A_793 = arith.constant 507 : i32
    %add3A_794 = arith.addi %mul3A_2, %add3A_793 : i32
    %mul3A_795 = arith.constant 56 : i32
    %mul3A_796 = arith.muli %add3A_794, %mul3A_795 : i32
    %dma_start3A_797 = arith.constant 3 : i32
    %dma_start3A_798 = arith.constant 3 : i32
    %dma_start3A_799 = arith.constant 0 : i32
    %dma_start3A_800 = arith.constant 0 : i32
    %dma_start3A_801 = tpu.memref_slice %arg6[%dma_start3A_797, %dma_start3A_799, %dma_start3A_800] : memref<8x50x64xf32, #tpu.memory_space<vmem>> -> memref<1x50x64xf32, #tpu.memory_space<vmem>>
    %dma_start3A_802 = tpu.memref_squeeze %dma_start3A_801 : memref<1x50x64xf32, #tpu.memory_space<vmem>> -> memref<50x64xf32, #tpu.memory_space<vmem>>
    %dma_start3A_803 = arith.constant 0 : i32
    %dma_start3A_804 = tpu.memref_slice %arg4[%mul3A_796, %dma_start3A_803] : memref<917504x128xf32, #tpu.memory_space<hbm>> -> memref<50x64xf32, #tpu.memory_space<hbm>>
    %dma_start3A_805 = tpu.memref_slice %arg8[%dma_start3A_798] : memref<8x!tpu.dma_semaphore, #tpu.memory_space<semaphore_mem>> -> memref<1x!tpu.dma_semaphore, #tpu.memory_space<semaphore_mem>>
    %dma_start3A_806 = tpu.memref_squeeze %dma_start3A_805 : memref<1x!tpu.dma_semaphore, #tpu.memory_space<semaphore_mem>> -> memref<!tpu.dma_semaphore, #tpu.memory_space<semaphore_mem>>
    %dma_start3A_807 = arith.constant 0 : i32
    %dma_start3A_808 = tpu.memref_slice %arg4[%mul3A_796, %dma_start3A_807] : memref<917504x128xf32, #tpu.memory_space<hbm>> -> memref<50x64xf32, #tpu.memory_space<hbm>>
    %dma_start3A_809 = arith.constant 0 : i32
    %dma_start3A_810 = arith.constant 0 : i32
    %dma_start3A_811 = tpu.memref_slice %arg6[%dma_start3A_797, %dma_start3A_809, %dma_start3A_810] : memref<8x50x64xf32, #tpu.memory_space<vmem>> -> memref<1x50x64xf32, #tpu.memory_space<vmem>>
    %dma_start3A_812 = tpu.memref_squeeze %dma_start3A_811 : memref<1x50x64xf32, #tpu.memory_space<vmem>> -> memref<50x64xf32, #tpu.memory_space<vmem>>
    tpu.enqueue_dma source(%dma_start3A_812 : memref<50x64xf32, #tpu.memory_space<vmem>>) target(%dma_start3A_808 : memref<50x64xf32, #tpu.memory_space<hbm>>) target_semaphore(%dma_start3A_806 : memref<!tpu.dma_semaphore, #tpu.memory_space<semaphore_mem>>)
    %dma_wait3A_813 = arith.constant 7 : i32
    %dma_wait3A_814 = arith.constant 7 : i32
    %dma_wait3A_815 = arith.constant 0 : i32
    %dma_wait3A_816 = arith.constant 0 : i32
    %dma_wait3A_817 = tpu.memref_slice %arg6[%dma_wait3A_813, %dma_wait3A_815, %dma_wait3A_816] : memref<8x50x64xf32, #tpu.memory_space<vmem>> -> memref<1x50x64xf32, #tpu.memory_space<vmem>>
    %dma_wait3A_818 = tpu.memref_squeeze %dma_wait3A_817 : memref<1x50x64xf32, #tpu.memory_space<vmem>> -> memref<50x64xf32, #tpu.memory_space<vmem>>
    %dma_wait3A_819 = arith.constant 0 : i32
    %dma_wait3A_820 = arith.constant 0 : i32
    %dma_wait3A_821 = tpu.memref_slice %arg2[%dma_wait3A_819, %dma_wait3A_820] : memref<1000000x64xf32, #tpu.memory_space<hbm>> -> memref<50x64xf32, #tpu.memory_space<hbm>>
    %dma_wait3A_822 = tpu.memref_slice %arg8[%dma_wait3A_814] : memref<8x!tpu.dma_semaphore, #tpu.memory_space<semaphore_mem>> -> memref<1x!tpu.dma_semaphore, #tpu.memory_space<semaphore_mem>>
    %dma_wait3A_823 = tpu.memref_squeeze %dma_wait3A_822 : memref<1x!tpu.dma_semaphore, #tpu.memory_space<semaphore_mem>> -> memref<!tpu.dma_semaphore, #tpu.memory_space<semaphore_mem>>
    %dma_wait3A_824 = arith.constant 0 : i32
    %dma_wait3A_825 = arith.constant 0 : i32
    %dma_wait3A_826 = tpu.memref_slice %arg6[%dma_wait3A_813, %dma_wait3A_824, %dma_wait3A_825] : memref<8x50x64xf32, #tpu.memory_space<vmem>> -> memref<1x50x64xf32, #tpu.memory_space<vmem>>
    %dma_wait3A_827 = tpu.memref_squeeze %dma_wait3A_826 : memref<1x50x64xf32, #tpu.memory_space<vmem>> -> memref<50x64xf32, #tpu.memory_space<vmem>>
    %dma_wait3A_828 = arith.constant 0 : i32
    %dma_wait3A_829 = arith.constant 0 : i32
    %dma_wait3A_830 = tpu.memref_slice %arg2[%dma_wait3A_828, %dma_wait3A_829] : memref<1000000x64xf32, #tpu.memory_space<hbm>> -> memref<50x64xf32, #tpu.memory_space<hbm>>
    tpu.wait_dma2 semaphore(%dma_wait3A_823 : memref<!tpu.dma_semaphore, #tpu.memory_space<semaphore_mem>>) src(%dma_wait3A_830 : memref<50x64xf32, #tpu.memory_space<hbm>>) dst(%dma_wait3A_827 : memref<50x64xf32, #tpu.memory_space<vmem>>)
    %dma_start3A_831 = arith.constant 511 : i32
    %dma_start3A_832 = arith.constant 7 : i32
    %dma_start3A_833 = arith.constant 7 : i32
    %dma_start3A_834 = arith.constant 0 : i32
    %dma_start3A_835 = arith.constant 0 : i32
    %dma_start3A_836 = tpu.memref_slice %arg6[%dma_start3A_832, %dma_start3A_834, %dma_start3A_835] : memref<8x50x64xf32, #tpu.memory_space<vmem>> -> memref<1x50x64xf32, #tpu.memory_space<vmem>>
    %dma_start3A_837 = tpu.memref_squeeze %dma_start3A_836 : memref<1x50x64xf32, #tpu.memory_space<vmem>> -> memref<50x64xf32, #tpu.memory_space<vmem>>
    %dma_start3A_838 = arith.constant 0 : i32
    %dma_start3A_839 = tpu.memref_slice %arg5[%dma_start3A_831, %dma_start3A_838] : memref<512x50xi32, #tpu.memory_space<vmem>> -> memref<1x50xi32, #tpu.memory_space<vmem>>
    %dma_start3A_840 = tpu.memref_squeeze %dma_start3A_839 : memref<1x50xi32, #tpu.memory_space<vmem>> -> memref<50xi32, #tpu.memory_space<vmem>>
    %dma_start3A_841 = arith.constant 0 : i32
    %dma_start3A_842 = arith.constant 0 : i32
    %dma_start3A_843 = tpu.memref_slice %arg2[%dma_start3A_841, %dma_start3A_842] : memref<1000000x64xf32, #tpu.memory_space<hbm>> -> memref<1000000x64xf32, #tpu.memory_space<hbm>>
    %dma_start3A_844 = tpu.memref_slice %arg7[%dma_start3A_833] : memref<8x!tpu.dma_semaphore, #tpu.memory_space<semaphore_mem>> -> memref<1x!tpu.dma_semaphore, #tpu.memory_space<semaphore_mem>>
    %dma_start3A_845 = tpu.memref_squeeze %dma_start3A_844 : memref<1x!tpu.dma_semaphore, #tpu.memory_space<semaphore_mem>> -> memref<!tpu.dma_semaphore, #tpu.memory_space<semaphore_mem>>
    tpu.enqueue_indirect_dma source(%dma_start3A_843 : memref<1000000x64xf32, #tpu.memory_space<hbm>>) target(%dma_start3A_837 : memref<50x64xf32, #tpu.memory_space<vmem>>) offsets(%dma_start3A_840 : memref<50xi32, #tpu.memory_space<vmem>>) semaphore(%dma_start3A_845 : memref<!tpu.dma_semaphore, #tpu.memory_space<semaphore_mem>>)
    %dma_wait3A_846 = arith.constant 4 : i32
    %dma_wait3A_847 = arith.constant 4 : i32
    %dma_wait3A_848 = arith.constant 0 : i32
    %dma_wait3A_849 = arith.constant 0 : i32
    %dma_wait3A_850 = tpu.memref_slice %arg6[%dma_wait3A_846, %dma_wait3A_848, %dma_wait3A_849] : memref<8x50x64xf32, #tpu.memory_space<vmem>> -> memref<1x50x64xf32, #tpu.memory_space<vmem>>
    %dma_wait3A_851 = tpu.memref_squeeze %dma_wait3A_850 : memref<1x50x64xf32, #tpu.memory_space<vmem>> -> memref<50x64xf32, #tpu.memory_space<vmem>>
    %dma_wait3A_852 = arith.constant 0 : i32
    %dma_wait3A_853 = arith.constant 0 : i32
    %dma_wait3A_854 = tpu.memref_slice %arg2[%dma_wait3A_852, %dma_wait3A_853] : memref<1000000x64xf32, #tpu.memory_space<hbm>> -> memref<50x64xf32, #tpu.memory_space<hbm>>
    %dma_wait3A_855 = tpu.memref_slice %arg7[%dma_wait3A_847] : memref<8x!tpu.dma_semaphore, #tpu.memory_space<semaphore_mem>> -> memref<1x!tpu.dma_semaphore, #tpu.memory_space<semaphore_mem>>
    %dma_wait3A_856 = tpu.memref_squeeze %dma_wait3A_855 : memref<1x!tpu.dma_semaphore, #tpu.memory_space<semaphore_mem>> -> memref<!tpu.dma_semaphore, #tpu.memory_space<semaphore_mem>>
    %dma_wait3A_857 = arith.constant 0 : i32
    %dma_wait3A_858 = arith.constant 0 : i32
    %dma_wait3A_859 = tpu.memref_slice %arg6[%dma_wait3A_846, %dma_wait3A_857, %dma_wait3A_858] : memref<8x50x64xf32, #tpu.memory_space<vmem>> -> memref<1x50x64xf32, #tpu.memory_space<vmem>>
    %dma_wait3A_860 = tpu.memref_squeeze %dma_wait3A_859 : memref<1x50x64xf32, #tpu.memory_space<vmem>> -> memref<50x64xf32, #tpu.memory_space<vmem>>
    %dma_wait3A_861 = arith.constant 0 : i32
    %dma_wait3A_862 = arith.constant 0 : i32
    %dma_wait3A_863 = tpu.memref_slice %arg2[%dma_wait3A_861, %dma_wait3A_862] : memref<1000000x64xf32, #tpu.memory_space<hbm>> -> memref<50x64xf32, #tpu.memory_space<hbm>>
    tpu.wait_dma2 semaphore(%dma_wait3A_856 : memref<!tpu.dma_semaphore, #tpu.memory_space<semaphore_mem>>) src(%dma_wait3A_863 : memref<50x64xf32, #tpu.memory_space<hbm>>) dst(%dma_wait3A_860 : memref<50x64xf32, #tpu.memory_space<vmem>>)
    %add3A_864 = arith.constant 508 : i32
    %add3A_865 = arith.addi %mul3A_2, %add3A_864 : i32
    %mul3A_866 = arith.constant 56 : i32
    %mul3A_867 = arith.muli %add3A_865, %mul3A_866 : i32
    %dma_start3A_868 = arith.constant 4 : i32
    %dma_start3A_869 = arith.constant 4 : i32
    %dma_start3A_870 = arith.constant 0 : i32
    %dma_start3A_871 = arith.constant 0 : i32
    %dma_start3A_872 = tpu.memref_slice %arg6[%dma_start3A_868, %dma_start3A_870, %dma_start3A_871] : memref<8x50x64xf32, #tpu.memory_space<vmem>> -> memref<1x50x64xf32, #tpu.memory_space<vmem>>
    %dma_start3A_873 = tpu.memref_squeeze %dma_start3A_872 : memref<1x50x64xf32, #tpu.memory_space<vmem>> -> memref<50x64xf32, #tpu.memory_space<vmem>>
    %dma_start3A_874 = arith.constant 0 : i32
    %dma_start3A_875 = tpu.memref_slice %arg4[%mul3A_867, %dma_start3A_874] : memref<917504x128xf32, #tpu.memory_space<hbm>> -> memref<50x64xf32, #tpu.memory_space<hbm>>
    %dma_start3A_876 = tpu.memref_slice %arg8[%dma_start3A_869] : memref<8x!tpu.dma_semaphore, #tpu.memory_space<semaphore_mem>> -> memref<1x!tpu.dma_semaphore, #tpu.memory_space<semaphore_mem>>
    %dma_start3A_877 = tpu.memref_squeeze %dma_start3A_876 : memref<1x!tpu.dma_semaphore, #tpu.memory_space<semaphore_mem>> -> memref<!tpu.dma_semaphore, #tpu.memory_space<semaphore_mem>>
    %dma_start3A_878 = arith.constant 0 : i32
    %dma_start3A_879 = tpu.memref_slice %arg4[%mul3A_867, %dma_start3A_878] : memref<917504x128xf32, #tpu.memory_space<hbm>> -> memref<50x64xf32, #tpu.memory_space<hbm>>
    %dma_start3A_880 = arith.constant 0 : i32
    %dma_start3A_881 = arith.constant 0 : i32
    %dma_start3A_882 = tpu.memref_slice %arg6[%dma_start3A_868, %dma_start3A_880, %dma_start3A_881] : memref<8x50x64xf32, #tpu.memory_space<vmem>> -> memref<1x50x64xf32, #tpu.memory_space<vmem>>
    %dma_start3A_883 = tpu.memref_squeeze %dma_start3A_882 : memref<1x50x64xf32, #tpu.memory_space<vmem>> -> memref<50x64xf32, #tpu.memory_space<vmem>>
    tpu.enqueue_dma source(%dma_start3A_883 : memref<50x64xf32, #tpu.memory_space<vmem>>) target(%dma_start3A_879 : memref<50x64xf32, #tpu.memory_space<hbm>>) target_semaphore(%dma_start3A_877 : memref<!tpu.dma_semaphore, #tpu.memory_space<semaphore_mem>>)
    %dma_wait3A_884 = arith.constant 0 : i32
    %dma_wait3A_885 = arith.constant 0 : i32
    %dma_wait3A_886 = arith.constant 0 : i32
    %dma_wait3A_887 = arith.constant 0 : i32
    %dma_wait3A_888 = tpu.memref_slice %arg6[%dma_wait3A_884, %dma_wait3A_886, %dma_wait3A_887] : memref<8x50x64xf32, #tpu.memory_space<vmem>> -> memref<1x50x64xf32, #tpu.memory_space<vmem>>
    %dma_wait3A_889 = tpu.memref_squeeze %dma_wait3A_888 : memref<1x50x64xf32, #tpu.memory_space<vmem>> -> memref<50x64xf32, #tpu.memory_space<vmem>>
    %dma_wait3A_890 = arith.constant 0 : i32
    %dma_wait3A_891 = arith.constant 0 : i32
    %dma_wait3A_892 = tpu.memref_slice %arg2[%dma_wait3A_890, %dma_wait3A_891] : memref<1000000x64xf32, #tpu.memory_space<hbm>> -> memref<50x64xf32, #tpu.memory_space<hbm>>
    %dma_wait3A_893 = tpu.memref_slice %arg8[%dma_wait3A_885] : memref<8x!tpu.dma_semaphore, #tpu.memory_space<semaphore_mem>> -> memref<1x!tpu.dma_semaphore, #tpu.memory_space<semaphore_mem>>
    %dma_wait3A_894 = tpu.memref_squeeze %dma_wait3A_893 : memref<1x!tpu.dma_semaphore, #tpu.memory_space<semaphore_mem>> -> memref<!tpu.dma_semaphore, #tpu.memory_space<semaphore_mem>>
    %dma_wait3A_895 = arith.constant 0 : i32
    %dma_wait3A_896 = arith.constant 0 : i32
    %dma_wait3A_897 = tpu.memref_slice %arg6[%dma_wait3A_884, %dma_wait3A_895, %dma_wait3A_896] : memref<8x50x64xf32, #tpu.memory_space<vmem>> -> memref<1x50x64xf32, #tpu.memory_space<vmem>>
    %dma_wait3A_898 = tpu.memref_squeeze %dma_wait3A_897 : memref<1x50x64xf32, #tpu.memory_space<vmem>> -> memref<50x64xf32, #tpu.memory_space<vmem>>
    %dma_wait3A_899 = arith.constant 0 : i32
    %dma_wait3A_900 = arith.constant 0 : i32
    %dma_wait3A_901 = tpu.memref_slice %arg2[%dma_wait3A_899, %dma_wait3A_900] : memref<1000000x64xf32, #tpu.memory_space<hbm>> -> memref<50x64xf32, #tpu.memory_space<hbm>>
    tpu.wait_dma2 semaphore(%dma_wait3A_894 : memref<!tpu.dma_semaphore, #tpu.memory_space<semaphore_mem>>) src(%dma_wait3A_901 : memref<50x64xf32, #tpu.memory_space<hbm>>) dst(%dma_wait3A_898 : memref<50x64xf32, #tpu.memory_space<vmem>>)
    %dma_wait3A_902 = arith.constant 5 : i32
    %dma_wait3A_903 = arith.constant 5 : i32
    %dma_wait3A_904 = arith.constant 0 : i32
    %dma_wait3A_905 = arith.constant 0 : i32
    %dma_wait3A_906 = tpu.memref_slice %arg6[%dma_wait3A_902, %dma_wait3A_904, %dma_wait3A_905] : memref<8x50x64xf32, #tpu.memory_space<vmem>> -> memref<1x50x64xf32, #tpu.memory_space<vmem>>
    %dma_wait3A_907 = tpu.memref_squeeze %dma_wait3A_906 : memref<1x50x64xf32, #tpu.memory_space<vmem>> -> memref<50x64xf32, #tpu.memory_space<vmem>>
    %dma_wait3A_908 = arith.constant 0 : i32
    %dma_wait3A_909 = arith.constant 0 : i32
    %dma_wait3A_910 = tpu.memref_slice %arg2[%dma_wait3A_908, %dma_wait3A_909] : memref<1000000x64xf32, #tpu.memory_space<hbm>> -> memref<50x64xf32, #tpu.memory_space<hbm>>
    %dma_wait3A_911 = tpu.memref_slice %arg7[%dma_wait3A_903] : memref<8x!tpu.dma_semaphore, #tpu.memory_space<semaphore_mem>> -> memref<1x!tpu.dma_semaphore, #tpu.memory_space<semaphore_mem>>
    %dma_wait3A_912 = tpu.memref_squeeze %dma_wait3A_911 : memref<1x!tpu.dma_semaphore, #tpu.memory_space<semaphore_mem>> -> memref<!tpu.dma_semaphore, #tpu.memory_space<semaphore_mem>>
    %dma_wait3A_913 = arith.constant 0 : i32
    %dma_wait3A_914 = arith.constant 0 : i32
    %dma_wait3A_915 = tpu.memref_slice %arg6[%dma_wait3A_902, %dma_wait3A_913, %dma_wait3A_914] : memref<8x50x64xf32, #tpu.memory_space<vmem>> -> memref<1x50x64xf32, #tpu.memory_space<vmem>>
    %dma_wait3A_916 = tpu.memref_squeeze %dma_wait3A_915 : memref<1x50x64xf32, #tpu.memory_space<vmem>> -> memref<50x64xf32, #tpu.memory_space<vmem>>
    %dma_wait3A_917 = arith.constant 0 : i32
    %dma_wait3A_918 = arith.constant 0 : i32
    %dma_wait3A_919 = tpu.memref_slice %arg2[%dma_wait3A_917, %dma_wait3A_918] : memref<1000000x64xf32, #tpu.memory_space<hbm>> -> memref<50x64xf32, #tpu.memory_space<hbm>>
    tpu.wait_dma2 semaphore(%dma_wait3A_912 : memref<!tpu.dma_semaphore, #tpu.memory_space<semaphore_mem>>) src(%dma_wait3A_919 : memref<50x64xf32, #tpu.memory_space<hbm>>) dst(%dma_wait3A_916 : memref<50x64xf32, #tpu.memory_space<vmem>>)
    %add3A_920 = arith.constant 509 : i32
    %add3A_921 = arith.addi %mul3A_2, %add3A_920 : i32
    %mul3A_922 = arith.constant 56 : i32
    %mul3A_923 = arith.muli %add3A_921, %mul3A_922 : i32
    %dma_start3A_924 = arith.constant 5 : i32
    %dma_start3A_925 = arith.constant 5 : i32
    %dma_start3A_926 = arith.constant 0 : i32
    %dma_start3A_927 = arith.constant 0 : i32
    %dma_start3A_928 = tpu.memref_slice %arg6[%dma_start3A_924, %dma_start3A_926, %dma_start3A_927] : memref<8x50x64xf32, #tpu.memory_space<vmem>> -> memref<1x50x64xf32, #tpu.memory_space<vmem>>
    %dma_start3A_929 = tpu.memref_squeeze %dma_start3A_928 : memref<1x50x64xf32, #tpu.memory_space<vmem>> -> memref<50x64xf32, #tpu.memory_space<vmem>>
    %dma_start3A_930 = arith.constant 0 : i32
    %dma_start3A_931 = tpu.memref_slice %arg4[%mul3A_923, %dma_start3A_930] : memref<917504x128xf32, #tpu.memory_space<hbm>> -> memref<50x64xf32, #tpu.memory_space<hbm>>
    %dma_start3A_932 = tpu.memref_slice %arg8[%dma_start3A_925] : memref<8x!tpu.dma_semaphore, #tpu.memory_space<semaphore_mem>> -> memref<1x!tpu.dma_semaphore, #tpu.memory_space<semaphore_mem>>
    %dma_start3A_933 = tpu.memref_squeeze %dma_start3A_932 : memref<1x!tpu.dma_semaphore, #tpu.memory_space<semaphore_mem>> -> memref<!tpu.dma_semaphore, #tpu.memory_space<semaphore_mem>>
    %dma_start3A_934 = arith.constant 0 : i32
    %dma_start3A_935 = tpu.memref_slice %arg4[%mul3A_923, %dma_start3A_934] : memref<917504x128xf32, #tpu.memory_space<hbm>> -> memref<50x64xf32, #tpu.memory_space<hbm>>
    %dma_start3A_936 = arith.constant 0 : i32
    %dma_start3A_937 = arith.constant 0 : i32
    %dma_start3A_938 = tpu.memref_slice %arg6[%dma_start3A_924, %dma_start3A_936, %dma_start3A_937] : memref<8x50x64xf32, #tpu.memory_space<vmem>> -> memref<1x50x64xf32, #tpu.memory_space<vmem>>
    %dma_start3A_939 = tpu.memref_squeeze %dma_start3A_938 : memref<1x50x64xf32, #tpu.memory_space<vmem>> -> memref<50x64xf32, #tpu.memory_space<vmem>>
    tpu.enqueue_dma source(%dma_start3A_939 : memref<50x64xf32, #tpu.memory_space<vmem>>) target(%dma_start3A_935 : memref<50x64xf32, #tpu.memory_space<hbm>>) target_semaphore(%dma_start3A_933 : memref<!tpu.dma_semaphore, #tpu.memory_space<semaphore_mem>>)
    %dma_wait3A_940 = arith.constant 1 : i32
    %dma_wait3A_941 = arith.constant 1 : i32
    %dma_wait3A_942 = arith.constant 0 : i32
    %dma_wait3A_943 = arith.constant 0 : i32
    %dma_wait3A_944 = tpu.memref_slice %arg6[%dma_wait3A_940, %dma_wait3A_942, %dma_wait3A_943] : memref<8x50x64xf32, #tpu.memory_space<vmem>> -> memref<1x50x64xf32, #tpu.memory_space<vmem>>
    %dma_wait3A_945 = tpu.memref_squeeze %dma_wait3A_944 : memref<1x50x64xf32, #tpu.memory_space<vmem>> -> memref<50x64xf32, #tpu.memory_space<vmem>>
    %dma_wait3A_946 = arith.constant 0 : i32
    %dma_wait3A_947 = arith.constant 0 : i32
    %dma_wait3A_948 = tpu.memref_slice %arg2[%dma_wait3A_946, %dma_wait3A_947] : memref<1000000x64xf32, #tpu.memory_space<hbm>> -> memref<50x64xf32, #tpu.memory_space<hbm>>
    %dma_wait3A_949 = tpu.memref_slice %arg8[%dma_wait3A_941] : memref<8x!tpu.dma_semaphore, #tpu.memory_space<semaphore_mem>> -> memref<1x!tpu.dma_semaphore, #tpu.memory_space<semaphore_mem>>
    %dma_wait3A_950 = tpu.memref_squeeze %dma_wait3A_949 : memref<1x!tpu.dma_semaphore, #tpu.memory_space<semaphore_mem>> -> memref<!tpu.dma_semaphore, #tpu.memory_space<semaphore_mem>>
    %dma_wait3A_951 = arith.constant 0 : i32
    %dma_wait3A_952 = arith.constant 0 : i32
    %dma_wait3A_953 = tpu.memref_slice %arg6[%dma_wait3A_940, %dma_wait3A_951, %dma_wait3A_952] : memref<8x50x64xf32, #tpu.memory_space<vmem>> -> memref<1x50x64xf32, #tpu.memory_space<vmem>>
    %dma_wait3A_954 = tpu.memref_squeeze %dma_wait3A_953 : memref<1x50x64xf32, #tpu.memory_space<vmem>> -> memref<50x64xf32, #tpu.memory_space<vmem>>
    %dma_wait3A_955 = arith.constant 0 : i32
    %dma_wait3A_956 = arith.constant 0 : i32
    %dma_wait3A_957 = tpu.memref_slice %arg2[%dma_wait3A_955, %dma_wait3A_956] : memref<1000000x64xf32, #tpu.memory_space<hbm>> -> memref<50x64xf32, #tpu.memory_space<hbm>>
    tpu.wait_dma2 semaphore(%dma_wait3A_950 : memref<!tpu.dma_semaphore, #tpu.memory_space<semaphore_mem>>) src(%dma_wait3A_957 : memref<50x64xf32, #tpu.memory_space<hbm>>) dst(%dma_wait3A_954 : memref<50x64xf32, #tpu.memory_space<vmem>>)
    %dma_wait3A_958 = arith.constant 6 : i32
    %dma_wait3A_959 = arith.constant 6 : i32
    %dma_wait3A_960 = arith.constant 0 : i32
    %dma_wait3A_961 = arith.constant 0 : i32
    %dma_wait3A_962 = tpu.memref_slice %arg6[%dma_wait3A_958, %dma_wait3A_960, %dma_wait3A_961] : memref<8x50x64xf32, #tpu.memory_space<vmem>> -> memref<1x50x64xf32, #tpu.memory_space<vmem>>
    %dma_wait3A_963 = tpu.memref_squeeze %dma_wait3A_962 : memref<1x50x64xf32, #tpu.memory_space<vmem>> -> memref<50x64xf32, #tpu.memory_space<vmem>>
    %dma_wait3A_964 = arith.constant 0 : i32
    %dma_wait3A_965 = arith.constant 0 : i32
    %dma_wait3A_966 = tpu.memref_slice %arg2[%dma_wait3A_964, %dma_wait3A_965] : memref<1000000x64xf32, #tpu.memory_space<hbm>> -> memref<50x64xf32, #tpu.memory_space<hbm>>
    %dma_wait3A_967 = tpu.memref_slice %arg7[%dma_wait3A_959] : memref<8x!tpu.dma_semaphore, #tpu.memory_space<semaphore_mem>> -> memref<1x!tpu.dma_semaphore, #tpu.memory_space<semaphore_mem>>
    %dma_wait3A_968 = tpu.memref_squeeze %dma_wait3A_967 : memref<1x!tpu.dma_semaphore, #tpu.memory_space<semaphore_mem>> -> memref<!tpu.dma_semaphore, #tpu.memory_space<semaphore_mem>>
    %dma_wait3A_969 = arith.constant 0 : i32
    %dma_wait3A_970 = arith.constant 0 : i32
    %dma_wait3A_971 = tpu.memref_slice %arg6[%dma_wait3A_958, %dma_wait3A_969, %dma_wait3A_970] : memref<8x50x64xf32, #tpu.memory_space<vmem>> -> memref<1x50x64xf32, #tpu.memory_space<vmem>>
    %dma_wait3A_972 = tpu.memref_squeeze %dma_wait3A_971 : memref<1x50x64xf32, #tpu.memory_space<vmem>> -> memref<50x64xf32, #tpu.memory_space<vmem>>
    %dma_wait3A_973 = arith.constant 0 : i32
    %dma_wait3A_974 = arith.constant 0 : i32
    %dma_wait3A_975 = tpu.memref_slice %arg2[%dma_wait3A_973, %dma_wait3A_974] : memref<1000000x64xf32, #tpu.memory_space<hbm>> -> memref<50x64xf32, #tpu.memory_space<hbm>>
    tpu.wait_dma2 semaphore(%dma_wait3A_968 : memref<!tpu.dma_semaphore, #tpu.memory_space<semaphore_mem>>) src(%dma_wait3A_975 : memref<50x64xf32, #tpu.memory_space<hbm>>) dst(%dma_wait3A_972 : memref<50x64xf32, #tpu.memory_space<vmem>>)
    %add3A_976 = arith.constant 510 : i32
    %add3A_977 = arith.addi %mul3A_2, %add3A_976 : i32
    %mul3A_978 = arith.constant 56 : i32
    %mul3A_979 = arith.muli %add3A_977, %mul3A_978 : i32
    %dma_start3A_980 = arith.constant 6 : i32
    %dma_start3A_981 = arith.constant 6 : i32
    %dma_start3A_982 = arith.constant 0 : i32
    %dma_start3A_983 = arith.constant 0 : i32
    %dma_start3A_984 = tpu.memref_slice %arg6[%dma_start3A_980, %dma_start3A_982, %dma_start3A_983] : memref<8x50x64xf32, #tpu.memory_space<vmem>> -> memref<1x50x64xf32, #tpu.memory_space<vmem>>
    %dma_start3A_985 = tpu.memref_squeeze %dma_start3A_984 : memref<1x50x64xf32, #tpu.memory_space<vmem>> -> memref<50x64xf32, #tpu.memory_space<vmem>>
    %dma_start3A_986 = arith.constant 0 : i32
    %dma_start3A_987 = tpu.memref_slice %arg4[%mul3A_979, %dma_start3A_986] : memref<917504x128xf32, #tpu.memory_space<hbm>> -> memref<50x64xf32, #tpu.memory_space<hbm>>
    %dma_start3A_988 = tpu.memref_slice %arg8[%dma_start3A_981] : memref<8x!tpu.dma_semaphore, #tpu.memory_space<semaphore_mem>> -> memref<1x!tpu.dma_semaphore, #tpu.memory_space<semaphore_mem>>
    %dma_start3A_989 = tpu.memref_squeeze %dma_start3A_988 : memref<1x!tpu.dma_semaphore, #tpu.memory_space<semaphore_mem>> -> memref<!tpu.dma_semaphore, #tpu.memory_space<semaphore_mem>>
    %dma_start3A_990 = arith.constant 0 : i32
    %dma_start3A_991 = tpu.memref_slice %arg4[%mul3A_979, %dma_start3A_990] : memref<917504x128xf32, #tpu.memory_space<hbm>> -> memref<50x64xf32, #tpu.memory_space<hbm>>
    %dma_start3A_992 = arith.constant 0 : i32
    %dma_start3A_993 = arith.constant 0 : i32
    %dma_start3A_994 = tpu.memref_slice %arg6[%dma_start3A_980, %dma_start3A_992, %dma_start3A_993] : memref<8x50x64xf32, #tpu.memory_space<vmem>> -> memref<1x50x64xf32, #tpu.memory_space<vmem>>
    %dma_start3A_995 = tpu.memref_squeeze %dma_start3A_994 : memref<1x50x64xf32, #tpu.memory_space<vmem>> -> memref<50x64xf32, #tpu.memory_space<vmem>>
    tpu.enqueue_dma source(%dma_start3A_995 : memref<50x64xf32, #tpu.memory_space<vmem>>) target(%dma_start3A_991 : memref<50x64xf32, #tpu.memory_space<hbm>>) target_semaphore(%dma_start3A_989 : memref<!tpu.dma_semaphore, #tpu.memory_space<semaphore_mem>>)
    %dma_wait3A_996 = arith.constant 2 : i32
    %dma_wait3A_997 = arith.constant 2 : i32
    %dma_wait3A_998 = arith.constant 0 : i32
    %dma_wait3A_999 = arith.constant 0 : i32
    %dma_wait3A_1000 = tpu.memref_slice %arg6[%dma_wait3A_996, %dma_wait3A_998, %dma_wait3A_999] : memref<8x50x64xf32, #tpu.memory_space<vmem>> -> memref<1x50x64xf32, #tpu.memory_space<vmem>>
    %dma_wait3A_1001 = tpu.memref_squeeze %dma_wait3A_1000 : memref<1x50x64xf32, #tpu.memory_space<vmem>> -> memref<50x64xf32, #tpu.memory_space<vmem>>
    %dma_wait3A_1002 = arith.constant 0 : i32
    %dma_wait3A_1003 = arith.constant 0 : i32
    %dma_wait3A_1004 = tpu.memref_slice %arg2[%dma_wait3A_1002, %dma_wait3A_1003] : memref<1000000x64xf32, #tpu.memory_space<hbm>> -> memref<50x64xf32, #tpu.memory_space<hbm>>
    %dma_wait3A_1005 = tpu.memref_slice %arg8[%dma_wait3A_997] : memref<8x!tpu.dma_semaphore, #tpu.memory_space<semaphore_mem>> -> memref<1x!tpu.dma_semaphore, #tpu.memory_space<semaphore_mem>>
    %dma_wait3A_1006 = tpu.memref_squeeze %dma_wait3A_1005 : memref<1x!tpu.dma_semaphore, #tpu.memory_space<semaphore_mem>> -> memref<!tpu.dma_semaphore, #tpu.memory_space<semaphore_mem>>
    %dma_wait3A_1007 = arith.constant 0 : i32
    %dma_wait3A_1008 = arith.constant 0 : i32
    %dma_wait3A_1009 = tpu.memref_slice %arg6[%dma_wait3A_996, %dma_wait3A_1007, %dma_wait3A_1008] : memref<8x50x64xf32, #tpu.memory_space<vmem>> -> memref<1x50x64xf32, #tpu.memory_space<vmem>>
    %dma_wait3A_1010 = tpu.memref_squeeze %dma_wait3A_1009 : memref<1x50x64xf32, #tpu.memory_space<vmem>> -> memref<50x64xf32, #tpu.memory_space<vmem>>
    %dma_wait3A_1011 = arith.constant 0 : i32
    %dma_wait3A_1012 = arith.constant 0 : i32
    %dma_wait3A_1013 = tpu.memref_slice %arg2[%dma_wait3A_1011, %dma_wait3A_1012] : memref<1000000x64xf32, #tpu.memory_space<hbm>> -> memref<50x64xf32, #tpu.memory_space<hbm>>
    tpu.wait_dma2 semaphore(%dma_wait3A_1006 : memref<!tpu.dma_semaphore, #tpu.memory_space<semaphore_mem>>) src(%dma_wait3A_1013 : memref<50x64xf32, #tpu.memory_space<hbm>>) dst(%dma_wait3A_1010 : memref<50x64xf32, #tpu.memory_space<vmem>>)
    %dma_wait3A_1014 = arith.constant 7 : i32
    %dma_wait3A_1015 = arith.constant 7 : i32
    %dma_wait3A_1016 = arith.constant 0 : i32
    %dma_wait3A_1017 = arith.constant 0 : i32
    %dma_wait3A_1018 = tpu.memref_slice %arg6[%dma_wait3A_1014, %dma_wait3A_1016, %dma_wait3A_1017] : memref<8x50x64xf32, #tpu.memory_space<vmem>> -> memref<1x50x64xf32, #tpu.memory_space<vmem>>
    %dma_wait3A_1019 = tpu.memref_squeeze %dma_wait3A_1018 : memref<1x50x64xf32, #tpu.memory_space<vmem>> -> memref<50x64xf32, #tpu.memory_space<vmem>>
    %dma_wait3A_1020 = arith.constant 0 : i32
    %dma_wait3A_1021 = arith.constant 0 : i32
    %dma_wait3A_1022 = tpu.memref_slice %arg2[%dma_wait3A_1020, %dma_wait3A_1021] : memref<1000000x64xf32, #tpu.memory_space<hbm>> -> memref<50x64xf32, #tpu.memory_space<hbm>>
    %dma_wait3A_1023 = tpu.memref_slice %arg7[%dma_wait3A_1015] : memref<8x!tpu.dma_semaphore, #tpu.memory_space<semaphore_mem>> -> memref<1x!tpu.dma_semaphore, #tpu.memory_space<semaphore_mem>>
    %dma_wait3A_1024 = tpu.memref_squeeze %dma_wait3A_1023 : memref<1x!tpu.dma_semaphore, #tpu.memory_space<semaphore_mem>> -> memref<!tpu.dma_semaphore, #tpu.memory_space<semaphore_mem>>
    %dma_wait3A_1025 = arith.constant 0 : i32
    %dma_wait3A_1026 = arith.constant 0 : i32
    %dma_wait3A_1027 = tpu.memref_slice %arg6[%dma_wait3A_1014, %dma_wait3A_1025, %dma_wait3A_1026] : memref<8x50x64xf32, #tpu.memory_space<vmem>> -> memref<1x50x64xf32, #tpu.memory_space<vmem>>
    %dma_wait3A_1028 = tpu.memref_squeeze %dma_wait3A_1027 : memref<1x50x64xf32, #tpu.memory_space<vmem>> -> memref<50x64xf32, #tpu.memory_space<vmem>>
    %dma_wait3A_1029 = arith.constant 0 : i32
    %dma_wait3A_1030 = arith.constant 0 : i32
    %dma_wait3A_1031 = tpu.memref_slice %arg2[%dma_wait3A_1029, %dma_wait3A_1030] : memref<1000000x64xf32, #tpu.memory_space<hbm>> -> memref<50x64xf32, #tpu.memory_space<hbm>>
    tpu.wait_dma2 semaphore(%dma_wait3A_1024 : memref<!tpu.dma_semaphore, #tpu.memory_space<semaphore_mem>>) src(%dma_wait3A_1031 : memref<50x64xf32, #tpu.memory_space<hbm>>) dst(%dma_wait3A_1028 : memref<50x64xf32, #tpu.memory_space<vmem>>)
    %add3A_1032 = arith.constant 511 : i32
    %add3A_1033 = arith.addi %mul3A_2, %add3A_1032 : i32
    %mul3A_1034 = arith.constant 56 : i32
    %mul3A_1035 = arith.muli %add3A_1033, %mul3A_1034 : i32
    %dma_start3A_1036 = arith.constant 7 : i32
    %dma_start3A_1037 = arith.constant 7 : i32
    %dma_start3A_1038 = arith.constant 0 : i32
    %dma_start3A_1039 = arith.constant 0 : i32
    %dma_start3A_1040 = tpu.memref_slice %arg6[%dma_start3A_1036, %dma_start3A_1038, %dma_start3A_1039] : memref<8x50x64xf32, #tpu.memory_space<vmem>> -> memref<1x50x64xf32, #tpu.memory_space<vmem>>
    %dma_start3A_1041 = tpu.memref_squeeze %dma_start3A_1040 : memref<1x50x64xf32, #tpu.memory_space<vmem>> -> memref<50x64xf32, #tpu.memory_space<vmem>>
    %dma_start3A_1042 = arith.constant 0 : i32
    %dma_start3A_1043 = tpu.memref_slice %arg4[%mul3A_1035, %dma_start3A_1042] : memref<917504x128xf32, #tpu.memory_space<hbm>> -> memref<50x64xf32, #tpu.memory_space<hbm>>
    %dma_start3A_1044 = tpu.memref_slice %arg8[%dma_start3A_1037] : memref<8x!tpu.dma_semaphore, #tpu.memory_space<semaphore_mem>> -> memref<1x!tpu.dma_semaphore, #tpu.memory_space<semaphore_mem>>
    %dma_start3A_1045 = tpu.memref_squeeze %dma_start3A_1044 : memref<1x!tpu.dma_semaphore, #tpu.memory_space<semaphore_mem>> -> memref<!tpu.dma_semaphore, #tpu.memory_space<semaphore_mem>>
    %dma_start3A_1046 = arith.constant 0 : i32
    %dma_start3A_1047 = tpu.memref_slice %arg4[%mul3A_1035, %dma_start3A_1046] : memref<917504x128xf32, #tpu.memory_space<hbm>> -> memref<50x64xf32, #tpu.memory_space<hbm>>
    %dma_start3A_1048 = arith.constant 0 : i32
    %dma_start3A_1049 = arith.constant 0 : i32
    %dma_start3A_1050 = tpu.memref_slice %arg6[%dma_start3A_1036, %dma_start3A_1048, %dma_start3A_1049] : memref<8x50x64xf32, #tpu.memory_space<vmem>> -> memref<1x50x64xf32, #tpu.memory_space<vmem>>
    %dma_start3A_1051 = tpu.memref_squeeze %dma_start3A_1050 : memref<1x50x64xf32, #tpu.memory_space<vmem>> -> memref<50x64xf32, #tpu.memory_space<vmem>>
    tpu.enqueue_dma source(%dma_start3A_1051 : memref<50x64xf32, #tpu.memory_space<vmem>>) target(%dma_start3A_1047 : memref<50x64xf32, #tpu.memory_space<hbm>>) target_semaphore(%dma_start3A_1045 : memref<!tpu.dma_semaphore, #tpu.memory_space<semaphore_mem>>)
    %dma_wait3A_1052 = arith.constant 3 : i32
    %dma_wait3A_1053 = arith.constant 3 : i32
    %dma_wait3A_1054 = arith.constant 0 : i32
    %dma_wait3A_1055 = arith.constant 0 : i32
    %dma_wait3A_1056 = tpu.memref_slice %arg6[%dma_wait3A_1052, %dma_wait3A_1054, %dma_wait3A_1055] : memref<8x50x64xf32, #tpu.memory_space<vmem>> -> memref<1x50x64xf32, #tpu.memory_space<vmem>>
    %dma_wait3A_1057 = tpu.memref_squeeze %dma_wait3A_1056 : memref<1x50x64xf32, #tpu.memory_space<vmem>> -> memref<50x64xf32, #tpu.memory_space<vmem>>
    %dma_wait3A_1058 = arith.constant 0 : i32
    %dma_wait3A_1059 = arith.constant 0 : i32
    %dma_wait3A_1060 = tpu.memref_slice %arg2[%dma_wait3A_1058, %dma_wait3A_1059] : memref<1000000x64xf32, #tpu.memory_space<hbm>> -> memref<50x64xf32, #tpu.memory_space<hbm>>
    %dma_wait3A_1061 = tpu.memref_slice %arg8[%dma_wait3A_1053] : memref<8x!tpu.dma_semaphore, #tpu.memory_space<semaphore_mem>> -> memref<1x!tpu.dma_semaphore, #tpu.memory_space<semaphore_mem>>
    %dma_wait3A_1062 = tpu.memref_squeeze %dma_wait3A_1061 : memref<1x!tpu.dma_semaphore, #tpu.memory_space<semaphore_mem>> -> memref<!tpu.dma_semaphore, #tpu.memory_space<semaphore_mem>>
    %dma_wait3A_1063 = arith.constant 0 : i32
    %dma_wait3A_1064 = arith.constant 0 : i32
    %dma_wait3A_1065 = tpu.memref_slice %arg6[%dma_wait3A_1052, %dma_wait3A_1063, %dma_wait3A_1064] : memref<8x50x64xf32, #tpu.memory_space<vmem>> -> memref<1x50x64xf32, #tpu.memory_space<vmem>>
    %dma_wait3A_1066 = tpu.memref_squeeze %dma_wait3A_1065 : memref<1x50x64xf32, #tpu.memory_space<vmem>> -> memref<50x64xf32, #tpu.memory_space<vmem>>
    %dma_wait3A_1067 = arith.constant 0 : i32
    %dma_wait3A_1068 = arith.constant 0 : i32
    %dma_wait3A_1069 = tpu.memref_slice %arg2[%dma_wait3A_1067, %dma_wait3A_1068] : memref<1000000x64xf32, #tpu.memory_space<hbm>> -> memref<50x64xf32, #tpu.memory_space<hbm>>
    tpu.wait_dma2 semaphore(%dma_wait3A_1062 : memref<!tpu.dma_semaphore, #tpu.memory_space<semaphore_mem>>) src(%dma_wait3A_1069 : memref<50x64xf32, #tpu.memory_space<hbm>>) dst(%dma_wait3A_1066 : memref<50x64xf32, #tpu.memory_space<vmem>>)
    %dma_wait3A_1070 = arith.constant 4 : i32
    %dma_wait3A_1071 = arith.constant 4 : i32
    %dma_wait3A_1072 = arith.constant 0 : i32
    %dma_wait3A_1073 = arith.constant 0 : i32
    %dma_wait3A_1074 = tpu.memref_slice %arg6[%dma_wait3A_1070, %dma_wait3A_1072, %dma_wait3A_1073] : memref<8x50x64xf32, #tpu.memory_space<vmem>> -> memref<1x50x64xf32, #tpu.memory_space<vmem>>
    %dma_wait3A_1075 = tpu.memref_squeeze %dma_wait3A_1074 : memref<1x50x64xf32, #tpu.memory_space<vmem>> -> memref<50x64xf32, #tpu.memory_space<vmem>>
    %dma_wait3A_1076 = arith.constant 0 : i32
    %dma_wait3A_1077 = arith.constant 0 : i32
    %dma_wait3A_1078 = tpu.memref_slice %arg2[%dma_wait3A_1076, %dma_wait3A_1077] : memref<1000000x64xf32, #tpu.memory_space<hbm>> -> memref<50x64xf32, #tpu.memory_space<hbm>>
    %dma_wait3A_1079 = tpu.memref_slice %arg8[%dma_wait3A_1071] : memref<8x!tpu.dma_semaphore, #tpu.memory_space<semaphore_mem>> -> memref<1x!tpu.dma_semaphore, #tpu.memory_space<semaphore_mem>>
    %dma_wait3A_1080 = tpu.memref_squeeze %dma_wait3A_1079 : memref<1x!tpu.dma_semaphore, #tpu.memory_space<semaphore_mem>> -> memref<!tpu.dma_semaphore, #tpu.memory_space<semaphore_mem>>
    %dma_wait3A_1081 = arith.constant 0 : i32
    %dma_wait3A_1082 = arith.constant 0 : i32
    %dma_wait3A_1083 = tpu.memref_slice %arg6[%dma_wait3A_1070, %dma_wait3A_1081, %dma_wait3A_1082] : memref<8x50x64xf32, #tpu.memory_space<vmem>> -> memref<1x50x64xf32, #tpu.memory_space<vmem>>
    %dma_wait3A_1084 = tpu.memref_squeeze %dma_wait3A_1083 : memref<1x50x64xf32, #tpu.memory_space<vmem>> -> memref<50x64xf32, #tpu.memory_space<vmem>>
    %dma_wait3A_1085 = arith.constant 0 : i32
    %dma_wait3A_1086 = arith.constant 0 : i32
    %dma_wait3A_1087 = tpu.memref_slice %arg2[%dma_wait3A_1085, %dma_wait3A_1086] : memref<1000000x64xf32, #tpu.memory_space<hbm>> -> memref<50x64xf32, #tpu.memory_space<hbm>>
    tpu.wait_dma2 semaphore(%dma_wait3A_1080 : memref<!tpu.dma_semaphore, #tpu.memory_space<semaphore_mem>>) src(%dma_wait3A_1087 : memref<50x64xf32, #tpu.memory_space<hbm>>) dst(%dma_wait3A_1084 : memref<50x64xf32, #tpu.memory_space<vmem>>)
    %dma_wait3A_1088 = arith.constant 5 : i32
    %dma_wait3A_1089 = arith.constant 5 : i32
    %dma_wait3A_1090 = arith.constant 0 : i32
    %dma_wait3A_1091 = arith.constant 0 : i32
    %dma_wait3A_1092 = tpu.memref_slice %arg6[%dma_wait3A_1088, %dma_wait3A_1090, %dma_wait3A_1091] : memref<8x50x64xf32, #tpu.memory_space<vmem>> -> memref<1x50x64xf32, #tpu.memory_space<vmem>>
    %dma_wait3A_1093 = tpu.memref_squeeze %dma_wait3A_1092 : memref<1x50x64xf32, #tpu.memory_space<vmem>> -> memref<50x64xf32, #tpu.memory_space<vmem>>
    %dma_wait3A_1094 = arith.constant 0 : i32
    %dma_wait3A_1095 = arith.constant 0 : i32
    %dma_wait3A_1096 = tpu.memref_slice %arg2[%dma_wait3A_1094, %dma_wait3A_1095] : memref<1000000x64xf32, #tpu.memory_space<hbm>> -> memref<50x64xf32, #tpu.memory_space<hbm>>
    %dma_wait3A_1097 = tpu.memref_slice %arg8[%dma_wait3A_1089] : memref<8x!tpu.dma_semaphore, #tpu.memory_space<semaphore_mem>> -> memref<1x!tpu.dma_semaphore, #tpu.memory_space<semaphore_mem>>
    %dma_wait3A_1098 = tpu.memref_squeeze %dma_wait3A_1097 : memref<1x!tpu.dma_semaphore, #tpu.memory_space<semaphore_mem>> -> memref<!tpu.dma_semaphore, #tpu.memory_space<semaphore_mem>>
    %dma_wait3A_1099 = arith.constant 0 : i32
    %dma_wait3A_1100 = arith.constant 0 : i32
    %dma_wait3A_1101 = tpu.memref_slice %arg6[%dma_wait3A_1088, %dma_wait3A_1099, %dma_wait3A_1100] : memref<8x50x64xf32, #tpu.memory_space<vmem>> -> memref<1x50x64xf32, #tpu.memory_space<vmem>>
    %dma_wait3A_1102 = tpu.memref_squeeze %dma_wait3A_1101 : memref<1x50x64xf32, #tpu.memory_space<vmem>> -> memref<50x64xf32, #tpu.memory_space<vmem>>
    %dma_wait3A_1103 = arith.constant 0 : i32
    %dma_wait3A_1104 = arith.constant 0 : i32
    %dma_wait3A_1105 = tpu.memref_slice %arg2[%dma_wait3A_1103, %dma_wait3A_1104] : memref<1000000x64xf32, #tpu.memory_space<hbm>> -> memref<50x64xf32, #tpu.memory_space<hbm>>
    tpu.wait_dma2 semaphore(%dma_wait3A_1098 : memref<!tpu.dma_semaphore, #tpu.memory_space<semaphore_mem>>) src(%dma_wait3A_1105 : memref<50x64xf32, #tpu.memory_space<hbm>>) dst(%dma_wait3A_1102 : memref<50x64xf32, #tpu.memory_space<vmem>>)
    %dma_wait3A_1106 = arith.constant 6 : i32
    %dma_wait3A_1107 = arith.constant 6 : i32
    %dma_wait3A_1108 = arith.constant 0 : i32
    %dma_wait3A_1109 = arith.constant 0 : i32
    %dma_wait3A_1110 = tpu.memref_slice %arg6[%dma_wait3A_1106, %dma_wait3A_1108, %dma_wait3A_1109] : memref<8x50x64xf32, #tpu.memory_space<vmem>> -> memref<1x50x64xf32, #tpu.memory_space<vmem>>
    %dma_wait3A_1111 = tpu.memref_squeeze %dma_wait3A_1110 : memref<1x50x64xf32, #tpu.memory_space<vmem>> -> memref<50x64xf32, #tpu.memory_space<vmem>>
    %dma_wait3A_1112 = arith.constant 0 : i32
    %dma_wait3A_1113 = arith.constant 0 : i32
    %dma_wait3A_1114 = tpu.memref_slice %arg2[%dma_wait3A_1112, %dma_wait3A_1113] : memref<1000000x64xf32, #tpu.memory_space<hbm>> -> memref<50x64xf32, #tpu.memory_space<hbm>>
    %dma_wait3A_1115 = tpu.memref_slice %arg8[%dma_wait3A_1107] : memref<8x!tpu.dma_semaphore, #tpu.memory_space<semaphore_mem>> -> memref<1x!tpu.dma_semaphore, #tpu.memory_space<semaphore_mem>>
    %dma_wait3A_1116 = tpu.memref_squeeze %dma_wait3A_1115 : memref<1x!tpu.dma_semaphore, #tpu.memory_space<semaphore_mem>> -> memref<!tpu.dma_semaphore, #tpu.memory_space<semaphore_mem>>
    %dma_wait3A_1117 = arith.constant 0 : i32
    %dma_wait3A_1118 = arith.constant 0 : i32
    %dma_wait3A_1119 = tpu.memref_slice %arg6[%dma_wait3A_1106, %dma_wait3A_1117, %dma_wait3A_1118] : memref<8x50x64xf32, #tpu.memory_space<vmem>> -> memref<1x50x64xf32, #tpu.memory_space<vmem>>
    %dma_wait3A_1120 = tpu.memref_squeeze %dma_wait3A_1119 : memref<1x50x64xf32, #tpu.memory_space<vmem>> -> memref<50x64xf32, #tpu.memory_space<vmem>>
    %dma_wait3A_1121 = arith.constant 0 : i32
    %dma_wait3A_1122 = arith.constant 0 : i32
    %dma_wait3A_1123 = tpu.memref_slice %arg2[%dma_wait3A_1121, %dma_wait3A_1122] : memref<1000000x64xf32, #tpu.memory_space<hbm>> -> memref<50x64xf32, #tpu.memory_space<hbm>>
    tpu.wait_dma2 semaphore(%dma_wait3A_1116 : memref<!tpu.dma_semaphore, #tpu.memory_space<semaphore_mem>>) src(%dma_wait3A_1123 : memref<50x64xf32, #tpu.memory_space<hbm>>) dst(%dma_wait3A_1120 : memref<50x64xf32, #tpu.memory_space<vmem>>)
    %dma_wait3A_1124 = arith.constant 7 : i32
    %dma_wait3A_1125 = arith.constant 7 : i32
    %dma_wait3A_1126 = arith.constant 0 : i32
    %dma_wait3A_1127 = arith.constant 0 : i32
    %dma_wait3A_1128 = tpu.memref_slice %arg6[%dma_wait3A_1124, %dma_wait3A_1126, %dma_wait3A_1127] : memref<8x50x64xf32, #tpu.memory_space<vmem>> -> memref<1x50x64xf32, #tpu.memory_space<vmem>>
    %dma_wait3A_1129 = tpu.memref_squeeze %dma_wait3A_1128 : memref<1x50x64xf32, #tpu.memory_space<vmem>> -> memref<50x64xf32, #tpu.memory_space<vmem>>
    %dma_wait3A_1130 = arith.constant 0 : i32
    %dma_wait3A_1131 = arith.constant 0 : i32
    %dma_wait3A_1132 = tpu.memref_slice %arg2[%dma_wait3A_1130, %dma_wait3A_1131] : memref<1000000x64xf32, #tpu.memory_space<hbm>> -> memref<50x64xf32, #tpu.memory_space<hbm>>
    %dma_wait3A_1133 = tpu.memref_slice %arg8[%dma_wait3A_1125] : memref<8x!tpu.dma_semaphore, #tpu.memory_space<semaphore_mem>> -> memref<1x!tpu.dma_semaphore, #tpu.memory_space<semaphore_mem>>
    %dma_wait3A_1134 = tpu.memref_squeeze %dma_wait3A_1133 : memref<1x!tpu.dma_semaphore, #tpu.memory_space<semaphore_mem>> -> memref<!tpu.dma_semaphore, #tpu.memory_space<semaphore_mem>>
    %dma_wait3A_1135 = arith.constant 0 : i32
    %dma_wait3A_1136 = arith.constant 0 : i32
    %dma_wait3A_1137 = tpu.memref_slice %arg6[%dma_wait3A_1124, %dma_wait3A_1135, %dma_wait3A_1136] : memref<8x50x64xf32, #tpu.memory_space<vmem>> -> memref<1x50x64xf32, #tpu.memory_space<vmem>>
    %dma_wait3A_1138 = tpu.memref_squeeze %dma_wait3A_1137 : memref<1x50x64xf32, #tpu.memory_space<vmem>> -> memref<50x64xf32, #tpu.memory_space<vmem>>
    %dma_wait3A_1139 = arith.constant 0 : i32
    %dma_wait3A_1140 = arith.constant 0 : i32
    %dma_wait3A_1141 = tpu.memref_slice %arg2[%dma_wait3A_1139, %dma_wait3A_1140] : memref<1000000x64xf32, #tpu.memory_space<hbm>> -> memref<50x64xf32, #tpu.memory_space<hbm>>
    tpu.wait_dma2 semaphore(%dma_wait3A_1134 : memref<!tpu.dma_semaphore, #tpu.memory_space<semaphore_mem>>) src(%dma_wait3A_1141 : memref<50x64xf32, #tpu.memory_space<hbm>>) dst(%dma_wait3A_1138 : memref<50x64xf32, #tpu.memory_space<vmem>>)
    return
  }
}

module attributes {stable_mosaic.version = 14 : i64} {
  func.func @_transpose_body(%arg0: i32, %arg1: memref<64x8192xf32, #tpu.memory_space<vmem>>, %arg2: memref<4096x128xf32, #tpu.memory_space<vmem>>) attributes {dimension_semantics = [#tpu.dimension_semantics<arbitrary>], iteration_bounds = array<i64: 123>, scalar_prefetch = 0 : i64, scratch_operands = 0 : i64, tpu.core_type = #tpu.core_type<tc>, window_params = [{transform_indices = @transform_0, window_bounds = array<i64: 64, 8192>}, {transform_indices = @transform_1, window_bounds = array<i64: 4096, 128>}]} {
    %get3A = arith.constant 0 : index
    %get3A_0 = arith.constant 0 : index
    %get3A_1 = vector.load %arg1[%get3A, %get3A_0] : memref<64x8192xf32, #tpu.memory_space<vmem>>, vector<64x8192xf32>
    %transpose3A = tpu.transpose %get3A_1, [1, 0] : vector<64x8192xf32> -> vector<8192x64xf32>
    %reshape3A = vector.shape_cast %transpose3A : vector<8192x64xf32> to vector<4096x2x64xf32>
    %slice3A = vector.extract_strided_slice %reshape3A {offsets = [0, 0, 0], sizes = [4096, 1, 64], strides = [1, 1, 1]} : vector<4096x2x64xf32> to vector<4096x1x64xf32>
    %squeeze3A = vector.shape_cast %slice3A : vector<4096x1x64xf32> to vector<4096x64xf32>
    %slice3A_2 = vector.extract_strided_slice %reshape3A {offsets = [0, 1, 0], sizes = [4096, 1, 64], strides = [1, 1, 1]} : vector<4096x2x64xf32> to vector<4096x1x64xf32>
    %squeeze3A_3 = vector.shape_cast %slice3A_2 : vector<4096x1x64xf32> to vector<4096x64xf32>
    %concatenate3A = tpu.concatenate %squeeze3A, %squeeze3A_3 in 1 : vector<4096x64xf32>, vector<4096x64xf32> -> vector<4096x128xf32>
    %swap3A = arith.constant 0 : index
    %swap3A_4 = arith.constant 0 : index
    %swap3A_5 = vector.load %arg2[%swap3A, %swap3A_4] : memref<4096x128xf32, #tpu.memory_space<vmem>>, vector<4096x128xf32>
    tpu.vector_store %arg2[%swap3A, %swap3A_4], %concatenate3A {strides = array<i32>} : memref<4096x128xf32, #tpu.memory_space<vmem>>, vector<4096x128xf32>,
    return
  }
  func.func @transform_0(%arg0: i32) -> (i32, i32) {
    %c0_i32 = arith.constant 0 : i32
    %c0_i32_0 = arith.constant 0 : i32
    return %c0_i32, %arg0 : i32, i32
  }
  func.func @transform_1(%arg0: i32) -> (i32, i32) {
    %c0_i32 = arith.constant 0 : i32
    %c0_i32_0 = arith.constant 0 : i32
    return %arg0, %c0_i32 : i32, i32
  }
}

</mosaic_0001>

<sc_bundles>
// kernel: kernel.4.cloned.1.call-start
scs
__scs_entry_jumppad:
0x0: {  	(pc) =	sbr.rel $0x88, $3  }
0x1: {  	(tag) =	ssettag $0x0;
	lr =	simm.s32 $0x1  }
0x2: {  	[smem:$0x3F9F] =	sst lr;
	_ =	strace $0xD0000000  }
0x3: {  	_ = 	snop  }
0x4: {  	_ = 	snop  }
0x5: {  	_ = 	snop  }
0x6: {  	_ = 	snop  }
0x7: {  	_ = 	snop  }
__scs_overlays_trampoline_lowered:
0x8: {  	[smem:$0x3FAE] =	sst s0  }
0x9: {  	[smem:$0x3FAF] =	sst s1  }
0xa: {  	[smem:$0x3FB0] =	sst s2  }
0xb: {  	[smem:$0x3FB1] =	sst s3  }
0xc: {  	[smem:$0x3FB2] =	sst s4  }
0xd: {  	[smem:$0x3FB3] =	sst s5  }
0xe: {  	[smem:$0x3FB4] =	sst s6  }
0xf: {  	[smem:$0x3FB5] =	sst s7  }
0x10: {  	[smem:$0x3FB6] =	sst s8  }
0x11: {  	[smem:$0x3FB7] =	sst s9;
	s0 =	simm.s32 @!p0 $0x0  }
0x12: {  	s1 =	sld [smem:$0x3F9D];
	s0 =	simm.s32 @p0 $0x1  }
0x13: {  	[smem:$0x3FB8] =	sst s0;
	s0 =	simm.s32 @!p1 $0x0  }
0x14: {  	s2 =	sld [smem:$0x3F9C];
	s0 =	simm.s32 @p1 $0x1  }
0x15: {  	[smem:$0x3FB9] =	sst s0;
	s0 =	simm.s32 @!p2 $0x0  }
0x16: {  	s3 =	sld [smem:$0x3FDB];
	s0 =	simm.s32 @p2 $0x1  }
0x17: {  	s4 =	simm.s32 $0x1BF5;
	[smem:$0x3FBB] =	sst s0  }
0x18: {  	s0 =	sld [smem:$0x3F9E];
	_ =	swait.ge [sflag:s4], $0x0  }
0x19: {  	s7 =	sld [smem:$0x3F9F]  }
0x1a: {  	s8 =	sadd.s32 $0xFFFFE003, lr  }
0x1b: {  	s9 =	sadd.s32 $0xFFFFFEF7, lr;
	s5 =	simm.s32 $0xFFFFFFFF;
	p2 =	slt.u32 s8, $0xFFFFF086  }
0x1c: {  	p1 =	slt.u32 s9, $0xF7A;
	s5 =	simm.s32 @!p2 $0x0  }
0x1d: {  	s5 =	simm.s32 @p1 $0x1;
	p0 =	seq.s32 s7, s2  }
0x1e: {  	s7 =	smul.u32 @!p0 $0xF7A, s2;
	p2 =	seq.s32 @!p0 s5, $0x0  }
0x1f: {  	s9 =	smul.u32 $0xF7A, s1;
	s8 =	simm.s32 @!p0 $0x1BF5;
	p2 =	por !p2, p0  }
0x20: {  	[sflag:s8] =	ssyncset.s32 @!p0 $0xFFFFF086;
	s6 =	sadd.s32 @!p0 s3, s7;
	s7 =	simm.s32 @!p0 $0x108  }
0x21: {  	s3 =	sadd.s32 s3, s9;
	s6 =	sadd.s32 @!p0 $0x88, s6;
	s7 =	simm.s32 @p2 $0x1082  }
0x22: {  	[simem:s7], [sflag:s8] =	dma.local @!p0 [hbm:s6], $0xF7A  }
0x23: {  	s9 =	sor.u32 $0xD0000000, s2;
	s6 =	simm.s32 $0x108;
	_ =	swait.ge @!p0 [sflag:s8], $0x0  }
0x24: {  	s3 =	sadd.s32 $0x88, s3;
	s6 =	simm.s32 @!p1 $0x1082;
	[sflag:s4] =	ssyncset.s32 $0xFFFFF086  }
0x25: {  	[simem:s6], [sflag:s4] =	dma.local [hbm:s3], $0xF7A  }
0x26: {  	[smem:$0x3F9F] =	sst s1;
	(tag) =	ssettag s2;
	_ =	strace s9  }
0x27: {  	s1 =	sld [smem:$0x3FAF]  }
0x28: {  	s2 =	sld [smem:$0x3FB0]  }
0x29: {  	s4 =	sld [smem:$0x3FB2]  }
0x2a: {  	p0 =	seq.s32 s5, $0x0;
	s5 =	sld [smem:$0x3FB3]  }
0x2b: {  	s6 =	sld [smem:$0x3FB4]  }
0x2c: {  	s7 =	sld [smem:$0x3FB5]  }
0x2d: {  	s3 =	simm.s32 $0x108;
	s8 =	sld [smem:$0x3FB6]  }
0x2e: {  	s3 =	simm.s32 @!p0 $0x1082;
	s9 =	sld [smem:$0x3FB7]  }
0x2f: {  	lr =	sadd.s32 s0, s3;
	s0 =	sld [smem:$0x3FAE]  }
0x30: {  	s3 =	sld [smem:$0x3FB1]  }
0x31: {  	[smem:$0x3FBA] =	sst s10  }
0x32: {  	s10 =	sld [smem:$0x3FB8];
	_ =	sdelay $0x3  }
0x33: {  	p0 =	seq.s32 s10, $0x1;
	s10 =	sld [smem:$0x3FBA];
	_ =	sdelay $0x3  }
0x34: {  	[smem:$0x3FBA] =	sst s10  }
0x35: {  	s10 =	sld [smem:$0x3FB9];
	_ =	sdelay $0x3  }
0x36: {  	p1 =	seq.s32 s10, $0x1;
	s10 =	sld [smem:$0x3FBA];
	_ =	sdelay $0x3  }
0x37: {  	[smem:$0x3FBA] =	sst s10  }
0x38: {  	s10 =	sld [smem:$0x3FBB]  }
0x39: {  	_ = 	snop;
	(pc) =	sbr.ind lr, $3  }
0x3a: {  	_ = 	snop  }
0x3b: {  	_ = 	snop  }
0x3c: {  	p2 =	seq.s32 s10, $0x1;
	s10 =	sld [smem:$0x3FBA]  }
0x3d: {  	_ =	shalt  }
0x3e: {  	_ =	shalt  }
0x3f: {  	_ =	shalt  }
0x40: {  	_ =	shalt  }
0x41: {  	_ =	shalt  }
0x42: {  	_ =	shalt  }
0x43: {  	_ =	shalt  }
0x44: {  	_ =	shalt  }
0x45: {  	_ =	shalt  }
0x46: {  	_ =	shalt  }
0x47: {  	_ =	shalt  }
0x48: {  	_ =	shalt  }
0x49: {  	_ =	shalt  }
0x4a: {  	_ =	shalt  }
0x4b: {  	_ =	shalt  }
0x4c: {  	_ =	shalt  }
0x4d: {  	_ =	shalt  }
0x4e: {  	_ =	shalt  }
0x4f: {  	_ =	shalt  }
0x50: {  	_ =	shalt  }
0x51: {  	_ =	shalt  }
0x52: {  	_ =	shalt  }
0x53: {  	_ =	shalt  }
0x54: {  	_ =	shalt  }
0x55: {  	_ =	shalt  }
0x56: {  	_ =	shalt  }
0x57: {  	_ =	shalt  }
0x58: {  	_ =	shalt  }
0x59: {  	_ =	shalt  }
0x5a: {  	_ =	shalt  }
0x5b: {  	_ =	shalt  }
0x5c: {  	_ =	shalt  }
0x5d: {  	_ =	shalt  }
0x5e: {  	_ =	shalt  }
0x5f: {  	_ =	shalt  }
0x60: {  	_ =	shalt  }
0x61: {  	_ =	shalt  }
0x62: {  	_ =	shalt  }
0x63: {  	_ =	shalt  }
0x64: {  	_ =	shalt  }
0x65: {  	_ =	shalt  }
0x66: {  	_ =	shalt  }
0x67: {  	_ =	shalt  }
0x68: {  	_ =	shalt  }
0x69: {  	_ =	shalt  }
0x6a: {  	_ =	shalt  }
0x6b: {  	_ =	shalt  }
0x6c: {  	_ =	shalt  }
0x6d: {  	_ =	shalt  }
0x6e: {  	_ =	shalt  }
0x6f: {  	_ =	shalt  }
0x70: {  	_ =	shalt  }
0x71: {  	_ =	shalt  }
0x72: {  	_ =	shalt  }
0x73: {  	_ =	shalt  }
0x74: {  	_ =	shalt  }
0x75: {  	_ =	shalt  }
0x76: {  	_ =	shalt  }
0x77: {  	_ =	shalt  }
0x78: {  	_ =	shalt  }
0x79: {  	_ =	shalt  }
0x7a: {  	_ =	shalt  }
0x7b: {  	_ =	shalt  }
0x7c: {  	_ =	shalt  }
0x7d: {  	_ =	shalt  }
0x7e: {  	_ =	shalt  }
0x7f: {  	_ =	shalt  }
0x80: {  	_ =	shalt  }
0x81: {  	_ =	shalt  }
0x82: {  	_ =	shalt  }
0x83: {  	_ =	shalt  }
0x84: {  	_ =	shalt  }
0x85: {  	_ =	shalt  }
0x86: {  	_ =	shalt  }
0x87: {  	_ =	shalt  }
.Lfunc_end0:
.L_simem_size_0:
called_computation.1_lowered:
.L_overlay_start_0:
0x88: {  	s2 =	sld [smem:$0x3FD9]  }
0x89: {  	s3 =	sld [smem:$0x3FFE];
	_ =	sdelay $0x1  }
0x8a: {  	s1 =	srdreg.scid  }
0x8b: {  	s0 =	sand.u32 $0x1, s1  }
0x8c: {  	s17 =	sshll.u32 s0, $0xA;
	s2 =	sadd.s32 s3, s2  }
0x8d: {  	s2 =	sadd.s32 s2, s17  }
0x8e: {  	[smem:$0x3FC6] =	sst s2  }
0x8f: {  	_ = 	snop  }
0x90: {  	s2 =	sld [smem:$0x3FD0];
	(tm) =	ssettm $0x1  }
0x91: {  	s18 =	sld [smem:$0x3FFB];
	_ =	sdelay $0x3  }
0x92: {  	_ =	strace s18  }
0x93: {  	s3 =	sld [smem:$0x3FFC];
	_ =	sdelay $0x3  }
0x94: {  	_ =	strace s3  }
0x95: {  	s3 =	sld [smem:$0x3FFD];
	_ =	sdelay $0x3  }
0x96: {  	_ =	strace s3  }
0x97: {  	_ =	strace $0x8FFFFFFF  }
0x98: {  	s19 =	sld [smem:$0x3FDB];
	_ =	sdelay $0x1  }
0x99: {  	s4 =	simm.s32 $_scs_section_size  }
0x9a: {  	s5 =	simm.s32 $_size__tile_overlayer_lowered;
	s6 =	simm.s32 $_tile_overlayer_lowered  }
0x9b: {  	s22 =	simm.s32 $0x1BFF;
	s21 =	sshll.u32 s6, $0x1;
	s3 =	sadd.s32 s4, s19  }
0x9c: {  	s7 =	simm.s32 $0x0;
	s20 =	sshll.u32 s5, $0x1;
	s5 =	sadd.s32 s21, s3  }
0x9d: {  	[timem:s7], [sflag:s22] =	dma.local [hbm:s5], s20  }
0x9e: {  	_ =	swait.ge [sflag:s22], s20  }
0x9f: {  	s4 =	ssub.s32 $0x0, s20;
	[sflag:s22] =	ssyncset.done $0x0  }
0xa0: {  	[sflag:s22] =	ssyncadd.s32 s4;
	_ =	sdelay $0x1  }
0xa1: {  	s23 =	simm.s32 $0x1B8B  }
0xa2: {  	_ =	swait.ge [sflag:s23], $0x1  }
0xa3: {  	[sflag:s23] =	ssyncset.done $0x0  }
0xa4: {  	s25 =	simm.s32 $0x1B8E;
	s24 =	sld [smem:$0x3FFE];
	[sflag:s23] =	ssyncadd.s32 $0xFFFFFFFF  }
0xa5: {  	s26 =	simm.s32 $execute0_lowered;
	[smem:$0x3FD2] =	sst s25  }
0xa6: {  	s5 =	sshll.u32 s26, $0x1;
	_ =	strace $0x80000046;
	[dreg:$0x1] =	wrdreg $0xFFFFFFFF  }
0xa7: {  	s28 =	simm.s32 $_size_execute0_lowered;
	s3 =	sadd.s32 s3, s5;
	[dreg:$0x0] =	wrdreg $0x0  }
0xa8: {  	s5 =	sshll.u32 s28, $0x1;
	[dreg:$0x2] =	wrdreg s3  }
0xa9: {  	[dreg:$0x3] =	wrdreg s5  }
0xaa: {  	[dreg:$0x4] =	wrdreg $0xC0  }
0xab: {  	_ =	task [dreg:s7], $0x5FFFF  }
0xac: {  	[dreg:$0x1] =	wrdreg $0xFFFFFFFF  }
0xad: {  	[dreg:$0x0] =	wrdreg $0x60  }
0xae: {  	[dreg:$0x2] =	wrdreg s24  }
0xaf: {  	[dreg:$0x3] =	wrdreg s2  }
0xb0: {  	[dreg:$0x4] =	wrdreg $0x9  }
0xb1: {  	_ =	task.clear_ibuf [dreg:s7], $0x5FFFF;
	_ =	strace $0x90000046  }
0xb2: {  	s29 =	simm.s32 $0x9;
	_ =	strace $0x80000048  }
0xb3: {  	_ =	swait.ge [sflag:s29], $0x1  }
0xb4: {  	[sflag:s29] =	ssyncadd.s32 $0xFFFFFFFF  }
0xb5: {  	_ =	strace $0x90000048  }
0xb6: {  	_ =	sfence  }
0xb7: {  	s30 =	sld [smem:$0x0];
	_ =	sdelay $0x2  }
0xb8: {  	s31 =	sshll.u32 s1, $0xD;
	s1 =	sshrl.u32 s1, $0x2  }
0xb9: {  	s3 =	sand.u32 $0x4000, s31;
	s1 =	sadd.s32 s1, s30  }
0xba: {  	s0 =	sor.u32 s3, s0;
	s1 =	sshll.u32 s1, $0x11  }
0xbb: {  	s0 =	sor.u32 s1, s0  }
0xbc: {  	s0 =	sadd.s32 $0x8F2B, s0  }
0xbd: {  	[sflag:s0] =	ssyncadd.remote.s32 $0x1  }
0xbe: {  	_ =	sfence.sel $0xFFFF  }
0xbf: {  	[dreg:$0x0] =	wrdreg $0xFFFFFFFF;
	(pc) =	sbr.abs _section_cstart, $3  }
0xc0: {  	[dreg:$0x1] =	wrdreg $0xFFFFFFFF  }
0xc1: {  	_ =	task.clear_ibuf [dreg:s7], $0x2FFFF;
	_ =	strace $0x9FFFFFFF  }
0xc2: {  	(tm) =	ssettm $0x7FFFFFFF  }
0xc3: {  	_ =	shalt  }
tec
execute0_lowered:
.L_overlay_start_1:
0x0: {  	(tag) =	ssettag $0x1  }
0x1: {  	s0 =	rddreg [dreg:$0x0]  }
0x2: {  	s1 =	rddreg [dreg:$0x1];
	s2 =	srdreg.scid  }
0x3: {  	s9 =	stileid.u32;
	s4 =	simm.s32 $0x0;
	s2 =	sand.u32 $0x1, s2  }
0x4: {  	s3 =	sshll.u32 s9, $0x1;
	[smem:$0x7FF] =	sst s4;
	s24 =	smul.u32 $0xE0000, s9  }
0x5: {  	s11 =	sor.u32 s2, s3;
	s6 =	ssub.s32 $0x2, s2;
	s2 =	smul.u32 $0x70000, s2  }
0x6: {  	s29 =	simm.s32 $0x80;
	_ =	strace $0x80000047;
	s7 =	smul.u32 $0xE00, s11  }
0x7: {  	s3 =	sadd.s32 $0x800, s0;
	s0 =	sadd.s32 $0x7A1A00, s0;
	s5 =	smul.u32 $0x70000, s11  }
0x8: {  	s8 =	sshrl.u32 s6, $0x1;
	s4 =	smul.u32 $0x380000, s11;
	s1 =	sadd.s32 s1, s7  }
0x9: {  	s12 =	ssub.s32 s6, s8;
	s10 =	sadd.s32 s0, s5;
	[dreg:$0x4] =	wrdreg s1  }
0xa: {  	s11 =	simm.s32 $0x9;
	s31 =	smax.u32 s12, $0x1;
	[dreg:$0x3] =	wrdreg s10  }
0xb: {  	s6 =	simm.s32 $0x3;
	s13 =	sadd.s32 $0x380, s10;
	[dreg:$0x14] =	wrdreg s31  }
0xc: {  	s8 =	simm.s32 $0x4;
	s14 =	sadd.s32 $0x700, s10;
	[dreg:$0x5] =	wrdreg s13  }
0xd: {  	s16 =	sshrl.u32 s4, $0x3;
	s15 =	sadd.s32 $0xA80, s10;
	[dreg:$0x6] =	wrdreg s14  }
0xe: {  	s12 =	simm.s32 $0x6;
	s17 =	sadd.s32 $0xE00, s10;
	[dreg:$0x7] =	wrdreg s15  }
0xf: {  	s18 =	sadd.s32 $0x1180, s10;
	s1 =	sadd.s32 s0, s16;
	[dreg:$0x8] =	wrdreg s17  }
0x10: {  	s19 =	sadd.s32 $0x1500, s10;
	s20 =	sadd.s32 $0x1880, s10;
	[dreg:$0x9] =	wrdreg s18  }
0x11: {  	s0 =	sadd.s32 s24, s0;
	s24 =	simm.s32 $0x32;
	[dreg:$0xa] =	wrdreg s19  }
0x12: {  	s10 =	simm.s32 $0x5;
	s16 =	simm.s32 $0x8;
	[dreg:$0xb] =	wrdreg s20  }
0x13: {  	s21 =	sadd.s32 $0x6E400, s1;
	s22 =	sadd.s32 $0x6E780, s1;
	s23 =	sadd.s32 $0x6EB00, s1  }
0x14: {  	s25 =	sadd.s32 $0x6EE80, s1;
	s26 =	sadd.s32 $0x6F200, s1;
	[dreg:$0xc] =	wrdreg s21  }
0x15: {  	s28 =	sadd.s32 $0x6F580, s1;
	s30 =	sadd.s32 $0x6F900, s1;
	[dreg:$0xd] =	wrdreg s22  }
0x16: {  	s1 =	sadd.s32 $0x6FC80, s1;
	s0 =	sadd.s32 s2, s0;
	[dreg:$0xe] =	wrdreg s23  }
0x17: {  	s2 =	simm.s32 $0x2;
	s13 =	simm.s32 $0xA;
	[dreg:$0xf] =	wrdreg s25  }
0x18: {  	s14 =	simm.s32 $0x7;
	s15 =	simm.s32 $0xB;
	[dreg:$0x10] =	wrdreg s26  }
0x19: {  	s17 =	simm.s32 $0xC;
	s18 =	simm.s32 $0xD;
	[dreg:$0x11] =	wrdreg s28  }
0x1a: {  	s19 =	simm.s32 $0xE;
	s20 =	simm.s32 $0xF;
	[dreg:$0x12] =	wrdreg s30  }
0x1b: {  	[dreg:$0x13] =	wrdreg s1;
	s0 =	sadd.s32 $0x1C00, s0;
	s26 =	simm.s32 $0x40  }
0x1c: {  	s21 =	simm.s32 $0x10;
	[dreg:$0x15] =	wrdreg s0;
	s0 =	simm.s32 $0x0  }
.LBB2_1:
0x1d: {  	[dreg:$0x16] =	wrdreg s0  }
0x1e: {  	s4 =	simm.s32 $0x0;
	s22 =	rddreg [dreg:$0x4];
	s31 =	simm.s32 $0x11  }
0x1f: {  	[tilespmem:s4], [sflag:$0x11] =	stream.linear.gather [hbm4b:s22+s4], $0x7000, $0x38;
	[tilespmem:$0xD400] =	vst v63  }
0x20: {  	_ =	swait.ge [sflag:s31], $0x7000  }
0x21: {  	[sflag:s31] =	ssyncset.done $0x0  }
0x22: {  	s22 =	simm.s32 $0x7000;
	[sflag:s31] =	ssyncadd.s32 $0xFFFF9000  }
0x23: {  	[tilespmem:s22], [sflag:$0x1] =	stream.indirect.gather [hbm4b:s3+s24], $0x40, s4, s24, $0xb8;
	[tilespmem:$0xD400] =	vst v63  }
0x24: {  	s0 =	simm.s32 $0x38;
	s23 =	simm.s32 $0x7C80  }
0x25: {  	[tilespmem:s23], [sflag:$0x2] =	stream.indirect.gather [hbm4b:s3+s24], $0x40, s0, s24, $0xb8;
	[tilespmem:$0xD400] =	vst v63  }
0x26: {  	s1 =	simm.s32 $0x70;
	s28 =	simm.s32 $0x8900  }
0x27: {  	[tilespmem:s28], [sflag:$0x3] =	stream.indirect.gather [hbm4b:s3+s24], $0x40, s1, s24, $0xb8;
	[tilespmem:$0xD400] =	vst v63  }
0x28: {  	s30 =	simm.s32 $0x9580;
	s4 =	simm.s32 $0xA8;
	s1 =	simm.s32 $0x1  }
0x29: {  	[tilespmem:s30], [sflag:$0x4] =	stream.indirect.gather [hbm4b:s3+s24], $0x40, s4, s24, $0xb8;
	[tilespmem:$0xD400] =	vst v63  }
0x2a: {  	_ =	swait.ge [sflag:s1], $0xC80  }
0x2b: {  	[sflag:s1] =	ssyncset.done $0x0  }
0x2c: {  	s5 =	rddreg [dreg:$0x3];
	[sflag:s1] =	ssyncadd.s32 $0xFFFFF380  }
0x2d: {  	[hbm4b:s5+s26] =	stream.strided.scatter [tilespmem:s22], [sflag:$0x9], $0xC80, s29, s26, $0x38;
	[tilespmem:$0xD400] =	vst v63  }
0x2e: {  	s7 =	simm.s32 $0xE0;
	s31 =	simm.s32 $0xA200  }
0x2f: {  	[tilespmem:s31], [sflag:$0x5] =	stream.indirect.gather [hbm4b:s3+s24], $0x40, s7, s24, $0xb8;
	[tilespmem:$0xD400] =	vst v63  }
0x30: {  	_ =	swait.ge [sflag:s2], $0xC80  }
0x31: {  	[sflag:s2] =	ssyncset.done $0x0  }
0x32: {  	s9 =	rddreg [dreg:$0x5];
	[sflag:s2] =	ssyncadd.s32 $0xFFFFF380  }
0x33: {  	[hbm4b:s9+s26] =	stream.strided.scatter [tilespmem:s23], [sflag:$0xA], $0xC80, s29, s26, $0x38;
	[tilespmem:$0xD400] =	vst v63  }
0x34: {  	s25 =	simm.s32 $0x118;
	s5 =	simm.s32 $0xAE80  }
0x35: {  	[tilespmem:s5], [sflag:$0x6] =	stream.indirect.gather [hbm4b:s3+s24], $0x40, s25, s24, $0xb8;
	[tilespmem:$0xD400] =	vst v63  }
0x36: {  	_ =	swait.ge [sflag:s6], $0xC80  }
0x37: {  	[sflag:s6] =	ssyncset.done $0x0  }
0x38: {  	s0 =	rddreg [dreg:$0x6];
	[sflag:s6] =	ssyncadd.s32 $0xFFFFF380  }
0x39: {  	[hbm4b:s0+s26] =	stream.strided.scatter [tilespmem:s28], [sflag:$0xB], $0xC80, s29, s26, $0x38;
	[tilespmem:$0xD400] =	vst v63  }
0x3a: {  	s4 =	simm.s32 $0x150;
	s7 =	simm.s32 $0xBB00  }
0x3b: {  	[tilespmem:s7], [sflag:$0x7] =	stream.indirect.gather [hbm4b:s3+s24], $0x40, s4, s24, $0xb8;
	[tilespmem:$0xD400] =	vst v63  }
0x3c: {  	_ =	swait.ge [sflag:s8], $0xC80  }
0x3d: {  	[sflag:s8] =	ssyncset.done $0x0  }
0x3e: {  	s9 =	rddreg [dreg:$0x7];
	[sflag:s8] =	ssyncadd.s32 $0xFFFFF380  }
0x3f: {  	[hbm4b:s9+s26] =	stream.strided.scatter [tilespmem:s30], [sflag:$0xC], $0xC80, s29, s26, $0x38;
	[tilespmem:$0xD400] =	vst v63  }
0x40: {  	s25 =	simm.s32 $0x188;
	s9 =	simm.s32 $0xC780  }
0x41: {  	[tilespmem:s9], [sflag:$0x8] =	stream.indirect.gather [hbm4b:s3+s24], $0x40, s25, s24, $0xb8;
	[tilespmem:$0xD400] =	vst v63  }
0x42: {  	_ =	swait.ge [sflag:s10], $0xC80  }
0x43: {  	[sflag:s10] =	ssyncset.done $0x0  }
0x44: {  	s0 =	rddreg [dreg:$0x8];
	[sflag:s10] =	ssyncadd.s32 $0xFFFFF380  }
0x45: {  	[hbm4b:s0+s26] =	stream.strided.scatter [tilespmem:s31], [sflag:$0xD], $0xC80, s29, s26, $0x38;
	[tilespmem:$0xD400] =	vst v63  }
0x46: {  	_ =	swait.ge [sflag:s11], $0xC80  }
0x47: {  	[sflag:s11] =	ssyncset.done $0x0  }
0x48: {  	s25 =	simm.s32 $0x1C0;
	[sflag:s11] =	ssyncadd.s32 $0xFFFFF380  }
0x49: {  	[tilespmem:s22], [sflag:$0x1] =	stream.indirect.gather [hbm4b:s3+s24], $0x40, s25, s24, $0xb8;
	[tilespmem:$0xD400] =	vst v63  }
0x4a: {  	_ =	swait.ge [sflag:s12], $0xC80  }
0x4b: {  	[sflag:s12] =	ssyncset.done $0x0  }
0x4c: {  	s0 =	rddreg [dreg:$0x9];
	[sflag:s12] =	ssyncadd.s32 $0xFFFFF380  }
0x4d: {  	[hbm4b:s0+s26] =	stream.strided.scatter [tilespmem:s5], [sflag:$0xE], $0xC80, s29, s26, $0x38;
	[tilespmem:$0xD400] =	vst v63  }
0x4e: {  	_ =	swait.ge [sflag:s13], $0xC80  }
0x4f: {  	[sflag:s13] =	ssyncset.done $0x0  }
0x50: {  	s25 =	simm.s32 $0x1F8;
	[sflag:s13] =	ssyncadd.s32 $0xFFFFF380  }
0x51: {  	[tilespmem:s23], [sflag:$0x2] =	stream.indirect.gather [hbm4b:s3+s24], $0x40, s25, s24, $0xb8;
	[tilespmem:$0xD400] =	vst v63  }
0x52: {  	_ =	swait.ge [sflag:s14], $0xC80  }
0x53: {  	[sflag:s14] =	ssyncset.done $0x0  }
0x54: {  	s0 =	rddreg [dreg:$0xa];
	[sflag:s14] =	ssyncadd.s32 $0xFFFFF380  }
0x55: {  	[hbm4b:s0+s26] =	stream.strided.scatter [tilespmem:s7], [sflag:$0xF], $0xC80, s29, s26, $0x38;
	[tilespmem:$0xD400] =	vst v63  }
0x56: {  	_ =	swait.ge [sflag:s15], $0xC80  }
0x57: {  	[sflag:s15] =	ssyncset.done $0x0  }
0x58: {  	s25 =	simm.s32 $0x230;
	[sflag:s15] =	ssyncadd.s32 $0xFFFFF380  }
0x59: {  	[tilespmem:s28], [sflag:$0x3] =	stream.indirect.gather [hbm4b:s3+s24], $0x40, s25, s24, $0xb8;
	[tilespmem:$0xD400] =	vst v63  }
0x5a: {  	_ =	swait.ge [sflag:s16], $0xC80  }
0x5b: {  	[sflag:s16] =	ssyncset.done $0x0  }
0x5c: {  	s0 =	rddreg [dreg:$0xb];
	[sflag:s16] =	ssyncadd.s32 $0xFFFFF380  }
0x5d: {  	[hbm4b:s0+s26] =	stream.strided.scatter [tilespmem:s9], [sflag:$0x10], $0xC80, s29, s26, $0x38;
	[tilespmem:$0xD400] =	vst v63  }
0x5e: {  	_ =	swait.ge [sflag:s17], $0xC80  }
0x5f: {  	[sflag:s17] =	ssyncset.done $0x0  }
0x60: {  	s25 =	simm.s32 $0x268;
	[sflag:s17] =	ssyncadd.s32 $0xFFFFF380  }
0x61: {  	[tilespmem:s30], [sflag:$0x4] =	stream.indirect.gather [hbm4b:s3+s24], $0x40, s25, s24, $0xb8;
	[tilespmem:$0xD400] =	vst v63  }
0x62: {  	_ =	swait.ge [sflag:s1], $0xC80  }
0x63: {  	[sflag:s1] =	ssyncset.done $0x0  }
0x64: {  	s25 =	rddreg [dreg:$0x15];
	[sflag:s1] =	ssyncadd.s32 $0xFFFFF380  }
0x65: {  	[hbm4b:s25+s26] =	stream.strided.scatter [tilespmem:s22], [sflag:$0x9], $0xC80, s29, s26, $0x38;
	[tilespmem:$0xD400] =	vst v63  }
0x66: {  	_ =	swait.ge [sflag:s18], $0xC80  }
0x67: {  	[sflag:s18] =	ssyncset.done $0x0  }
0x68: {  	s1 =	simm.s32 $0x2A0;
	[sflag:s18] =	ssyncadd.s32 $0xFFFFF380  }
0x69: {  	[tilespmem:s31], [sflag:$0x5] =	stream.indirect.gather [hbm4b:s3+s24], $0x40, s1, s24, $0xb8;
	[tilespmem:$0xD400] =	vst v63  }
0x6a: {  	_ =	swait.ge [sflag:s2], $0xC80  }
0x6b: {  	[sflag:s2] =	ssyncset.done $0x0  }
0x6c: {  	s0 =	sadd.s32 $0x380, s25;
	[sflag:s2] =	ssyncadd.s32 $0xFFFFF380  }
0x6d: {  	[hbm4b:s0+s26] =	stream.strided.scatter [tilespmem:s23], [sflag:$0xA], $0xC80, s29, s26, $0x38;
	[tilespmem:$0xD400] =	vst v63  }
0x6e: {  	_ =	swait.ge [sflag:s19], $0xC80  }
0x6f: {  	[sflag:s19] =	ssyncset.done $0x0  }
0x70: {  	s1 =	simm.s32 $0x2D8;
	[sflag:s19] =	ssyncadd.s32 $0xFFFFF380  }
0x71: {  	[tilespmem:s5], [sflag:$0x6] =	stream.indirect.gather [hbm4b:s3+s24], $0x40, s1, s24, $0xb8;
	[tilespmem:$0xD400] =	vst v63  }
0x72: {  	_ =	swait.ge [sflag:s6], $0xC80  }
0x73: {  	[sflag:s6] =	ssyncset.done $0x0  }
0x74: {  	s0 =	sadd.s32 $0x700, s25;
	[sflag:s6] =	ssyncadd.s32 $0xFFFFF380  }
0x75: {  	[hbm4b:s0+s26] =	stream.strided.scatter [tilespmem:s28], [sflag:$0xB], $0xC80, s29, s26, $0x38;
	[tilespmem:$0xD400] =	vst v63  }
0x76: {  	_ =	swait.ge [sflag:s20], $0xC80  }
0x77: {  	[sflag:s20] =	ssyncset.done $0x0  }
0x78: {  	s1 =	simm.s32 $0x310;
	[sflag:s20] =	ssyncadd.s32 $0xFFFFF380  }
0x79: {  	[tilespmem:s7], [sflag:$0x7] =	stream.indirect.gather [hbm4b:s3+s24], $0x40, s1, s24, $0xb8;
	[tilespmem:$0xD400] =	vst v63  }
0x7a: {  	_ =	swait.ge [sflag:s8], $0xC80  }
0x7b: {  	[sflag:s8] =	ssyncset.done $0x0  }
0x7c: {  	s0 =	sadd.s32 $0xA80, s25;
	[sflag:s8] =	ssyncadd.s32 $0xFFFFF380  }
0x7d: {  	[hbm4b:s0+s26] =	stream.strided.scatter [tilespmem:s30], [sflag:$0xC], $0xC80, s29, s26, $0x38;
	[tilespmem:$0xD400] =	vst v63  }
0x7e: {  	_ =	swait.ge [sflag:s21], $0xC80  }
0x7f: {  	[sflag:s21] =	ssyncset.done $0x0  }
0x80: {  	s1 =	simm.s32 $0x348;
	[sflag:s21] =	ssyncadd.s32 $0xFFFFF380  }
0x81: {  	[tilespmem:s9], [sflag:$0x8] =	stream.indirect.gather [hbm4b:s3+s24], $0x40, s1, s24, $0xb8;
	[tilespmem:$0xD400] =	vst v63  }
0x82: {  	_ =	swait.ge [sflag:s10], $0xC80  }
0x83: {  	[sflag:s10] =	ssyncset.done $0x0  }
0x84: {  	s30 =	sadd.s32 $0xE00, s25;
	[sflag:s10] =	ssyncadd.s32 $0xFFFFF380  }
0x85: {  	[hbm4b:s30+s26] =	stream.strided.scatter [tilespmem:s31], [sflag:$0xD], $0xC80, s29, s26, $0x38;
	[tilespmem:$0xD400] =	vst v63  }
0x86: {  	_ =	swait.ge [sflag:s11], $0xC80  }
0x87: {  	[sflag:s11] =	ssyncset.done $0x0  }
0x88: {  	s0 =	simm.s32 $0x380;
	[sflag:s11] =	ssyncadd.s32 $0xFFFFF380  }
0x89: {  	[tilespmem:s22], [sflag:$0x1] =	stream.indirect.gather [hbm4b:s3+s24], $0x40, s0, s24, $0xb8;
	[tilespmem:$0xD400] =	vst v63  }
0x8a: {  	_ =	swait.ge [sflag:s12], $0xC80  }
0x8b: {  	[sflag:s12] =	ssyncset.done $0x0  }
0x8c: {  	s1 =	sadd.s32 $0x1180, s25;
	[sflag:s12] =	ssyncadd.s32 $0xFFFFF380  }
0x8d: {  	[hbm4b:s1+s26] =	stream.strided.scatter [tilespmem:s5], [sflag:$0xE], $0xC80, s29, s26, $0x38;
	[tilespmem:$0xD400] =	vst v63  }
0x8e: {  	_ =	swait.ge [sflag:s13], $0xC80  }
0x8f: {  	[sflag:s13] =	ssyncset.done $0x0  }
0x90: {  	s22 =	simm.s32 $0x3B8;
	[sflag:s13] =	ssyncadd.s32 $0xFFFFF380  }
0x91: {  	[tilespmem:s23], [sflag:$0x2] =	stream.indirect.gather [hbm4b:s3+s24], $0x40, s22, s24, $0xb8;
	[tilespmem:$0xD400] =	vst v63  }
0x92: {  	_ =	swait.ge [sflag:s14], $0xC80  }
0x93: {  	[sflag:s14] =	ssyncset.done $0x0  }
0x94: {  	s23 =	sadd.s32 $0x1500, s25;
	[sflag:s14] =	ssyncadd.s32 $0xFFFFF380  }
0x95: {  	[hbm4b:s23+s26] =	stream.strided.scatter [tilespmem:s7], [sflag:$0xF], $0xC80, s29, s26, $0x38;
	[tilespmem:$0xD400] =	vst v63  }
0x96: {  	_ =	swait.ge [sflag:s15], $0xC80  }
0x97: {  	[sflag:s15] =	ssyncset.done $0x0  }
0x98: {  	s30 =	simm.s32 $0x3F0;
	[sflag:s15] =	ssyncadd.s32 $0xFFFFF380  }
0x99: {  	[tilespmem:s28], [sflag:$0x3] =	stream.indirect.gather [hbm4b:s3+s24], $0x40, s30, s24, $0xb8;
	[tilespmem:$0xD400] =	vst v63  }
0x9a: {  	_ =	swait.ge [sflag:s16], $0xC80  }
0x9b: {  	[sflag:s16] =	ssyncset.done $0x0  }
0x9c: {  	s31 =	sadd.s32 $0x1880, s25;
	[sflag:s16] =	ssyncadd.s32 $0xFFFFF380  }
0x9d: {  	[hbm4b:s31+s26] =	stream.strided.scatter [tilespmem:s9], [sflag:$0x10], $0xC80, s29, s26, $0x38;
	[tilespmem:$0xD400] =	vst v63  }
0x9e: {  	_ =	swait.ge [sflag:s17], $0xC80  }
0x9f: {  	s4 =	sadd.s32 $0x1C00, s25;
	[sflag:s17] =	ssyncset.done $0x0  }
0xa0: {  	s22 =	simm.s32 $0x428;
	s23 =	simm.s32 $0x700;
	[sflag:s17] =	ssyncadd.s32 $0xFFFFF380  }
.LBB2_2:
0xa1: {  	s30 =	simm.s32 $0x9580  }
0xa2: {  	[tilespmem:s30], [sflag:$0x4] =	stream.indirect.gather [hbm4b:s3+s24], $0x40, s22, s24, $0xb8;
	[tilespmem:$0xD400] =	vst v63  }
0xa3: {  	s0 =	simm.s32 $0x1;
	s22 =	smov.u32 s23  }
0xa4: {  	p0 =	sne.s32 s23, $0x1AB00;
	s23 =	sadd.s32 $0x700, s23;
	_ =	swait.ge [sflag:s0], $0xC80  }
0xa5: {  	[sflag:s0] =	ssyncset.done $0x0  }
0xa6: {  	s28 =	simm.s32 $0x7000;
	[sflag:s0] =	ssyncadd.s32 $0xFFFFF380  }
0xa7: {  	[hbm4b:s4+s26] =	stream.strided.scatter [tilespmem:s28], [sflag:$0x9], $0xC80, s29, s26, $0x38;
	[tilespmem:$0xD400] =	vst v63  }
0xa8: {  	_ =	swait.ge [sflag:s18], $0xC80  }
0xa9: {  	s22 =	sshra.s32 s22, $0x2;
	[sflag:s18] =	ssyncset.done $0x0  }
0xaa: {  	s5 =	simm.s32 $0xA200;
	s25 =	sadd.s32 $0x2A0, s22;
	[sflag:s18] =	ssyncadd.s32 $0xFFFFF380  }
0xab: {  	[tilespmem:s5], [sflag:$0x5] =	stream.indirect.gather [hbm4b:s3+s24], $0x40, s25, s24, $0xb8;
	[tilespmem:$0xD400] =	vst v63  }
0xac: {  	_ =	swait.ge [sflag:s2], $0xC80  }
0xad: {  	[sflag:s2] =	ssyncset.done $0x0  }
0xae: {  	s0 =	simm.s32 $0x7C80;
	s25 =	sadd.s32 $0x380, s4;
	[sflag:s2] =	ssyncadd.s32 $0xFFFFF380  }
0xaf: {  	[hbm4b:s25+s26] =	stream.strided.scatter [tilespmem:s0], [sflag:$0xA], $0xC80, s29, s26, $0x38;
	[tilespmem:$0xD400] =	vst v63  }
0xb0: {  	_ =	swait.ge [sflag:s19], $0xC80  }
0xb1: {  	[sflag:s19] =	ssyncset.done $0x0  }
0xb2: {  	s7 =	simm.s32 $0xAE80;
	s25 =	sadd.s32 $0x2D8, s22;
	[sflag:s19] =	ssyncadd.s32 $0xFFFFF380  }
0xb3: {  	[tilespmem:s7], [sflag:$0x6] =	stream.indirect.gather [hbm4b:s3+s24], $0x40, s25, s24, $0xb8;
	[tilespmem:$0xD400] =	vst v63  }
0xb4: {  	_ =	swait.ge [sflag:s6], $0xC80  }
0xb5: {  	[sflag:s6] =	ssyncset.done $0x0  }
0xb6: {  	s31 =	simm.s32 $0x8900;
	s25 =	sadd.s32 $0x700, s4;
	[sflag:s6] =	ssyncadd.s32 $0xFFFFF380  }
0xb7: {  	[hbm4b:s25+s26] =	stream.strided.scatter [tilespmem:s31], [sflag:$0xB], $0xC80, s29, s26, $0x38;
	[tilespmem:$0xD400] =	vst v63  }
0xb8: {  	_ =	swait.ge [sflag:s20], $0xC80  }
0xb9: {  	[sflag:s20] =	ssyncset.done $0x0  }
0xba: {  	s9 =	simm.s32 $0xBB00;
	s25 =	sadd.s32 $0x310, s22;
	[sflag:s20] =	ssyncadd.s32 $0xFFFFF380  }
0xbb: {  	[tilespmem:s9], [sflag:$0x7] =	stream.indirect.gather [hbm4b:s3+s24], $0x40, s25, s24, $0xb8;
	[tilespmem:$0xD400] =	vst v63  }
0xbc: {  	_ =	swait.ge [sflag:s8], $0xC80  }
0xbd: {  	[sflag:s8] =	ssyncset.done $0x0  }
0xbe: {  	s25 =	sadd.s32 $0xA80, s4;
	[sflag:s8] =	ssyncadd.s32 $0xFFFFF380  }
0xbf: {  	[hbm4b:s25+s26] =	stream.strided.scatter [tilespmem:s30], [sflag:$0xC], $0xC80, s29, s26, $0x38;
	[tilespmem:$0xD400] =	vst v63  }
0xc0: {  	_ =	swait.ge [sflag:s21], $0xC80  }
0xc1: {  	[sflag:s21] =	ssyncset.done $0x0  }
0xc2: {  	s1 =	simm.s32 $0xC780;
	s25 =	sadd.s32 $0x348, s22;
	[sflag:s21] =	ssyncadd.s32 $0xFFFFF380  }
0xc3: {  	[tilespmem:s1], [sflag:$0x8] =	stream.indirect.gather [hbm4b:s3+s24], $0x40, s25, s24, $0xb8;
	[tilespmem:$0xD400] =	vst v63  }
0xc4: {  	_ =	swait.ge [sflag:s10], $0xC80  }
0xc5: {  	[sflag:s10] =	ssyncset.done $0x0  }
0xc6: {  	s25 =	sadd.s32 $0xE00, s4;
	[sflag:s10] =	ssyncadd.s32 $0xFFFFF380  }
0xc7: {  	[hbm4b:s25+s26] =	stream.strided.scatter [tilespmem:s5], [sflag:$0xD], $0xC80, s29, s26, $0x38;
	[tilespmem:$0xD400] =	vst v63  }
0xc8: {  	_ =	swait.ge [sflag:s11], $0xC80  }
0xc9: {  	[sflag:s11] =	ssyncset.done $0x0  }
0xca: {  	s30 =	simm.s32 $0x7000;
	s25 =	sadd.s32 $0x380, s22;
	[sflag:s11] =	ssyncadd.s32 $0xFFFFF380  }
0xcb: {  	[tilespmem:s28], [sflag:$0x1] =	stream.indirect.gather [hbm4b:s3+s24], $0x40, s25, s24, $0xb8;
	[tilespmem:$0xD400] =	vst v63  }
0xcc: {  	_ =	swait.ge [sflag:s12], $0xC80  }
0xcd: {  	[sflag:s12] =	ssyncset.done $0x0  }
0xce: {  	s25 =	sadd.s32 $0x1180, s4;
	[sflag:s12] =	ssyncadd.s32 $0xFFFFF380  }
0xcf: {  	[hbm4b:s25+s26] =	stream.strided.scatter [tilespmem:s7], [sflag:$0xE], $0xC80, s29, s26, $0x38;
	[tilespmem:$0xD400] =	vst v63  }
0xd0: {  	_ =	swait.ge [sflag:s13], $0xC80  }
0xd1: {  	[sflag:s13] =	ssyncset.done $0x0  }
0xd2: {  	s28 =	simm.s32 $0x7C80;
	s25 =	sadd.s32 $0x3B8, s22;
	[sflag:s13] =	ssyncadd.s32 $0xFFFFF380  }
0xd3: {  	[tilespmem:s0], [sflag:$0x2] =	stream.indirect.gather [hbm4b:s3+s24], $0x40, s25, s24, $0xb8;
	[tilespmem:$0xD400] =	vst v63  }
0xd4: {  	_ =	swait.ge [sflag:s14], $0xC80  }
0xd5: {  	[sflag:s14] =	ssyncset.done $0x0  }
0xd6: {  	s25 =	sadd.s32 $0x1500, s4;
	[sflag:s14] =	ssyncadd.s32 $0xFFFFF380  }
0xd7: {  	[hbm4b:s25+s26] =	stream.strided.scatter [tilespmem:s9], [sflag:$0xF], $0xC80, s29, s26, $0x38;
	[tilespmem:$0xD400] =	vst v63  }
0xd8: {  	_ =	swait.ge [sflag:s15], $0xC80  }
0xd9: {  	[sflag:s15] =	ssyncset.done $0x0  }
0xda: {  	s0 =	simm.s32 $0x8900;
	s25 =	sadd.s32 $0x3F0, s22;
	[sflag:s15] =	ssyncadd.s32 $0xFFFFF380  }
0xdb: {  	[tilespmem:s31], [sflag:$0x3] =	stream.indirect.gather [hbm4b:s3+s24], $0x40, s25, s24, $0xb8;
	[tilespmem:$0xD400] =	vst v63  }
0xdc: {  	_ =	swait.ge [sflag:s16], $0xC80  }
0xdd: {  	[sflag:s16] =	ssyncset.done $0x0  }
.Ltmp0:
0xde: {  	s25 =	sadd.s32 $0x1880, s4;
	[sflag:s16] =	ssyncadd.s32 $0xFFFFF380;
	(pc) =	sbr.rel @p0 .LBB2_2-.Ltmp0, $4  }
0xdf: {  	[hbm4b:s25+s26] =	stream.strided.scatter [tilespmem:s1], [sflag:$0x10], $0xC80, s29, s26, $0x38;
	[tilespmem:$0xD400] =	vst v63  }
0xe0: {  	_ =	swait.ge [sflag:s17], $0xC80  }
0xe1: {  	[sflag:s17] =	ssyncset.done $0x0  }
0xe2: {  	s22 =	sadd.s32 $0x428, s22;
	s4 =	sadd.s32 $0x1C00, s4;
	[sflag:s17] =	ssyncadd.s32 $0xFFFFF380  }
0xe3: {  	s23 =	simm.s32 $0x9580;
	s1 =	simm.s32 $0x1  }
0xe4: {  	[tilespmem:s23], [sflag:$0x4] =	stream.indirect.gather [hbm4b:s3+s24], $0x40, s22, s24, $0xb8;
	[tilespmem:$0xD400] =	vst v63  }
0xe5: {  	_ =	swait.ge [sflag:s1], $0xC80  }
0xe6: {  	[sflag:s1] =	ssyncset.done $0x0  }
0xe7: {  	s4 =	rddreg [dreg:$0xc];
	[sflag:s1] =	ssyncadd.s32 $0xFFFFF380  }
0xe8: {  	[hbm4b:s4+s26] =	stream.strided.scatter [tilespmem:s30], [sflag:$0x9], $0xC80, s29, s26, $0x38;
	[tilespmem:$0xD400] =	vst v63  }
0xe9: {  	_ =	swait.ge [sflag:s18], $0xC80  }
0xea: {  	[sflag:s18] =	ssyncset.done $0x0  }
0xeb: {  	s5 =	simm.s32 $0xA200;
	s7 =	simm.s32 $0x6F20;
	[sflag:s18] =	ssyncadd.s32 $0xFFFFF380  }
0xec: {  	[tilespmem:s5], [sflag:$0x5] =	stream.indirect.gather [hbm4b:s3+s24], $0x40, s7, s24, $0xb8;
	[tilespmem:$0xD400] =	vst v63  }
0xed: {  	_ =	swait.ge [sflag:s2], $0xC80  }
0xee: {  	[sflag:s2] =	ssyncset.done $0x0  }
0xef: {  	s9 =	rddreg [dreg:$0xd];
	[sflag:s2] =	ssyncadd.s32 $0xFFFFF380  }
0xf0: {  	[hbm4b:s9+s26] =	stream.strided.scatter [tilespmem:s28], [sflag:$0xA], $0xC80, s29, s26, $0x38;
	[tilespmem:$0xD400] =	vst v63  }
0xf1: {  	_ =	swait.ge [sflag:s19], $0xC80  }
0xf2: {  	[sflag:s19] =	ssyncset.done $0x0  }
0xf3: {  	s22 =	simm.s32 $0x6F58;
	s7 =	simm.s32 $0xAE80;
	[sflag:s19] =	ssyncadd.s32 $0xFFFFF380  }
0xf4: {  	[tilespmem:s7], [sflag:$0x6] =	stream.indirect.gather [hbm4b:s3+s24], $0x40, s22, s24, $0xb8;
	[tilespmem:$0xD400] =	vst v63  }
0xf5: {  	_ =	swait.ge [sflag:s6], $0xC80  }
0xf6: {  	[sflag:s6] =	ssyncset.done $0x0  }
0xf7: {  	s25 =	rddreg [dreg:$0xe];
	[sflag:s6] =	ssyncadd.s32 $0xFFFFF380  }
0xf8: {  	[hbm4b:s25+s26] =	stream.strided.scatter [tilespmem:s0], [sflag:$0xB], $0xC80, s29, s26, $0x38;
	[tilespmem:$0xD400] =	vst v63  }
0xf9: {  	_ =	swait.ge [sflag:s20], $0xC80  }
0xfa: {  	[sflag:s20] =	ssyncset.done $0x0  }
0xfb: {  	s28 =	simm.s32 $0x6F90;
	s0 =	simm.s32 $0xBB00;
	[sflag:s20] =	ssyncadd.s32 $0xFFFFF380  }
0xfc: {  	[tilespmem:s0], [sflag:$0x7] =	stream.indirect.gather [hbm4b:s3+s24], $0x40, s28, s24, $0xb8;
	[tilespmem:$0xD400] =	vst v63  }
0xfd: {  	_ =	swait.ge [sflag:s8], $0xC80  }
0xfe: {  	[sflag:s8] =	ssyncset.done $0x0  }
0xff: {  	s30 =	rddreg [dreg:$0xf];
	[sflag:s8] =	ssyncadd.s32 $0xFFFFF380  }
0x100: {  	[hbm4b:s30+s26] =	stream.strided.scatter [tilespmem:s23], [sflag:$0xC], $0xC80, s29, s26, $0x38;
	[tilespmem:$0xD400] =	vst v63  }
0x101: {  	_ =	swait.ge [sflag:s21], $0xC80  }
0x102: {  	[sflag:s21] =	ssyncset.done $0x0  }
0x103: {  	s31 =	simm.s32 $0xC780;
	s9 =	simm.s32 $0x6FC8;
	[sflag:s21] =	ssyncadd.s32 $0xFFFFF380  }
0x104: {  	[tilespmem:s31], [sflag:$0x8] =	stream.indirect.gather [hbm4b:s3+s24], $0x40, s9, s24, $0xb8;
	[tilespmem:$0xD400] =	vst v63  }
0x105: {  	_ =	swait.ge [sflag:s10], $0xC80  }
0x106: {  	[sflag:s10] =	ssyncset.done $0x0  }
0x107: {  	s22 =	rddreg [dreg:$0x10];
	[sflag:s10] =	ssyncadd.s32 $0xFFFFF380  }
0x108: {  	[hbm4b:s22+s26] =	stream.strided.scatter [tilespmem:s5], [sflag:$0xD], $0xC80, s29, s26, $0x38;
	[tilespmem:$0xD400] =	vst v63  }
0x109: {  	_ =	swait.ge [sflag:s11], $0xC80  }
0x10a: {  	[sflag:s11] =	ssyncset.done $0x0  }
0x10b: {  	[sflag:s11] =	ssyncadd.s32 $0xFFFFF380  }
0x10c: {  	_ =	swait.ge [sflag:s12], $0xC80  }
0x10d: {  	[sflag:s12] =	ssyncset.done $0x0  }
0x10e: {  	s23 =	rddreg [dreg:$0x11];
	[sflag:s12] =	ssyncadd.s32 $0xFFFFF380  }
0x10f: {  	[hbm4b:s23+s26] =	stream.strided.scatter [tilespmem:s7], [sflag:$0xE], $0xC80, s29, s26, $0x38;
	[tilespmem:$0xD400] =	vst v63  }
0x110: {  	_ =	swait.ge [sflag:s13], $0xC80  }
0x111: {  	[sflag:s13] =	ssyncset.done $0x0  }
0x112: {  	[sflag:s13] =	ssyncadd.s32 $0xFFFFF380  }
0x113: {  	_ =	swait.ge [sflag:s14], $0xC80  }
0x114: {  	[sflag:s14] =	ssyncset.done $0x0  }
0x115: {  	s25 =	rddreg [dreg:$0x12];
	[sflag:s14] =	ssyncadd.s32 $0xFFFFF380  }
0x116: {  	[hbm4b:s25+s26] =	stream.strided.scatter [tilespmem:s0], [sflag:$0xF], $0xC80, s29, s26, $0x38;
	[tilespmem:$0xD400] =	vst v63  }
0x117: {  	_ =	swait.ge [sflag:s15], $0xC80  }
0x118: {  	[sflag:s15] =	ssyncset.done $0x0  }
0x119: {  	[sflag:s15] =	ssyncadd.s32 $0xFFFFF380  }
0x11a: {  	_ =	swait.ge [sflag:s16], $0xC80  }
0x11b: {  	[sflag:s16] =	ssyncset.done $0x0  }
0x11c: {  	s28 =	rddreg [dreg:$0x13];
	[sflag:s16] =	ssyncadd.s32 $0xFFFFF380  }
0x11d: {  	[hbm4b:s28+s26] =	stream.strided.scatter [tilespmem:s31], [sflag:$0x10], $0xC80, s29, s26, $0x38;
	[tilespmem:$0xD400] =	vst v63  }
0x11e: {  	_ =	swait.ge [sflag:s17], $0xC80  }
0x11f: {  	[sflag:s17] =	ssyncset.done $0x0  }
0x120: {  	[sflag:s17] =	ssyncadd.s32 $0xFFFFF380  }
0x121: {  	_ =	swait.ge [sflag:s18], $0xC80  }
0x122: {  	[sflag:s18] =	ssyncset.done $0x0  }
0x123: {  	[sflag:s18] =	ssyncadd.s32 $0xFFFFF380  }
0x124: {  	_ =	swait.ge [sflag:s19], $0xC80  }
0x125: {  	[sflag:s19] =	ssyncset.done $0x0  }
0x126: {  	[sflag:s19] =	ssyncadd.s32 $0xFFFFF380  }
0x127: {  	_ =	swait.ge [sflag:s20], $0xC80  }
0x128: {  	[sflag:s20] =	ssyncset.done $0x0  }
0x129: {  	[sflag:s20] =	ssyncadd.s32 $0xFFFFF380  }
0x12a: {  	_ =	swait.ge [sflag:s21], $0xC80  }
0x12b: {  	s30 =	rddreg [dreg:$0x16]  }
0x12c: {  	s31 =	rddreg [dreg:$0x14];
	s0 =	sadd.s32 $0x1, s30  }
0x12d: {  	p0 =	sne.s32 s0, s31  }
.Ltmp1:
0x12e: {  	_ = 	snop;
	(pc) =	sbr.rel @p0 .LBB2_1-.Ltmp1, $3  }
0x12f: {  	_ =	sdelay $0x1  }
0x130: {  	[sflag:s21] =	ssyncset.done $0x0  }
0x131: {  	[sflag:s21] =	ssyncadd.s32 $0xFFFFF380  }
0x132: {  	_ =	sfence.sel $0x180000  }
0x133: {  	[bflag:$0x0] =	sbarrier.arrive $0xFFFF  }
0x134: {  	_ =	strace $0x90000047  }
0x135: {  	s0 =	stileid.u32;
	[bflag:$0x2] =	sbarrier.arrive $0xFFFF  }
0x136: {  	p0 =	sne.s32 s0, $0x0;
	s0 =	rddreg [dreg:$0x2]  }
0x137: {  	s0 =	sadd.s32 @!p0 $0x100000, s0  }
0x138: {  	[sflag:s0] =	ssyncadd.tile.s32 @!p0 $0x1;
	_ =	shalt  }
.Lfunc_end2:
_tile_overlayer_lowered:
.L_overlay_start_2:
0x139: {  	(tag) =	ssettag $0x2  }
0x13a: {  	s0 =	rddreg [dreg:$0x0];
	s2 =	stileid.u32  }
0x13b: {  	s1 =	rddreg [dreg:$0x1];
	p0 =	sne.s32 s2, $0x0  }
0x13c: {  	s3 =	rddreg [dreg:$0x2];
	[bflag:$0x3] =	sbarrier.arrive $0xFFFF;
	s2 =	simm.s32 @!p0 $0x1C11  }
0x13d: {  	[timem:s3], [sflag:s2] =	dma.local @!p0 [hbm:s0], s1  }
0x13e: {  	s0 =	simm.s32 @!p0 $0x11  }
0x13f: {  	_ =	swait.ge @!p0 [sflag:s0], s1  }
0x140: {  	s1 =	ssub.s32 @!p0 $0x0, s1;
	[sflag:s0] =	ssyncset.done @!p0 $0x0  }
0x141: {  	[sflag:s0] =	ssyncadd.s32 @!p0 s1  }
0x142: {  	[bflag:$0x3] =	sbarrier.arrive $0xFFFF  }
0x143: {  	_ =	shalt  }

// kernel: sparse-core-data-format-call.cloned.1.call-start
scs
called_computation_lowered:
.L_overlay_start_0:
0x0: {  	s2 =	sld [smem:$0x3FD9]  }
0x1: {  	s3 =	sld [smem:$0x3FFE];
	_ =	sdelay $0x1  }
0x2: {  	s1 =	srdreg.scid  }
0x3: {  	s0 =	sand.u32 $0x1, s1  }
0x4: {  	s18 =	sshll.u32 s0, $0xA;
	s2 =	sadd.s32 s3, s2  }
0x5: {  	s2 =	sadd.s32 s2, s18  }
0x6: {  	[smem:$0x3FC6] =	sst s2  }
0x7: {  	_ = 	snop  }
0x8: {  	s2 =	sld [smem:$0x3FD0];
	(tm) =	ssettm $0x1  }
0x9: {  	s19 =	sld [smem:$0x3FFB];
	_ =	sdelay $0x3  }
0xa: {  	_ =	strace s19  }
0xb: {  	s3 =	sld [smem:$0x3FFC];
	_ =	sdelay $0x3  }
0xc: {  	_ =	strace s3  }
0xd: {  	s3 =	sld [smem:$0x3FFD];
	_ =	sdelay $0x3  }
0xe: {  	_ =	strace s3  }
0xf: {  	_ =	strace $0x8FFFFFFF  }
0x10: {  	s20 =	sld [smem:$0x3FDB];
	_ =	sdelay $0x1  }
0x11: {  	s4 =	simm.s32 $_scs_section_size  }
0x12: {  	s5 =	simm.s32 $_size__tile_overlayer_lowered;
	s6 =	simm.s32 $_tile_overlayer_lowered  }
0x13: {  	s23 =	simm.s32 $0x1BFF;
	s22 =	sshll.u32 s6, $0x1;
	s3 =	sadd.s32 s4, s20  }
0x14: {  	s7 =	simm.s32 $0x0;
	s21 =	sshll.u32 s5, $0x1;
	s5 =	sadd.s32 s22, s3  }
0x15: {  	[timem:s7], [sflag:s23] =	dma.local [hbm:s5], s21  }
0x16: {  	_ =	swait.ge [sflag:s23], s21  }
0x17: {  	s4 =	ssub.s32 $0x0, s21;
	[sflag:s23] =	ssyncset.done $0x0  }
0x18: {  	[sflag:s23] =	ssyncadd.s32 s4;
	_ =	sdelay $0x1  }
0x19: {  	s24 =	simm.s32 $0x1B8B  }
0x1a: {  	_ =	swait.ge [sflag:s24], $0x1  }
0x1b: {  	[sflag:s24] =	ssyncset.done $0x0  }
0x1c: {  	s26 =	simm.s32 $0x1B8E;
	s25 =	sld [smem:$0x3FFE];
	[sflag:s24] =	ssyncadd.s32 $0xFFFFFFFF  }
0x1d: {  	s27 =	simm.s32 $execute0_lowered;
	[smem:$0x3FD2] =	sst s26  }
0x1e: {  	s5 =	sshll.u32 s27, $0x1;
	_ =	strace $0x80000049;
	[dreg:$0x1] =	wrdreg $0xFFFFFFFF  }
0x1f: {  	s28 =	simm.s32 $_size_execute0_lowered;
	s3 =	sadd.s32 s3, s5;
	[dreg:$0x0] =	wrdreg $0x0  }
0x20: {  	s5 =	sshll.u32 s28, $0x1;
	[dreg:$0x2] =	wrdreg s3  }
0x21: {  	[dreg:$0x3] =	wrdreg s5  }
0x22: {  	[dreg:$0x4] =	wrdreg $0xC0  }
0x23: {  	_ =	task [dreg:s7], $0x5FFFF  }
0x24: {  	[dreg:$0x1] =	wrdreg $0xFFFFFFFF  }
0x25: {  	[dreg:$0x0] =	wrdreg $0x60  }
0x26: {  	[dreg:$0x2] =	wrdreg s25  }
0x27: {  	[dreg:$0x3] =	wrdreg s2  }
0x28: {  	[dreg:$0x4] =	wrdreg $0x9  }
0x29: {  	_ =	task.clear_ibuf [dreg:s7], $0x5FFFF;
	_ =	strace $0x90000049  }
0x2a: {  	s29 =	simm.s32 $0x9;
	_ =	strace $0x8000004B  }
0x2b: {  	_ =	swait.ge [sflag:s29], $0x1  }
0x2c: {  	[sflag:s29] =	ssyncadd.s32 $0xFFFFFFFF  }
0x2d: {  	_ =	strace $0x9000004B  }
0x2e: {  	_ =	sfence  }
0x2f: {  	s30 =	sld [smem:$0x0];
	_ =	sdelay $0x2  }
0x30: {  	s31 =	sshll.u32 s1, $0xD;
	s1 =	sshrl.u32 s1, $0x2  }
0x31: {  	s3 =	sand.u32 $0x4000, s31;
	s1 =	sadd.s32 s1, s30  }
0x32: {  	s0 =	sor.u32 s3, s0;
	s1 =	sshll.u32 s1, $0x11  }
0x33: {  	s0 =	sor.u32 s1, s0  }
0x34: {  	s0 =	sadd.s32 $0x8F2B, s0  }
0x35: {  	[sflag:s0] =	ssyncadd.remote.s32 $0x1  }
0x36: {  	_ =	sfence.sel $0xFFFF  }
0x37: {  	[dreg:$0x0] =	wrdreg $0xFFFFFFFF;
	(pc) =	sbr.abs _section_cstart, $3  }
0x38: {  	[dreg:$0x1] =	wrdreg $0xFFFFFFFF  }
0x39: {  	_ =	task.clear_ibuf [dreg:s7], $0x2FFFF;
	_ =	strace $0x9FFFFFFF  }
0x3a: {  	(tm) =	ssettm $0x7FFFFFFF  }
0x3b: {  	_ =	shalt  }
tec
execute0_lowered:
.L_overlay_start_1:
0x0: {  	(tag) =	ssettag $0x1  }
0x1: {  	s0 =	srdreg.scid  }
0x2: {  	s1 =	sshll.u32 s0, $0x4  }
0x3: {  	s0 =	stileid.u32;
	s1 =	sand.u32 $0x10, s1  }
0x4: {  	s1 =	sor.u32 s0, s1  }
0x5: {  	s6 =	rddreg [dreg:$0x0];
	s4 =	simm.s32 $0x1;
	s2 =	sshll.u32 s1, $0x7  }
0x6: {  	s7 =	simm.s32 $0x2;
	s12 =	simm.s32 $0x0;
	s1 =	ssub.s32 $0x4000, s2  }
0x7: {  	s8 =	simm.s32 $0x20000;
	s13 =	simm.s32 $0x0;
	s3 =	sand.u32 $0xF80, s1  }
0x8: {  	s9 =	simm.s32 $0x0;
	s5 =	sshrl.u32 s1, $0xC;
	p0 =	sne.s32 s3, $0x0  }
.Ltmp0:
0x9: {  	s1 =	rddreg [dreg:$0x2];
	s4 =	simm.s32 @!p0 $0x0;
	(pc) =	sbr.rel .LBB1_1-.Ltmp0, $4  }
0xa: {  	s11 =	simm.s32 $0x0;
	s3 =	rddreg [dreg:$0x1];
	s5 =	sadd.s32 s4, s5  }
0xb: {  	_ =	strace $0x8000004A;
	s4 =	simm.s32 $0x1;
	s5 =	smul.u32 $0x32, s5  }
0xc: {  	s6 =	sadd.s32 $0x7A1A00, s6;
	s10 =	smov.u32 s2;
	[sflag:s4] =	ssyncpa.u1 $0x0  }
0xd: {  	p0 =	por $0x0, $0x0;
	[sflag:s7] =	ssyncpa.u1 $0x0;
	s7 =	sor.u32 $0x1, s5  }
.LBB1_4:
0xe: {  	s16 =	sshll.u32 s13, $0x3;
	s17 =	sand.u32 $0x78, s13  }
0xf: {  	s30 =	sand.u32 $0x1F800, s13;
	s12 =	sshll.u32 s12, $0x11;
	s16 =	sand.u32 $0x3C00, s16  }
0x10: {  	[tilespmem:s15+$0x810 ss:$0x81] =	vst.msk $0xffff, v2;
	s31 =	sand.u32 $0x7, s13;
	s16 =	sor.u32 s17, s16;
	s17 =	sadd.s32 s3, s30  }
0x11: {  	[tilespmem:s15+$0x1020 ss:$0x81] =	vst.msk $0xffff, v0;
	s13 =	sshll.u32 s31, $0x12;
	s12 =	sadd.s32 s12, s17;
	s16 =	sshrl.u32 s16, $0x3  }
0x12: {  	[tilespmem:s15+$0x0 ss:$0x81] =	vst.msk $0xffff, v1;
	s13 =	sor.u32 $0x400, s13;
	s12 =	sadd.s32 s16, s12  }
0x13: {  	[hbm4b:s12+s13] =	stream.strided.scatter [tilespmem:s14], [sflag:$0x2], $0x2000, s8, s13, $0x20;
	[tilespmem:$0x8080] =	vst v63  }
.LBB1_5:
0x14: {  	s14 =	sadd.s32 $0x1, s9  }
0x15: {  	s12 =	sadd.s32 $0x1000, s10;
	s16 =	smov.u32 s10;
	p2 =	sgt.s32 s14, $0x31  }
0x16: {  	s16 =	smov.u32 @p2 s12  }
0x17: {  	s14 =	simm.s32 @p2 $0x0;
	p2 =	sgt.s32 s16, $0x3FFF  }
0x18: {  	s16 =	smov.u32 @p2 s2;
	p2 =	sne.s32 s11, s7  }
.Ltmp1:
0x19: {  	p1 =	slt.u32 s11, $0x2;
	(pc) =	sbr.rel @!p2 .LBB1_6-.Ltmp1, $4  }
0x1a: {  	s15 =	simm.s32 @!p1 $0x2  }
0x1b: {  	s13 =	smov.u32 s10;
	p0 =	por !p0, !p0;
	_ =	swait.ge @!p1 [sflag:s15], $0x2000  }
0x1c: {  	s12 =	smov.u32 s9;
	[sflag:s15] =	ssyncset.done @!p1 $0x0;
	s9 =	smov.u32 s14  }
0x1d: {  	s11 =	sadd.s32 $0x1, s11;
	[sflag:s15] =	ssyncadd.s32 @!p1 $0xFFFFE000;
	s10 =	smov.u32 s16  }
.LBB1_1:
0x1e: {  	p1 =	sge.u32 s11, s5  }
0x1f: {  	s14 =	sand.u32 @!p1 $0x1FFFFFF, s9  }
0x20: {  	s15 =	smulhi.u32 @!p1 $0x4924925, s14;
	_ =	sdelay $0x1  }
0x21: {  	s15 =	smul.u32 @!p1 $0x38, s15  }
0x22: {  	s16 =	sxor.u32 @!p1 $0xFFFFFFFF, s11;
	s17 =	smul.u32 @!p1 $0x380, s10  }
0x23: {  	s31 =	sadd.s32 $0xFFFFFFFF, s11;
	s16 =	sshll.u32 @!p1 s16, $0xD;
	s14 =	ssub.s32 @!p1 s14, s15  }
0x24: {  	s15 =	sand.u32 @!p1 $0x2000, s16;
	s16 =	sadd.s32 @!p1 s6, s17;
	s14 =	sshll.u32 @!p1 s14, $0x4  }
0x25: {  	s17 =	simm.s32 @!p1 $0x1C00;
	s14 =	sadd.s32 @!p1 s14, s16;
	s16 =	simm.s32 @!p1 $0x40  }
0x26: {  	[tilespmem:s15], [sflag:$0x1] =	stream.strided.gather @!p1 [hbm4b:s14+s16], $0x2000, s17, s16, $0x38;
	[tilespmem:$0x8080] =	vst v63  }
0x27: {  	p1 =	sge.u32 s31, s5  }
.Ltmp2:
0x28: {  	_ = 	snop;
	(pc) =	sbr.rel @p1 .LBB1_5-.Ltmp2, $1  }
0x29: {  	_ =	sdelay $0x3  }
0x2a: {  	s14 =	simm.s32 $0x1  }
0x2b: {  	_ =	swait.ge [sflag:s4], $0x2000;
	s14 =	simm.s32 @!p0 $0x0  }
0x2c: {  	[sflag:s4] =	ssyncset.done $0x0;
	s15 =	sshll.u32 s14, $0xD  }
0x2d: {  	[sflag:s4] =	ssyncadd.s32 $0xFFFFE000;
	s18 =	sor.u32 $0x20, s15  }
0x2e: {  	s14 =	smul.u32 $0x8100, s14;
	v3 =	vld [tilespmem:s18+$0x10]  }
0x2f: {  	s30 =	sand.u32 $0x1, s11;
	v2 =	vld [tilespmem:s18+$0xFFFFFFF0]  }
0x30: {  	s15 =	smul.u32 $0x8100, s30;
	s14 =	sshrl.u32 s14, $0x2;
	v0 =	vld [tilespmem:s18+$0x0]  }
0x31: {  	v1 =	vld [tilespmem:s18+$0xFFFFFFE0];
	s16 =	sor.u32 $0x4000, s14  }
0x32: {  	s31 =	sshrl.u32 s15, $0x2;
	s15 =	sadd.s32 $0x0, s16  }
0x33: {  	s17 =	simm.s32 $0x4;
	s18 =	sadd.s32 $0x40, s18;
	s14 =	sor.u32 $0x4000, s31;
	[tilespmem:s15+$0x1830 ss:$0x81] =	vst.msk $0xffff, v3  }
.LBB1_3:
0x34: {  	v3 =	vld [tilespmem:s18+$0x10];
	p1 =	sne.s32 s17, $0x1FC;
	[tilespmem:s15+$0x810 ss:$0x81] =	vst.msk $0xffff, v2;
	s19 =	smov.u32 s17;
	s17 =	sadd.s32 $0x4, s17  }
.Ltmp3:
0x35: {  	v2 =	vld [tilespmem:s18+$0xFFFFFFF0];
	[tilespmem:s15+$0x1020 ss:$0x81] =	vst.msk $0xffff, v0;
	(pc) =	sbr.rel @p1 .LBB1_3-.Ltmp3, $4  }
0x36: {  	v0 =	vld [tilespmem:s18+$0x0];
	[tilespmem:s15+$0x0 ss:$0x81] =	vst.msk $0xffff, v1  }
0x37: {  	s15 =	sshra.s32 s19, $0x2;
	v1 =	vld [tilespmem:s18+$0xFFFFFFE0]  }
0x38: {  	s15 =	sadd.s32 s15, s16  }
0x39: {  	s18 =	sadd.s32 $0x40, s18;
	[tilespmem:s15+$0x1830 ss:$0x81] =	vst.msk $0xffff, v3  }
.Ltmp4:
0x3a: {  	_ = 	snop;
	(pc) =	sbr.rel .LBB1_4-.Ltmp4, $1  }
0x3b: {  	_ =	sdelay $0x3  }
.LBB1_6:
0x3c: {  	_ =	sfence.sel $0x180000  }
0x3d: {  	s2 =	simm.s32 $0x1;
	[bflag:$0x0] =	sbarrier.arrive $0xFFFF  }
0x3e: {  	s31 =	simm.s32 $0x2;
	[sflag:s2] =	ssyncpa.u1 $0x1  }
0x3f: {  	[sflag:s31] =	ssyncpa.u1 $0x1  }
0x40: {  	p0 =	sne.s32 s0, $0x0;
	_ =	strace $0x9000004A  }
0x41: {  	s0 =	sadd.s32 @!p0 $0x100000, s1;
	[bflag:$0x2] =	sbarrier.arrive $0xFFFF  }
0x42: {  	[sflag:s0] =	ssyncadd.tile.s32 @!p0 $0x1;
	_ =	shalt  }
.Lfunc_end1:
_tile_overlayer_lowered:
.L_overlay_start_2:
0x43: {  	(tag) =	ssettag $0x2  }
0x44: {  	s0 =	rddreg [dreg:$0x0];
	s2 =	stileid.u32  }
0x45: {  	s1 =	rddreg [dreg:$0x1];
	p0 =	sne.s32 s2, $0x0  }
0x46: {  	s3 =	rddreg [dreg:$0x2];
	[bflag:$0x3] =	sbarrier.arrive $0xFFFF;
	s2 =	simm.s32 @!p0 $0x1C01  }
0x47: {  	[timem:s3], [sflag:s2] =	dma.local @!p0 [hbm:s0], s1  }
0x48: {  	s0 =	simm.s32 @!p0 $0x1  }
0x49: {  	_ =	swait.ge @!p0 [sflag:s0], s1  }
0x4a: {  	s1 =	ssub.s32 @!p0 $0x0, s1;
	[sflag:s0] =	ssyncset.done @!p0 $0x0  }
0x4b: {  	[sflag:s0] =	ssyncadd.s32 @!p0 s1  }
0x4c: {  	[bflag:$0x3] =	sbarrier.arrive $0xFFFF  }
0x4d: {  	_ =	shalt  }

</sc_bundles>
